<compile_context>
chip_gen: v7x
topology: tpu7x:2x2x1
jax: 0.10.2.dev20260603
libtpu: 0.0.44.dev20260713+nightly
codegen_flags: <defaults>
</compile_context>

<pallas_src>
import functools

import jax
import jax.numpy as jnp
from jax import lax
from jax.experimental import pallas as pl
from jax.experimental.pallas import tpu as pltpu
from jax.experimental.pallas import tpu_sc as plsc

_DIM = 33
_D2 = _DIM * _DIM
_D3 = _DIM * _D2
_H, _W = 1080, 1920
_NPIX = _H * _W
_NWORKER = 32
_PPW = _NPIX // _NWORKER
_CHUNK = 1200
_NCHUNK = _PPW // _CHUNK
_GROUPS = _CHUNK // 16
_LUT_PAD = 108544

@functools.lru_cache(maxsize=1)
def _build_trilerp():
    mesh = plsc.VectorSubcoreMesh(core_axis_name="c", subcore_axis_name="s")
    return functools.partial(
        pl.kernel,
        mesh=mesh,
        compiler_params=pltpu.CompilerParams(needs_layout_passes=False),
        out_type=jax.ShapeDtypeStruct((3 * _NPIX,), jnp.float32),
        scratch_types=[
            pltpu.VMEM((_LUT_PAD,), jnp.float32),
        ] + [pltpu.VMEM((_CHUNK,), jnp.float32) for _ in range(12)] + [
            pltpu.SemaphoreType.DMA,
            pltpu.SemaphoreType.DMA,
            pltpu.SemaphoreType.DMA,
            pltpu.SemaphoreType.DMA,
        ],
    )(_trilerp_body)


def _trilerp_body(lut_hbm, img_hbm, out_hbm, lut_v,
                  ir0, ig0, ib0, ir1, ig1, ib1,
                  or0, og0, ob0, or1, og1, ob1,
                  sin0, sin1, sout0, sout1):
    in_bufs = ((ir0, ig0, ib0), (ir1, ig1, ib1))
    out_bufs = ((or0, og0, ob0), (or1, og1, ob1))
    sem_in = (sin0, sin1)
    sem_out = (sout0, sout1)
    wid = lax.axis_index("s") * 2 + lax.axis_index("c")
    base = wid * _PPW
    pltpu.sync_copy(lut_hbm, lut_v)

    def start_in(j, b):
        off = base + j * _CHUNK
        for c in range(3):
            pltpu.async_copy(img_hbm.at[pl.ds(c * _NPIX + off, _CHUNK)],
                             in_bufs[b][c], sem_in[b])

    def wait_in(b):
        for c in range(3):
            pltpu.make_async_copy(img_hbm.at[pl.ds(0, _CHUNK)],
                                  in_bufs[b][c], sem_in[b]).wait()

    def start_out(j, b):
        off = base + j * _CHUNK
        for c in range(3):
            pltpu.async_copy(out_bufs[b][c],
                             out_hbm.at[pl.ds(c * _NPIX + off, _CHUNK)],
                             sem_out[b])

    def wait_out(b):
        for c in range(3):
            pltpu.make_async_copy(
                out_bufs[b][c],
                out_hbm.at[pl.ds(0, _CHUNK)], sem_out[b]).wait()

    def compute_chunk(in_v, out_v):
        @plsc.parallel_loop(0, _GROUPS, 1, unroll=4)
        def grp(i):
            s = i * 16
            r = in_v[0][pl.ds(s, 16)] * float(_DIM - 1)
            g = in_v[1][pl.ds(s, 16)] * float(_DIM - 1)
            b = in_v[2][pl.ds(s, 16)] * float(_DIM - 1)
            r0 = jnp.clip(r.astype(jnp.int32), 0, _DIM - 2)
            g0 = jnp.clip(g.astype(jnp.int32), 0, _DIM - 2)
            b0 = jnp.clip(b.astype(jnp.int32), 0, _DIM - 2)
            fr = r - r0.astype(jnp.float32)
            fg = g - g0.astype(jnp.float32)
            fb = b - b0.astype(jnp.float32)
            idx = r0 * _D2 + g0 * _DIM + b0
            for c in range(3):
                p = idx + c * _D3
                v000 = plsc.load_gather(lut_v, [p])
                v001 = plsc.load_gather(lut_v, [p + 1])
                v010 = plsc.load_gather(lut_v, [p + _DIM])
                v011 = plsc.load_gather(lut_v, [p + (_DIM + 1)])
                v100 = plsc.load_gather(lut_v, [p + _D2])
                v101 = plsc.load_gather(lut_v, [p + (_D2 + 1)])
                v110 = plsc.load_gather(lut_v, [p + (_D2 + _DIM)])
                v111 = plsc.load_gather(lut_v, [p + (_D2 + _DIM + 1)])
                c00 = v000 + fb * (v001 - v000)
                c01 = v010 + fb * (v011 - v010)
                c10 = v100 + fb * (v101 - v100)
                c11 = v110 + fb * (v111 - v110)
                c0 = c00 + fg * (c01 - c00)
                c1 = c10 + fg * (c11 - c10)
                out_v[c][pl.ds(s, 16)] = c0 + fr * (c1 - c0)

    start_in(0, 0)
    start_in(1, 1)

    def chunk_body(jj, carry):
        for b in range(2):
            j = jj * 2 + b
            wait_in(b)

            @pl.when(jj >= 1)
            def _():
                wait_out(b)

            compute_chunk(in_bufs[b], out_bufs[b])
            start_out(j, b)

            @pl.when(jj < _NCHUNK // 2 - 1)
            def _():
                start_in(j + 2, b)
        return carry

    lax.fori_loop(0, _NCHUNK // 2, chunk_body, 0)
    wait_out(0)
    wait_out(1)


@functools.lru_cache(maxsize=1)
def _consts():
    import numpy as np

    def wmat(in_size, out_size):
        inv_scale = np.float32(1.0) / np.float32(out_size / in_size)
        kernel_scale = max(float(inv_scale), 1.0)
        sample_f = ((np.arange(out_size, dtype=np.float32) + 0.5) * inv_scale
                    - 0.5)
        x = np.abs(sample_f[None, :]
                   - np.arange(in_size, dtype=np.float32)[:, None])
        x = x / np.float32(kernel_scale)
        w = np.maximum(np.float32(0), np.float32(1) - x).astype(np.float32)
        total = w.sum(axis=0, keepdims=True, dtype=np.float32)
        w = np.where(np.abs(total) > 1000.0 * np.finfo(np.float32).eps,
                     w / np.where(total != 0, total, 1), 0).astype(np.float32)
        valid = (sample_f >= -0.5) & (sample_f <= in_size - 0.5)
        return np.where(valid[None, :], w, 0).astype(np.float32)

    Ah = np.ascontiguousarray(wmat(_H, 256).T)
    AwT = wmat(_W, 256)
    sxT = []
    for dx in range(3):
        m = np.zeros((256, 128), np.float32)
        for x in range(128):
            j = 2 * x + dx
            if j < 256:
                m[j, x] = 1.0
        sxT.append(m)
    s2xT = []
    for dx in range(3):
        m = np.zeros((128, 64), np.float32)
        for x in range(64):
            j = 2 * x + dx
            if j < 128:
                m[j, x] = 1.0
        s2xT.append(m)
    m1 = np.ones((384, 1), np.float32)
    for c in range(3):
        m1[c * 128 + 127, 0] = 0.0
    m2 = np.ones((1024, 1), np.float32)
    for c in range(16):
        m2[c * 64 + 63, 0] = 0.0
    return (Ah, AwT, sxT[0], sxT[1], sxT[2], s2xT[0], s2xT[1], s2xT[2],
            m1, m2)


def _lrelu(x):
    return jnp.where(x > 0, x, 0.2 * x)


def _rowsel(M, dy, mask):
    n, L = M.shape
    M3 = M.reshape(n // 2, 2, L)
    even = M3[:, 0, :].reshape(n // 2, L)
    if dy == 0:
        return even
    if dy == 1:
        return M3[:, 1, :].reshape(n // 2, L)
    sh = jnp.concatenate([even[1:], jnp.zeros((1, L), jnp.float32)], axis=0)
    return sh * mask


def _cls_body(img, AwT, Ah, sx0, sx1, sx2, s2x0, s2x1, s2x2, m1, m2,
              W1r, b1c, w2x0, w2x1, w2x2, b2c, Wfc, bfcc, L0, L1, L2,
              out_ref):
    dot = functools.partial(jnp.dot, preferred_element_type=jnp.float32)
    Rs = []
    for c in range(3):
        Bc = dot(img[c * _H:(c + 1) * _H, :], AwT[...])
        Rs.append(dot(Ah[...], Bc))
    Rst = jnp.concatenate(Rs, axis=0)
    sxs = (sx0[...], sx1[...], sx2[...])
    CXs = [dot(Rst, sxs[dx]) for dx in range(3)]
    mask1 = m1[...]
    pieces = []
    for dy in range(3):
        for dx in range(3):
            A = _rowsel(CXs[dx], dy, mask1)
            pieces.append(A.reshape(3, 128 * 128))
    U1 = jnp.concatenate(pieces, axis=0)
    Hm = _lrelu(dot(W1r[...], U1) + b1c[...])
    Hst = Hm.reshape(2048, 128)
    s2xs = (s2x0[...], s2x1[...], s2x2[...])
    w2xs = (w2x0[...], w2x1[...], w2x2[...])
    mask2 = m2[...]
    u2rows = []
    for dy in range(3):
        A2y = _rowsel(Hst, dy, mask2)
        u2rows.append(A2y.reshape(16, 64 * 128))
    U2y = jnp.concatenate(u2rows, axis=0)
    acc = None
    for dx in range(3):
        G = dot(w2xs[dx], U2y)
        Cdx = dot(G.reshape(2048, 128), s2xs[dx])
        acc = Cdx if acc is None else acc + Cdx
    H2 = _lrelu(acc.reshape(32, 64, 64) + b2c[...].reshape(32, 1, 1))
    hm = jnp.mean(H2, axis=(1, 2), keepdims=True).reshape(32, 1)
    pred = dot(Wfc[...], hm) + bfcc[...]
    out_ref[...] = (pred[0:1, 0:1] * L0[...] + pred[1:2, 0:1] * L1[...]
                    + pred[2:3, 0:1] * L2[...])


_cls_call = pl.pallas_call(
    _cls_body,
    out_shape=jax.ShapeDtypeStruct((_LUT_PAD // 128, 128), jnp.float32),
)


def _lut2d(L):
    return jnp.pad(L.reshape(-1), (0, _LUT_PAD - 3 * _D3)).reshape(
        _LUT_PAD // 128, 128)


def kernel(image_input, W1, b1, W2, b2, Wfc, bfc, LUT0, LUT1, LUT2):
    (Ah, AwT, sx0, sx1, sx2, s2x0, s2x1, s2x2, m1, m2) = _consts()
    img2d = image_input.reshape(3 * _H, _W)
    W1r = jnp.transpose(W1, (0, 2, 3, 1)).reshape(16, 27)
    W2t = jnp.transpose(W2, (3, 0, 2, 1))
    w2x = [W2t[dx].reshape(32, 48) for dx in range(3)]
    lut2d = _cls_call(
        img2d, AwT, Ah, sx0, sx1, sx2, s2x0, s2x1, s2x2, m1, m2,
        W1r, b1.reshape(16, 1), w2x[0], w2x[1], w2x[2], b2.reshape(32, 1),
        Wfc, bfc.reshape(3, 1), _lut2d(LUT0), _lut2d(LUT1), _lut2d(LUT2))
    out = _build_trilerp()(lut2d.reshape(_LUT_PAD),
                           image_input.reshape(3 * _NPIX))
    return out.reshape(1, 3, _H, _W)

# --- scband reference (transcript-rebuilt; emitter-appended) ---
"""Pipeline reference for scband-image-adaptive3-dmodel-6416681140996 (READ-ONLY COPY).

The authoritative reference and input builder live on the scoring server;
editing this copy changes nothing except your own understanding.
"""

import jax, jax.numpy as jnp
import numpy as np

DIM = 33

def _conv(x, w, b, stride):
    y = jax.lax.conv_general_dilated(x, w, (stride, stride), 'SAME', dimension_numbers=('NCHW', 'OIHW', 'NCHW'))
    return y + b[None, :, None, None]

def _lrelu(x):
    return jnp.where(x > 0, x, 0.2 * x)

def _classifier(x, W1, b1, W2, b2, Wfc, bfc):
    x = jax.image.resize(x, (x.shape[0], x.shape[1], 256, 256), method='bilinear')
    h = _lrelu(_conv(x, W1, b1, 2))
    h = _lrelu(_conv(h, W2, b2, 2))
    h = jnp.mean(h, axis=(2, 3))
    return h @ Wfc.T + bfc

def _trilinear(lut, img):
    # lut: [3, D, D, D] indexed as [out_channel, r, g, b]; img: [B, 3, H, W] in [0, 1]
    D = lut.shape[1]
    scale = float(D - 1)
    r = img[:, 0] * scale
    g = img[:, 1] * scale
    b = img[:, 2] * scale
    r0 = jnp.clip(jnp.floor(r).astype(jnp.int32), 0, D - 2)
    g0 = jnp.clip(jnp.floor(g).astype(jnp.int32), 0, D - 2)
    b0 = jnp.clip(jnp.floor(b).astype(jnp.int32), 0, D - 2)
    fr = r - r0.astype(img.dtype)
    fg = g - g0.astype(img.dtype)
    fb = b - b0.astype(img.dtype)
    def corner(dr, dg, db):
        return lut[:, r0 + dr, g0 + dg, b0 + db]  # gather -> [3, B, H, W]
    out = (corner(0, 0, 0) * ((1 - fr) * (1 - fg) * (1 - fb))[None]
           + corner(1, 0, 0) * (fr * (1 - fg) * (1 - fb))[None]
           + corner(0, 1, 0) * ((1 - fr) * fg * (1 - fb))[None]
           + corner(0, 0, 1) * ((1 - fr) * (1 - fg) * fb)[None]
           + corner(1, 1, 0) * (fr * fg * (1 - fb))[None]
           + corner(1, 0, 1) * (fr * (1 - fg) * fb)[None]
           + corner(0, 1, 1) * ((1 - fr) * fg * fb)[None]
           + corner(1, 1, 1) * (fr * fg * fb)[None])
    return jnp.transpose(out, (1, 0, 2, 3))

def setup_inputs(seed: int = 0):
    key = jax.random.key(seed)
    ks = jax.random.split(key, 8)
    image_input = jax.random.uniform(ks[0], (1, 3, 1080, 1920), dtype=jnp.float32)
    W1 = jax.random.normal(ks[1], (16, 3, 3, 3), dtype=jnp.float32) * 0.1
    b1 = jnp.zeros((16,), dtype=jnp.float32)
    W2 = jax.random.normal(ks[2], (32, 16, 3, 3), dtype=jnp.float32) * 0.1
    b2 = jnp.zeros((32,), dtype=jnp.float32)
    Wfc = jax.random.normal(ks[3], (3, 32), dtype=jnp.float32) * 0.1
    bfc = jnp.array([1.0, 0.0, 0.0], dtype=jnp.float32)
    steps = jnp.arange(DIM, dtype=jnp.float32) / (DIM - 1)
    ii, jj, kk = jnp.meshgrid(steps, steps, steps, indexing='ij')
    LUT0 = jnp.stack([ii, jj, kk], axis=0)  # identity LUT
    LUT1 = jnp.zeros((3, DIM, DIM, DIM), dtype=jnp.float32)
    LUT2 = jnp.zeros((3, DIM, DIM, DIM), dtype=jnp.float32)
    return {"image_input": image_input, "W1": W1, "b1": b1, "W2": W2, "b2": b2, "Wfc": Wfc, "bfc": bfc, "LUT0": LUT0, "LUT1": LUT1, "LUT2": LUT2}

def reference(image_input, W1, b1, W2, b2, Wfc, bfc, LUT0, LUT1, LUT2):
    pred = jnp.squeeze(_classifier(image_input, W1, b1, W2, b2, Wfc, bfc))  # [3]
    final_lut = pred[0] * LUT0 + pred[1] * LUT1 + pred[2] * LUT2
    return _trilinear(final_lut, image_input)

if __name__ == "__main__":
    import jax
    _d = setup_inputs()
    print(jax.jit(kernel)(*tuple(_d.values())))

</pallas_src>

<mosaic_0001>
#map = affine_map<(d0, d1) -> (0)>
module attributes {stable_mosaic.version = 14 : i64} {
  func.func @_trilerp_body(%arg0: i32, %arg1: i32, %arg2: memref<108544xf32, #tpu.memory_space<hbm>>, %arg3: memref<6220800xf32, #tpu.memory_space<hbm>>, %arg4: memref<6220800xf32, #tpu.memory_space<hbm>>, %arg5: memref<108544xf32, #tpu.memory_space<vmem>>, %arg6: memref<1200xf32, #tpu.memory_space<vmem>>, %arg7: memref<1200xf32, #tpu.memory_space<vmem>>, %arg8: memref<1200xf32, #tpu.memory_space<vmem>>, %arg9: memref<1200xf32, #tpu.memory_space<vmem>>, %arg10: memref<1200xf32, #tpu.memory_space<vmem>>, %arg11: memref<1200xf32, #tpu.memory_space<vmem>>, %arg12: memref<1200xf32, #tpu.memory_space<vmem>>, %arg13: memref<1200xf32, #tpu.memory_space<vmem>>, %arg14: memref<1200xf32, #tpu.memory_space<vmem>>, %arg15: memref<1200xf32, #tpu.memory_space<vmem>>, %arg16: memref<1200xf32, #tpu.memory_space<vmem>>, %arg17: memref<1200xf32, #tpu.memory_space<vmem>>, %arg18: memref<!tpu.dma_semaphore, #tpu.memory_space<semaphore_mem>>, %arg19: memref<!tpu.dma_semaphore, #tpu.memory_space<semaphore_mem>>, %arg20: memref<!tpu.dma_semaphore, #tpu.memory_space<semaphore_mem>>, %arg21: memref<!tpu.dma_semaphore, #tpu.memory_space<semaphore_mem>>) attributes {dimension_semantics = [#tpu.dimension_semantics<core_parallel>, #tpu.dimension_semantics<subcore_parallel>], iteration_bounds = array<i64: 2, 16>, scalar_prefetch = 0 : i64, scratch_operands = 17 : i64, tpu.core_type = #tpu.core_type<sc_vector_subcore>, window_params = [{transform_indices = #map}, {transform_indices = #map}, {transform_indices = #map}]} {
    %mul3A = arith.constant 2 : i32
    %mul3A_0 = arith.muli %arg1, %mul3A : i32
    %add3A = arith.addi %mul3A_0, %arg0 : i32
    %mul3A_1 = arith.constant 64800 : i32
    %mul3A_2 = arith.muli %add3A, %mul3A_1 : i32
    "tpu.region"() ({
      %run_scoped3A = tpu.sem_alloc : memref<!tpu.dma_semaphore, #tpu.memory_space<semaphore_mem>>
      tpu.enqueue_dma source(%arg2 : memref<108544xf32, #tpu.memory_space<hbm>>) target(%arg5 : memref<108544xf32, #tpu.memory_space<vmem>>) target_semaphore(%run_scoped3A : memref<!tpu.dma_semaphore, #tpu.memory_space<semaphore_mem>>)
      tpu.wait_dma2 semaphore(%run_scoped3A : memref<!tpu.dma_semaphore, #tpu.memory_space<semaphore_mem>>) src(%arg2 : memref<108544xf32, #tpu.memory_space<hbm>>) dst(%arg5 : memref<108544xf32, #tpu.memory_space<vmem>>)
      tpu.yield
    }) : () -> ()
    %add3A_3 = arith.constant 0 : i32
    %add3A_4 = arith.addi %mul3A_2, %add3A_3 : i32
    %add3A_5 = arith.constant 0 : i32
    %add3A_6 = arith.addi %add3A_5, %add3A_4 : i32
    %dma_start3A = tpu.memref_slice %arg3[%add3A_6] : memref<6220800xf32, #tpu.memory_space<hbm>> -> memref<1200xf32, #tpu.memory_space<hbm>>
    %dma_start3A_7 = tpu.memref_slice %arg3[%add3A_6] : memref<6220800xf32, #tpu.memory_space<hbm>> -> memref<1200xf32, #tpu.memory_space<hbm>>
    tpu.enqueue_dma source(%dma_start3A_7 : memref<1200xf32, #tpu.memory_space<hbm>>) target(%arg6 : memref<1200xf32, #tpu.memory_space<vmem>>) target_semaphore(%arg18 : memref<!tpu.dma_semaphore, #tpu.memory_space<semaphore_mem>>)
    %add3A_8 = arith.constant 2073600 : i32
    %add3A_9 = arith.addi %add3A_8, %add3A_4 : i32
    %dma_start3A_10 = tpu.memref_slice %arg3[%add3A_9] : memref<6220800xf32, #tpu.memory_space<hbm>> -> memref<1200xf32, #tpu.memory_space<hbm>>
    %dma_start3A_11 = tpu.memref_slice %arg3[%add3A_9] : memref<6220800xf32, #tpu.memory_space<hbm>> -> memref<1200xf32, #tpu.memory_space<hbm>>
    tpu.enqueue_dma source(%dma_start3A_11 : memref<1200xf32, #tpu.memory_space<hbm>>) target(%arg7 : memref<1200xf32, #tpu.memory_space<vmem>>) target_semaphore(%arg18 : memref<!tpu.dma_semaphore, #tpu.memory_space<semaphore_mem>>)
    %add3A_12 = arith.constant 4147200 : i32
    %add3A_13 = arith.addi %add3A_12, %add3A_4 : i32
    %dma_start3A_14 = tpu.memref_slice %arg3[%add3A_13] : memref<6220800xf32, #tpu.memory_space<hbm>> -> memref<1200xf32, #tpu.memory_space<hbm>>
    %dma_start3A_15 = tpu.memref_slice %arg3[%add3A_13] : memref<6220800xf32, #tpu.memory_space<hbm>> -> memref<1200xf32, #tpu.memory_space<hbm>>
    tpu.enqueue_dma source(%dma_start3A_15 : memref<1200xf32, #tpu.memory_space<hbm>>) target(%arg8 : memref<1200xf32, #tpu.memory_space<vmem>>) target_semaphore(%arg18 : memref<!tpu.dma_semaphore, #tpu.memory_space<semaphore_mem>>)
    %add3A_16 = arith.constant 1200 : i32
    %add3A_17 = arith.addi %mul3A_2, %add3A_16 : i32
    %add3A_18 = arith.constant 0 : i32
    %add3A_19 = arith.addi %add3A_18, %add3A_17 : i32
    %dma_start3A_20 = tpu.memref_slice %arg3[%add3A_19] : memref<6220800xf32, #tpu.memory_space<hbm>> -> memref<1200xf32, #tpu.memory_space<hbm>>
    %dma_start3A_21 = tpu.memref_slice %arg3[%add3A_19] : memref<6220800xf32, #tpu.memory_space<hbm>> -> memref<1200xf32, #tpu.memory_space<hbm>>
    tpu.enqueue_dma source(%dma_start3A_21 : memref<1200xf32, #tpu.memory_space<hbm>>) target(%arg9 : memref<1200xf32, #tpu.memory_space<vmem>>) target_semaphore(%arg19 : memref<!tpu.dma_semaphore, #tpu.memory_space<semaphore_mem>>)
    %add3A_22 = arith.constant 2073600 : i32
    %add3A_23 = arith.addi %add3A_22, %add3A_17 : i32
    %dma_start3A_24 = tpu.memref_slice %arg3[%add3A_23] : memref<6220800xf32, #tpu.memory_space<hbm>> -> memref<1200xf32, #tpu.memory_space<hbm>>
    %dma_start3A_25 = tpu.memref_slice %arg3[%add3A_23] : memref<6220800xf32, #tpu.memory_space<hbm>> -> memref<1200xf32, #tpu.memory_space<hbm>>
    tpu.enqueue_dma source(%dma_start3A_25 : memref<1200xf32, #tpu.memory_space<hbm>>) target(%arg10 : memref<1200xf32, #tpu.memory_space<vmem>>) target_semaphore(%arg19 : memref<!tpu.dma_semaphore, #tpu.memory_space<semaphore_mem>>)
    %add3A_26 = arith.constant 4147200 : i32
    %add3A_27 = arith.addi %add3A_26, %add3A_17 : i32
    %dma_start3A_28 = tpu.memref_slice %arg3[%add3A_27] : memref<6220800xf32, #tpu.memory_space<hbm>> -> memref<1200xf32, #tpu.memory_space<hbm>>
    %dma_start3A_29 = tpu.memref_slice %arg3[%add3A_27] : memref<6220800xf32, #tpu.memory_space<hbm>> -> memref<1200xf32, #tpu.memory_space<hbm>>
    tpu.enqueue_dma source(%dma_start3A_29 : memref<1200xf32, #tpu.memory_space<hbm>>) target(%arg11 : memref<1200xf32, #tpu.memory_space<vmem>>) target_semaphore(%arg19 : memref<!tpu.dma_semaphore, #tpu.memory_space<semaphore_mem>>)
    %scan3A = arith.constant 0 : i32
    %scan3A_30 = arith.constant 0 : i32
    %scan3A_31 = arith.constant 27 : i32
    %scan3A_32 = arith.addi %scan3A_30, %scan3A_31 : i32
    %scan3A_33 = arith.constant 1 : i32
    scf.for %scan3A_58 = %scan3A_30 to %scan3A_32 step %scan3A_33  : i32 {
      %mul3A_59 = arith.constant 2 : i32
      %mul3A_60 = arith.muli %scan3A_58, %mul3A_59 : i32
      %add3A_61 = arith.constant 0 : i32
      %add3A_62 = arith.addi %mul3A_60, %add3A_61 : i32
      %dma_wait3A_63 = arith.constant 0 : i32
      %dma_wait3A_64 = tpu.memref_slice %arg3[%dma_wait3A_63] : memref<6220800xf32, #tpu.memory_space<hbm>> -> memref<1200xf32, #tpu.memory_space<hbm>>
      %dma_wait3A_65 = arith.constant 0 : i32
      %dma_wait3A_66 = tpu.memref_slice %arg3[%dma_wait3A_65] : memref<6220800xf32, #tpu.memory_space<hbm>> -> memref<1200xf32, #tpu.memory_space<hbm>>
      tpu.wait_dma2 semaphore(%arg18 : memref<!tpu.dma_semaphore, #tpu.memory_space<semaphore_mem>>) src(%dma_wait3A_66 : memref<1200xf32, #tpu.memory_space<hbm>>) dst(%arg6 : memref<1200xf32, #tpu.memory_space<vmem>>)
      %dma_wait3A_67 = arith.constant 0 : i32
      %dma_wait3A_68 = tpu.memref_slice %arg3[%dma_wait3A_67] : memref<6220800xf32, #tpu.memory_space<hbm>> -> memref<1200xf32, #tpu.memory_space<hbm>>
      %dma_wait3A_69 = arith.constant 0 : i32
      %dma_wait3A_70 = tpu.memref_slice %arg3[%dma_wait3A_69] : memref<6220800xf32, #tpu.memory_space<hbm>> -> memref<1200xf32, #tpu.memory_space<hbm>>
      tpu.wait_dma2 semaphore(%arg18 : memref<!tpu.dma_semaphore, #tpu.memory_space<semaphore_mem>>) src(%dma_wait3A_70 : memref<1200xf32, #tpu.memory_space<hbm>>) dst(%arg7 : memref<1200xf32, #tpu.memory_space<vmem>>)
      %dma_wait3A_71 = arith.constant 0 : i32
      %dma_wait3A_72 = tpu.memref_slice %arg3[%dma_wait3A_71] : memref<6220800xf32, #tpu.memory_space<hbm>> -> memref<1200xf32, #tpu.memory_space<hbm>>
      %dma_wait3A_73 = arith.constant 0 : i32
      %dma_wait3A_74 = tpu.memref_slice %arg3[%dma_wait3A_73] : memref<6220800xf32, #tpu.memory_space<hbm>> -> memref<1200xf32, #tpu.memory_space<hbm>>
      tpu.wait_dma2 semaphore(%arg18 : memref<!tpu.dma_semaphore, #tpu.memory_space<semaphore_mem>>) src(%dma_wait3A_74 : memref<1200xf32, #tpu.memory_space<hbm>>) dst(%arg8 : memref<1200xf32, #tpu.memory_space<vmem>>)
      %ge3A = arith.constant 1 : i32
      %ge3A_75 = arith.cmpi sge, %scan3A_58, %ge3A : i32
      %convert_element_type3A = arith.extui %ge3A_75 : i1 to i32
      %cond3A = arith.constant 0 : i32
      %cond3A_76 = arith.cmpi ne, %convert_element_type3A, %cond3A : i32
      scf.if %cond3A_76 {
        %dma_wait3A_142 = arith.constant 0 : i32
        %dma_wait3A_143 = tpu.memref_slice %arg4[%dma_wait3A_142] : memref<6220800xf32, #tpu.memory_space<hbm>> -> memref<1200xf32, #tpu.memory_space<hbm>>
        %dma_wait3A_144 = arith.constant 0 : i32
        %dma_wait3A_145 = tpu.memref_slice %arg4[%dma_wait3A_144] : memref<6220800xf32, #tpu.memory_space<hbm>> -> memref<1200xf32, #tpu.memory_space<hbm>>
        tpu.wait_dma2 semaphore(%arg20 : memref<!tpu.dma_semaphore, #tpu.memory_space<semaphore_mem>>) src(%arg12 : memref<1200xf32, #tpu.memory_space<vmem>>) dst(%dma_wait3A_145 : memref<1200xf32, #tpu.memory_space<hbm>>)
        %dma_wait3A_146 = arith.constant 0 : i32
        %dma_wait3A_147 = tpu.memref_slice %arg4[%dma_wait3A_146] : memref<6220800xf32, #tpu.memory_space<hbm>> -> memref<1200xf32, #tpu.memory_space<hbm>>
        %dma_wait3A_148 = arith.constant 0 : i32
        %dma_wait3A_149 = tpu.memref_slice %arg4[%dma_wait3A_148] : memref<6220800xf32, #tpu.memory_space<hbm>> -> memref<1200xf32, #tpu.memory_space<hbm>>
        tpu.wait_dma2 semaphore(%arg20 : memref<!tpu.dma_semaphore, #tpu.memory_space<semaphore_mem>>) src(%arg13 : memref<1200xf32, #tpu.memory_space<vmem>>) dst(%dma_wait3A_149 : memref<1200xf32, #tpu.memory_space<hbm>>)
        %dma_wait3A_150 = arith.constant 0 : i32
        %dma_wait3A_151 = tpu.memref_slice %arg4[%dma_wait3A_150] : memref<6220800xf32, #tpu.memory_space<hbm>> -> memref<1200xf32, #tpu.memory_space<hbm>>
        %dma_wait3A_152 = arith.constant 0 : i32
        %dma_wait3A_153 = tpu.memref_slice %arg4[%dma_wait3A_152] : memref<6220800xf32, #tpu.memory_space<hbm>> -> memref<1200xf32, #tpu.memory_space<hbm>>
        tpu.wait_dma2 semaphore(%arg20 : memref<!tpu.dma_semaphore, #tpu.memory_space<semaphore_mem>>) src(%arg14 : memref<1200xf32, #tpu.memory_space<vmem>>) dst(%dma_wait3A_153 : memref<1200xf32, #tpu.memory_space<hbm>>)
      } else {
      }
      %parallel_loop3A = arith.constant 0 : i32
      %parallel_loop3A_77 = arith.constant 75 : i32
      %parallel_loop3A_78 = arith.constant 1 : i32
      scf.for %parallel_loop3A_142 = %parallel_loop3A to %parallel_loop3A_77 step %parallel_loop3A_78  : i32 {
        %parallel_loop3A_143 = arith.constant 16 : i32
        %parallel_loop3A_144 = arith.muli %parallel_loop3A_142, %parallel_loop3A_143 : i32
        %parallel_loop3A_145 = arith.index_cast %parallel_loop3A_144 : i32 to index
        %parallel_loop3A_146 = tpu.vector_load %arg6[%parallel_loop3A_145] {strides = array<i32>} : memref<1200xf32, #tpu.memory_space<vmem>>, vector<16xf32>,
        %parallel_loop3A_147 = arith.constant 3.200000e+01 : f32
        %parallel_loop3A_148 = vector.broadcast %parallel_loop3A_147 : f32 to vector<16xf32>
        %parallel_loop3A_149 = arith.mulf %parallel_loop3A_146, %parallel_loop3A_148 : vector<16xf32>
        %parallel_loop3A_150 = arith.index_cast %parallel_loop3A_144 : i32 to index
        %parallel_loop3A_151 = tpu.vector_load %arg7[%parallel_loop3A_150] {strides = array<i32>} : memref<1200xf32, #tpu.memory_space<vmem>>, vector<16xf32>,
        %parallel_loop3A_152 = arith.constant 3.200000e+01 : f32
        %parallel_loop3A_153 = vector.broadcast %parallel_loop3A_152 : f32 to vector<16xf32>
        %parallel_loop3A_154 = arith.mulf %parallel_loop3A_151, %parallel_loop3A_153 : vector<16xf32>
        %parallel_loop3A_155 = arith.index_cast %parallel_loop3A_144 : i32 to index
        %parallel_loop3A_156 = tpu.vector_load %arg8[%parallel_loop3A_155] {strides = array<i32>} : memref<1200xf32, #tpu.memory_space<vmem>>, vector<16xf32>,
        %parallel_loop3A_157 = arith.constant 3.200000e+01 : f32
        %parallel_loop3A_158 = vector.broadcast %parallel_loop3A_157 : f32 to vector<16xf32>
        %parallel_loop3A_159 = arith.mulf %parallel_loop3A_156, %parallel_loop3A_158 : vector<16xf32>
        %parallel_loop3A_160 = arith.fptosi %parallel_loop3A_149 : vector<16xf32> to vector<16xi32>
        %parallel_loop3A_161 = arith.constant 0 : i32
        %parallel_loop3A_162 = arith.constant 31 : i32
        %parallel_loop3A_163 = vector.broadcast %parallel_loop3A_161 : i32 to vector<16xi32>
        %parallel_loop3A_164 = arith.maxsi %parallel_loop3A_163, %parallel_loop3A_160 : vector<16xi32>
        %parallel_loop3A_165 = vector.broadcast %parallel_loop3A_162 : i32 to vector<16xi32>
        %parallel_loop3A_166 = arith.minsi %parallel_loop3A_165, %parallel_loop3A_164 : vector<16xi32>
        %parallel_loop3A_167 = arith.fptosi %parallel_loop3A_154 : vector<16xf32> to vector<16xi32>
        %parallel_loop3A_168 = arith.constant 0 : i32
        %parallel_loop3A_169 = arith.constant 31 : i32
        %parallel_loop3A_170 = vector.broadcast %parallel_loop3A_168 : i32 to vector<16xi32>
        %parallel_loop3A_171 = arith.maxsi %parallel_loop3A_170, %parallel_loop3A_167 : vector<16xi32>
        %parallel_loop3A_172 = vector.broadcast %parallel_loop3A_169 : i32 to vector<16xi32>
        %parallel_loop3A_173 = arith.minsi %parallel_loop3A_172, %parallel_loop3A_171 : vector<16xi32>
        %parallel_loop3A_174 = arith.fptosi %parallel_loop3A_159 : vector<16xf32> to vector<16xi32>
        %parallel_loop3A_175 = arith.constant 0 : i32
        %parallel_loop3A_176 = arith.constant 31 : i32
        %parallel_loop3A_177 = vector.broadcast %parallel_loop3A_175 : i32 to vector<16xi32>
        %parallel_loop3A_178 = arith.maxsi %parallel_loop3A_177, %parallel_loop3A_174 : vector<16xi32>
        %parallel_loop3A_179 = vector.broadcast %parallel_loop3A_176 : i32 to vector<16xi32>
        %parallel_loop3A_180 = arith.minsi %parallel_loop3A_179, %parallel_loop3A_178 : vector<16xi32>
        %parallel_loop3A_181 = arith.sitofp %parallel_loop3A_166 : vector<16xi32> to vector<16xf32>
        %parallel_loop3A_182 = arith.subf %parallel_loop3A_149, %parallel_loop3A_181 : vector<16xf32>
        %parallel_loop3A_183 = arith.sitofp %parallel_loop3A_173 : vector<16xi32> to vector<16xf32>
        %parallel_loop3A_184 = arith.subf %parallel_loop3A_154, %parallel_loop3A_183 : vector<16xf32>
        %parallel_loop3A_185 = arith.sitofp %parallel_loop3A_180 : vector<16xi32> to vector<16xf32>
        %parallel_loop3A_186 = arith.subf %parallel_loop3A_159, %parallel_loop3A_185 : vector<16xf32>
        %parallel_loop3A_187 = arith.constant 1089 : i32
        %parallel_loop3A_188 = vector.broadcast %parallel_loop3A_187 : i32 to vector<16xi32>
        %parallel_loop3A_189 = arith.muli %parallel_loop3A_166, %parallel_loop3A_188 : vector<16xi32>
        %parallel_loop3A_190 = arith.constant 33 : i32
        %parallel_loop3A_191 = vector.broadcast %parallel_loop3A_190 : i32 to vector<16xi32>
        %parallel_loop3A_192 = arith.muli %parallel_loop3A_173, %parallel_loop3A_191 : vector<16xi32>
        %parallel_loop3A_193 = arith.addi %parallel_loop3A_189, %parallel_loop3A_192 : vector<16xi32>
        %parallel_loop3A_194 = arith.addi %parallel_loop3A_193, %parallel_loop3A_180 : vector<16xi32>
        %parallel_loop3A_195 = arith.constant 0 : i32
        %parallel_loop3A_196 = vector.broadcast %parallel_loop3A_195 : i32 to vector<16xi32>
        %parallel_loop3A_197 = arith.addi %parallel_loop3A_194, %parallel_loop3A_196 : vector<16xi32>
        %parallel_loop3A_198 = tpu.vector_load_idx %arg5[%parallel_loop3A_197] : memref<108544xf32, #tpu.memory_space<vmem>>[vector<16xi32>], vector<16xf32>,
        %parallel_loop3A_199 = arith.constant 1 : i32
        %parallel_loop3A_200 = vector.broadcast %parallel_loop3A_199 : i32 to vector<16xi32>
        %parallel_loop3A_201 = arith.addi %parallel_loop3A_197, %parallel_loop3A_200 : vector<16xi32>
        %parallel_loop3A_202 = tpu.vector_load_idx %arg5[%parallel_loop3A_201] : memref<108544xf32, #tpu.memory_space<vmem>>[vector<16xi32>], vector<16xf32>,
        %parallel_loop3A_203 = arith.constant 33 : i32
        %parallel_loop3A_204 = vector.broadcast %parallel_loop3A_203 : i32 to vector<16xi32>
        %parallel_loop3A_205 = arith.addi %parallel_loop3A_197, %parallel_loop3A_204 : vector<16xi32>
        %parallel_loop3A_206 = tpu.vector_load_idx %arg5[%parallel_loop3A_205] : memref<108544xf32, #tpu.memory_space<vmem>>[vector<16xi32>], vector<16xf32>,
        %parallel_loop3A_207 = arith.constant 34 : i32
        %parallel_loop3A_208 = vector.broadcast %parallel_loop3A_207 : i32 to vector<16xi32>
        %parallel_loop3A_209 = arith.addi %parallel_loop3A_197, %parallel_loop3A_208 : vector<16xi32>
        %parallel_loop3A_210 = tpu.vector_load_idx %arg5[%parallel_loop3A_209] : memref<108544xf32, #tpu.memory_space<vmem>>[vector<16xi32>], vector<16xf32>,
        %parallel_loop3A_211 = arith.constant 1089 : i32
        %parallel_loop3A_212 = vector.broadcast %parallel_loop3A_211 : i32 to vector<16xi32>
        %parallel_loop3A_213 = arith.addi %parallel_loop3A_197, %parallel_loop3A_212 : vector<16xi32>
        %parallel_loop3A_214 = tpu.vector_load_idx %arg5[%parallel_loop3A_213] : memref<108544xf32, #tpu.memory_space<vmem>>[vector<16xi32>], vector<16xf32>,
        %parallel_loop3A_215 = arith.constant 1090 : i32
        %parallel_loop3A_216 = vector.broadcast %parallel_loop3A_215 : i32 to vector<16xi32>
        %parallel_loop3A_217 = arith.addi %parallel_loop3A_197, %parallel_loop3A_216 : vector<16xi32>
        %parallel_loop3A_218 = tpu.vector_load_idx %arg5[%parallel_loop3A_217] : memref<108544xf32, #tpu.memory_space<vmem>>[vector<16xi32>], vector<16xf32>,
        %parallel_loop3A_219 = arith.constant 1122 : i32
        %parallel_loop3A_220 = vector.broadcast %parallel_loop3A_219 : i32 to vector<16xi32>
        %parallel_loop3A_221 = arith.addi %parallel_loop3A_197, %parallel_loop3A_220 : vector<16xi32>
        %parallel_loop3A_222 = tpu.vector_load_idx %arg5[%parallel_loop3A_221] : memref<108544xf32, #tpu.memory_space<vmem>>[vector<16xi32>], vector<16xf32>,
        %parallel_loop3A_223 = arith.constant 1123 : i32
        %parallel_loop3A_224 = vector.broadcast %parallel_loop3A_223 : i32 to vector<16xi32>
        %parallel_loop3A_225 = arith.addi %parallel_loop3A_197, %parallel_loop3A_224 : vector<16xi32>
        %parallel_loop3A_226 = tpu.vector_load_idx %arg5[%parallel_loop3A_225] : memref<108544xf32, #tpu.memory_space<vmem>>[vector<16xi32>], vector<16xf32>,
        %parallel_loop3A_227 = arith.subf %parallel_loop3A_202, %parallel_loop3A_198 : vector<16xf32>
        %parallel_loop3A_228 = arith.mulf %parallel_loop3A_186, %parallel_loop3A_227 : vector<16xf32>
        %parallel_loop3A_229 = arith.addf %parallel_loop3A_198, %parallel_loop3A_228 : vector<16xf32>
        %parallel_loop3A_230 = arith.subf %parallel_loop3A_210, %parallel_loop3A_206 : vector<16xf32>
        %parallel_loop3A_231 = arith.mulf %parallel_loop3A_186, %parallel_loop3A_230 : vector<16xf32>
        %parallel_loop3A_232 = arith.addf %parallel_loop3A_206, %parallel_loop3A_231 : vector<16xf32>
        %parallel_loop3A_233 = arith.subf %parallel_loop3A_218, %parallel_loop3A_214 : vector<16xf32>
        %parallel_loop3A_234 = arith.mulf %parallel_loop3A_186, %parallel_loop3A_233 : vector<16xf32>
        %parallel_loop3A_235 = arith.addf %parallel_loop3A_214, %parallel_loop3A_234 : vector<16xf32>
        %parallel_loop3A_236 = arith.subf %parallel_loop3A_226, %parallel_loop3A_222 : vector<16xf32>
        %parallel_loop3A_237 = arith.mulf %parallel_loop3A_186, %parallel_loop3A_236 : vector<16xf32>
        %parallel_loop3A_238 = arith.addf %parallel_loop3A_222, %parallel_loop3A_237 : vector<16xf32>
        %parallel_loop3A_239 = arith.subf %parallel_loop3A_232, %parallel_loop3A_229 : vector<16xf32>
        %parallel_loop3A_240 = arith.mulf %parallel_loop3A_184, %parallel_loop3A_239 : vector<16xf32>
        %parallel_loop3A_241 = arith.addf %parallel_loop3A_229, %parallel_loop3A_240 : vector<16xf32>
        %parallel_loop3A_242 = arith.subf %parallel_loop3A_238, %parallel_loop3A_235 : vector<16xf32>
        %parallel_loop3A_243 = arith.mulf %parallel_loop3A_184, %parallel_loop3A_242 : vector<16xf32>
        %parallel_loop3A_244 = arith.addf %parallel_loop3A_235, %parallel_loop3A_243 : vector<16xf32>
        %parallel_loop3A_245 = arith.subf %parallel_loop3A_244, %parallel_loop3A_241 : vector<16xf32>
        %parallel_loop3A_246 = arith.mulf %parallel_loop3A_182, %parallel_loop3A_245 : vector<16xf32>
        %parallel_loop3A_247 = arith.addf %parallel_loop3A_241, %parallel_loop3A_246 : vector<16xf32>
        %parallel_loop3A_248 = arith.index_cast %parallel_loop3A_144 : i32 to index
        %parallel_loop3A_249 = tpu.vector_load %arg12[%parallel_loop3A_248] {strides = array<i32>} : memref<1200xf32, #tpu.memory_space<vmem>>, vector<16xf32>,
        tpu.vector_store %arg12[%parallel_loop3A_248], %parallel_loop3A_247 {strides = array<i32>} : memref<1200xf32, #tpu.memory_space<vmem>>, vector<16xf32>,
        %parallel_loop3A_250 = arith.constant 35937 : i32
        %parallel_loop3A_251 = vector.broadcast %parallel_loop3A_250 : i32 to vector<16xi32>
        %parallel_loop3A_252 = arith.addi %parallel_loop3A_194, %parallel_loop3A_251 : vector<16xi32>
        %parallel_loop3A_253 = tpu.vector_load_idx %arg5[%parallel_loop3A_252] : memref<108544xf32, #tpu.memory_space<vmem>>[vector<16xi32>], vector<16xf32>,
        %parallel_loop3A_254 = arith.constant 1 : i32
        %parallel_loop3A_255 = vector.broadcast %parallel_loop3A_254 : i32 to vector<16xi32>
        %parallel_loop3A_256 = arith.addi %parallel_loop3A_252, %parallel_loop3A_255 : vector<16xi32>
        %parallel_loop3A_257 = tpu.vector_load_idx %arg5[%parallel_loop3A_256] : memref<108544xf32, #tpu.memory_space<vmem>>[vector<16xi32>], vector<16xf32>,
        %parallel_loop3A_258 = arith.constant 33 : i32
        %parallel_loop3A_259 = vector.broadcast %parallel_loop3A_258 : i32 to vector<16xi32>
        %parallel_loop3A_260 = arith.addi %parallel_loop3A_252, %parallel_loop3A_259 : vector<16xi32>
        %parallel_loop3A_261 = tpu.vector_load_idx %arg5[%parallel_loop3A_260] : memref<108544xf32, #tpu.memory_space<vmem>>[vector<16xi32>], vector<16xf32>,
        %parallel_loop3A_262 = arith.constant 34 : i32
        %parallel_loop3A_263 = vector.broadcast %parallel_loop3A_262 : i32 to vector<16xi32>
        %parallel_loop3A_264 = arith.addi %parallel_loop3A_252, %parallel_loop3A_263 : vector<16xi32>
        %parallel_loop3A_265 = tpu.vector_load_idx %arg5[%parallel_loop3A_264] : memref<108544xf32, #tpu.memory_space<vmem>>[vector<16xi32>], vector<16xf32>,
        %parallel_loop3A_266 = arith.constant 1089 : i32
        %parallel_loop3A_267 = vector.broadcast %parallel_loop3A_266 : i32 to vector<16xi32>
        %parallel_loop3A_268 = arith.addi %parallel_loop3A_252, %parallel_loop3A_267 : vector<16xi32>
        %parallel_loop3A_269 = tpu.vector_load_idx %arg5[%parallel_loop3A_268] : memref<108544xf32, #tpu.memory_space<vmem>>[vector<16xi32>], vector<16xf32>,
        %parallel_loop3A_270 = arith.constant 1090 : i32
        %parallel_loop3A_271 = vector.broadcast %parallel_loop3A_270 : i32 to vector<16xi32>
        %parallel_loop3A_272 = arith.addi %parallel_loop3A_252, %parallel_loop3A_271 : vector<16xi32>
        %parallel_loop3A_273 = tpu.vector_load_idx %arg5[%parallel_loop3A_272] : memref<108544xf32, #tpu.memory_space<vmem>>[vector<16xi32>], vector<16xf32>,
        %parallel_loop3A_274 = arith.constant 1122 : i32
        %parallel_loop3A_275 = vector.broadcast %parallel_loop3A_274 : i32 to vector<16xi32>
        %parallel_loop3A_276 = arith.addi %parallel_loop3A_252, %parallel_loop3A_275 : vector<16xi32>
        %parallel_loop3A_277 = tpu.vector_load_idx %arg5[%parallel_loop3A_276] : memref<108544xf32, #tpu.memory_space<vmem>>[vector<16xi32>], vector<16xf32>,
        %parallel_loop3A_278 = arith.constant 1123 : i32
        %parallel_loop3A_279 = vector.broadcast %parallel_loop3A_278 : i32 to vector<16xi32>
        %parallel_loop3A_280 = arith.addi %parallel_loop3A_252, %parallel_loop3A_279 : vector<16xi32>
        %parallel_loop3A_281 = tpu.vector_load_idx %arg5[%parallel_loop3A_280] : memref<108544xf32, #tpu.memory_space<vmem>>[vector<16xi32>], vector<16xf32>,
        %parallel_loop3A_282 = arith.subf %parallel_loop3A_257, %parallel_loop3A_253 : vector<16xf32>
        %parallel_loop3A_283 = arith.mulf %parallel_loop3A_186, %parallel_loop3A_282 : vector<16xf32>
        %parallel_loop3A_284 = arith.addf %parallel_loop3A_253, %parallel_loop3A_283 : vector<16xf32>
        %parallel_loop3A_285 = arith.subf %parallel_loop3A_265, %parallel_loop3A_261 : vector<16xf32>
        %parallel_loop3A_286 = arith.mulf %parallel_loop3A_186, %parallel_loop3A_285 : vector<16xf32>
        %parallel_loop3A_287 = arith.addf %parallel_loop3A_261, %parallel_loop3A_286 : vector<16xf32>
        %parallel_loop3A_288 = arith.subf %parallel_loop3A_273, %parallel_loop3A_269 : vector<16xf32>
        %parallel_loop3A_289 = arith.mulf %parallel_loop3A_186, %parallel_loop3A_288 : vector<16xf32>
        %parallel_loop3A_290 = arith.addf %parallel_loop3A_269, %parallel_loop3A_289 : vector<16xf32>
        %parallel_loop3A_291 = arith.subf %parallel_loop3A_281, %parallel_loop3A_277 : vector<16xf32>
        %parallel_loop3A_292 = arith.mulf %parallel_loop3A_186, %parallel_loop3A_291 : vector<16xf32>
        %parallel_loop3A_293 = arith.addf %parallel_loop3A_277, %parallel_loop3A_292 : vector<16xf32>
        %parallel_loop3A_294 = arith.subf %parallel_loop3A_287, %parallel_loop3A_284 : vector<16xf32>
        %parallel_loop3A_295 = arith.mulf %parallel_loop3A_184, %parallel_loop3A_294 : vector<16xf32>
        %parallel_loop3A_296 = arith.addf %parallel_loop3A_284, %parallel_loop3A_295 : vector<16xf32>
        %parallel_loop3A_297 = arith.subf %parallel_loop3A_293, %parallel_loop3A_290 : vector<16xf32>
        %parallel_loop3A_298 = arith.mulf %parallel_loop3A_184, %parallel_loop3A_297 : vector<16xf32>
        %parallel_loop3A_299 = arith.addf %parallel_loop3A_290, %parallel_loop3A_298 : vector<16xf32>
        %parallel_loop3A_300 = arith.subf %parallel_loop3A_299, %parallel_loop3A_296 : vector<16xf32>
        %parallel_loop3A_301 = arith.mulf %parallel_loop3A_182, %parallel_loop3A_300 : vector<16xf32>
        %parallel_loop3A_302 = arith.addf %parallel_loop3A_296, %parallel_loop3A_301 : vector<16xf32>
        %parallel_loop3A_303 = arith.index_cast %parallel_loop3A_144 : i32 to index
        %parallel_loop3A_304 = tpu.vector_load %arg13[%parallel_loop3A_303] {strides = array<i32>} : memref<1200xf32, #tpu.memory_space<vmem>>, vector<16xf32>,
        tpu.vector_store %arg13[%parallel_loop3A_303], %parallel_loop3A_302 {strides = array<i32>} : memref<1200xf32, #tpu.memory_space<vmem>>, vector<16xf32>,
        %parallel_loop3A_305 = arith.constant 71874 : i32
        %parallel_loop3A_306 = vector.broadcast %parallel_loop3A_305 : i32 to vector<16xi32>
        %parallel_loop3A_307 = arith.addi %parallel_loop3A_194, %parallel_loop3A_306 : vector<16xi32>
        %parallel_loop3A_308 = tpu.vector_load_idx %arg5[%parallel_loop3A_307] : memref<108544xf32, #tpu.memory_space<vmem>>[vector<16xi32>], vector<16xf32>,
        %parallel_loop3A_309 = arith.constant 1 : i32
        %parallel_loop3A_310 = vector.broadcast %parallel_loop3A_309 : i32 to vector<16xi32>
        %parallel_loop3A_311 = arith.addi %parallel_loop3A_307, %parallel_loop3A_310 : vector<16xi32>
        %parallel_loop3A_312 = tpu.vector_load_idx %arg5[%parallel_loop3A_311] : memref<108544xf32, #tpu.memory_space<vmem>>[vector<16xi32>], vector<16xf32>,
        %parallel_loop3A_313 = arith.constant 33 : i32
        %parallel_loop3A_314 = vector.broadcast %parallel_loop3A_313 : i32 to vector<16xi32>
        %parallel_loop3A_315 = arith.addi %parallel_loop3A_307, %parallel_loop3A_314 : vector<16xi32>
        %parallel_loop3A_316 = tpu.vector_load_idx %arg5[%parallel_loop3A_315] : memref<108544xf32, #tpu.memory_space<vmem>>[vector<16xi32>], vector<16xf32>,
        %parallel_loop3A_317 = arith.constant 34 : i32
        %parallel_loop3A_318 = vector.broadcast %parallel_loop3A_317 : i32 to vector<16xi32>
        %parallel_loop3A_319 = arith.addi %parallel_loop3A_307, %parallel_loop3A_318 : vector<16xi32>
        %parallel_loop3A_320 = tpu.vector_load_idx %arg5[%parallel_loop3A_319] : memref<108544xf32, #tpu.memory_space<vmem>>[vector<16xi32>], vector<16xf32>,
        %parallel_loop3A_321 = arith.constant 1089 : i32
        %parallel_loop3A_322 = vector.broadcast %parallel_loop3A_321 : i32 to vector<16xi32>
        %parallel_loop3A_323 = arith.addi %parallel_loop3A_307, %parallel_loop3A_322 : vector<16xi32>
        %parallel_loop3A_324 = tpu.vector_load_idx %arg5[%parallel_loop3A_323] : memref<108544xf32, #tpu.memory_space<vmem>>[vector<16xi32>], vector<16xf32>,
        %parallel_loop3A_325 = arith.constant 1090 : i32
        %parallel_loop3A_326 = vector.broadcast %parallel_loop3A_325 : i32 to vector<16xi32>
        %parallel_loop3A_327 = arith.addi %parallel_loop3A_307, %parallel_loop3A_326 : vector<16xi32>
        %parallel_loop3A_328 = tpu.vector_load_idx %arg5[%parallel_loop3A_327] : memref<108544xf32, #tpu.memory_space<vmem>>[vector<16xi32>], vector<16xf32>,
        %parallel_loop3A_329 = arith.constant 1122 : i32
        %parallel_loop3A_330 = vector.broadcast %parallel_loop3A_329 : i32 to vector<16xi32>
        %parallel_loop3A_331 = arith.addi %parallel_loop3A_307, %parallel_loop3A_330 : vector<16xi32>
        %parallel_loop3A_332 = tpu.vector_load_idx %arg5[%parallel_loop3A_331] : memref<108544xf32, #tpu.memory_space<vmem>>[vector<16xi32>], vector<16xf32>,
        %parallel_loop3A_333 = arith.constant 1123 : i32
        %parallel_loop3A_334 = vector.broadcast %parallel_loop3A_333 : i32 to vector<16xi32>
        %parallel_loop3A_335 = arith.addi %parallel_loop3A_307, %parallel_loop3A_334 : vector<16xi32>
        %parallel_loop3A_336 = tpu.vector_load_idx %arg5[%parallel_loop3A_335] : memref<108544xf32, #tpu.memory_space<vmem>>[vector<16xi32>], vector<16xf32>,
        %parallel_loop3A_337 = arith.subf %parallel_loop3A_312, %parallel_loop3A_308 : vector<16xf32>
        %parallel_loop3A_338 = arith.mulf %parallel_loop3A_186, %parallel_loop3A_337 : vector<16xf32>
        %parallel_loop3A_339 = arith.addf %parallel_loop3A_308, %parallel_loop3A_338 : vector<16xf32>
        %parallel_loop3A_340 = arith.subf %parallel_loop3A_320, %parallel_loop3A_316 : vector<16xf32>
        %parallel_loop3A_341 = arith.mulf %parallel_loop3A_186, %parallel_loop3A_340 : vector<16xf32>
        %parallel_loop3A_342 = arith.addf %parallel_loop3A_316, %parallel_loop3A_341 : vector<16xf32>
        %parallel_loop3A_343 = arith.subf %parallel_loop3A_328, %parallel_loop3A_324 : vector<16xf32>
        %parallel_loop3A_344 = arith.mulf %parallel_loop3A_186, %parallel_loop3A_343 : vector<16xf32>
        %parallel_loop3A_345 = arith.addf %parallel_loop3A_324, %parallel_loop3A_344 : vector<16xf32>
        %parallel_loop3A_346 = arith.subf %parallel_loop3A_336, %parallel_loop3A_332 : vector<16xf32>
        %parallel_loop3A_347 = arith.mulf %parallel_loop3A_186, %parallel_loop3A_346 : vector<16xf32>
        %parallel_loop3A_348 = arith.addf %parallel_loop3A_332, %parallel_loop3A_347 : vector<16xf32>
        %parallel_loop3A_349 = arith.subf %parallel_loop3A_342, %parallel_loop3A_339 : vector<16xf32>
        %parallel_loop3A_350 = arith.mulf %parallel_loop3A_184, %parallel_loop3A_349 : vector<16xf32>
        %parallel_loop3A_351 = arith.addf %parallel_loop3A_339, %parallel_loop3A_350 : vector<16xf32>
        %parallel_loop3A_352 = arith.subf %parallel_loop3A_348, %parallel_loop3A_345 : vector<16xf32>
        %parallel_loop3A_353 = arith.mulf %parallel_loop3A_184, %parallel_loop3A_352 : vector<16xf32>
        %parallel_loop3A_354 = arith.addf %parallel_loop3A_345, %parallel_loop3A_353 : vector<16xf32>
        %parallel_loop3A_355 = arith.subf %parallel_loop3A_354, %parallel_loop3A_351 : vector<16xf32>
        %parallel_loop3A_356 = arith.mulf %parallel_loop3A_182, %parallel_loop3A_355 : vector<16xf32>
        %parallel_loop3A_357 = arith.addf %parallel_loop3A_351, %parallel_loop3A_356 : vector<16xf32>
        %parallel_loop3A_358 = arith.index_cast %parallel_loop3A_144 : i32 to index
        %parallel_loop3A_359 = tpu.vector_load %arg14[%parallel_loop3A_358] {strides = array<i32>} : memref<1200xf32, #tpu.memory_space<vmem>>, vector<16xf32>,
        tpu.vector_store %arg14[%parallel_loop3A_358], %parallel_loop3A_357 {strides = array<i32>} : memref<1200xf32, #tpu.memory_space<vmem>>, vector<16xf32>,
      } {sc.loop_unroll_factor = 4 : i64, sc.parallel_access}
      %mul3A_79 = arith.constant 1200 : i32
      %mul3A_80 = arith.muli %add3A_62, %mul3A_79 : i32
      %add3A_81 = arith.addi %mul3A_2, %mul3A_80 : i32
      %add3A_82 = arith.constant 0 : i32
      %add3A_83 = arith.addi %add3A_82, %add3A_81 : i32
      %dma_start3A_84 = tpu.memref_slice %arg4[%add3A_83] : memref<6220800xf32, #tpu.memory_space<hbm>> -> memref<1200xf32, #tpu.memory_space<hbm>>
      %dma_start3A_85 = tpu.memref_slice %arg4[%add3A_83] : memref<6220800xf32, #tpu.memory_space<hbm>> -> memref<1200xf32, #tpu.memory_space<hbm>>
      tpu.enqueue_dma source(%arg12 : memref<1200xf32, #tpu.memory_space<vmem>>) target(%dma_start3A_85 : memref<1200xf32, #tpu.memory_space<hbm>>) target_semaphore(%arg20 : memref<!tpu.dma_semaphore, #tpu.memory_space<semaphore_mem>>)
      %add3A_86 = arith.constant 2073600 : i32
      %add3A_87 = arith.addi %add3A_86, %add3A_81 : i32
      %dma_start3A_88 = tpu.memref_slice %arg4[%add3A_87] : memref<6220800xf32, #tpu.memory_space<hbm>> -> memref<1200xf32, #tpu.memory_space<hbm>>
      %dma_start3A_89 = tpu.memref_slice %arg4[%add3A_87] : memref<6220800xf32, #tpu.memory_space<hbm>> -> memref<1200xf32, #tpu.memory_space<hbm>>
      tpu.enqueue_dma source(%arg13 : memref<1200xf32, #tpu.memory_space<vmem>>) target(%dma_start3A_89 : memref<1200xf32, #tpu.memory_space<hbm>>) target_semaphore(%arg20 : memref<!tpu.dma_semaphore, #tpu.memory_space<semaphore_mem>>)
      %add3A_90 = arith.constant 4147200 : i32
      %add3A_91 = arith.addi %add3A_90, %add3A_81 : i32
      %dma_start3A_92 = tpu.memref_slice %arg4[%add3A_91] : memref<6220800xf32, #tpu.memory_space<hbm>> -> memref<1200xf32, #tpu.memory_space<hbm>>
      %dma_start3A_93 = tpu.memref_slice %arg4[%add3A_91] : memref<6220800xf32, #tpu.memory_space<hbm>> -> memref<1200xf32, #tpu.memory_space<hbm>>
      tpu.enqueue_dma source(%arg14 : memref<1200xf32, #tpu.memory_space<vmem>>) target(%dma_start3A_93 : memref<1200xf32, #tpu.memory_space<hbm>>) target_semaphore(%arg20 : memref<!tpu.dma_semaphore, #tpu.memory_space<semaphore_mem>>)
      %lt3A = arith.constant 26 : i32
      %lt3A_94 = arith.cmpi slt, %scan3A_58, %lt3A : i32
      %convert_element_type3A_95 = arith.extui %lt3A_94 : i1 to i32
      %cond3A_96 = arith.constant 0 : i32
      %cond3A_97 = arith.cmpi ne, %convert_element_type3A_95, %cond3A_96 : i32
      scf.if %cond3A_97 {
        %add3A_142 = arith.constant 2 : i32
        %add3A_143 = arith.addi %add3A_62, %add3A_142 : i32
        %mul3A_144 = arith.constant 1200 : i32
        %mul3A_145 = arith.muli %add3A_143, %mul3A_144 : i32
        %add3A_146 = arith.addi %mul3A_2, %mul3A_145 : i32
        %add3A_147 = arith.constant 0 : i32
        %add3A_148 = arith.addi %add3A_147, %add3A_146 : i32
        %dma_start3A_149 = tpu.memref_slice %arg3[%add3A_148] : memref<6220800xf32, #tpu.memory_space<hbm>> -> memref<1200xf32, #tpu.memory_space<hbm>>
        %dma_start3A_150 = tpu.memref_slice %arg3[%add3A_148] : memref<6220800xf32, #tpu.memory_space<hbm>> -> memref<1200xf32, #tpu.memory_space<hbm>>
        tpu.enqueue_dma source(%dma_start3A_150 : memref<1200xf32, #tpu.memory_space<hbm>>) target(%arg6 : memref<1200xf32, #tpu.memory_space<vmem>>) target_semaphore(%arg18 : memref<!tpu.dma_semaphore, #tpu.memory_space<semaphore_mem>>)
        %add3A_151 = arith.constant 2073600 : i32
        %add3A_152 = arith.addi %add3A_151, %add3A_146 : i32
        %dma_start3A_153 = tpu.memref_slice %arg3[%add3A_152] : memref<6220800xf32, #tpu.memory_space<hbm>> -> memref<1200xf32, #tpu.memory_space<hbm>>
        %dma_start3A_154 = tpu.memref_slice %arg3[%add3A_152] : memref<6220800xf32, #tpu.memory_space<hbm>> -> memref<1200xf32, #tpu.memory_space<hbm>>
        tpu.enqueue_dma source(%dma_start3A_154 : memref<1200xf32, #tpu.memory_space<hbm>>) target(%arg7 : memref<1200xf32, #tpu.memory_space<vmem>>) target_semaphore(%arg18 : memref<!tpu.dma_semaphore, #tpu.memory_space<semaphore_mem>>)
        %add3A_155 = arith.constant 4147200 : i32
        %add3A_156 = arith.addi %add3A_155, %add3A_146 : i32
        %dma_start3A_157 = tpu.memref_slice %arg3[%add3A_156] : memref<6220800xf32, #tpu.memory_space<hbm>> -> memref<1200xf32, #tpu.memory_space<hbm>>
        %dma_start3A_158 = tpu.memref_slice %arg3[%add3A_156] : memref<6220800xf32, #tpu.memory_space<hbm>> -> memref<1200xf32, #tpu.memory_space<hbm>>
        tpu.enqueue_dma source(%dma_start3A_158 : memref<1200xf32, #tpu.memory_space<hbm>>) target(%arg8 : memref<1200xf32, #tpu.memory_space<vmem>>) target_semaphore(%arg18 : memref<!tpu.dma_semaphore, #tpu.memory_space<semaphore_mem>>)
      } else {
      }
      %mul3A_98 = arith.constant 2 : i32
      %mul3A_99 = arith.muli %scan3A_58, %mul3A_98 : i32
      %add3A_100 = arith.constant 1 : i32
      %add3A_101 = arith.addi %mul3A_99, %add3A_100 : i32
      %dma_wait3A_102 = arith.constant 0 : i32
      %dma_wait3A_103 = tpu.memref_slice %arg3[%dma_wait3A_102] : memref<6220800xf32, #tpu.memory_space<hbm>> -> memref<1200xf32, #tpu.memory_space<hbm>>
      %dma_wait3A_104 = arith.constant 0 : i32
      %dma_wait3A_105 = tpu.memref_slice %arg3[%dma_wait3A_104] : memref<6220800xf32, #tpu.memory_space<hbm>> -> memref<1200xf32, #tpu.memory_space<hbm>>
      tpu.wait_dma2 semaphore(%arg19 : memref<!tpu.dma_semaphore, #tpu.memory_space<semaphore_mem>>) src(%dma_wait3A_105 : memref<1200xf32, #tpu.memory_space<hbm>>) dst(%arg9 : memref<1200xf32, #tpu.memory_space<vmem>>)
      %dma_wait3A_106 = arith.constant 0 : i32
      %dma_wait3A_107 = tpu.memref_slice %arg3[%dma_wait3A_106] : memref<6220800xf32, #tpu.memory_space<hbm>> -> memref<1200xf32, #tpu.memory_space<hbm>>
      %dma_wait3A_108 = arith.constant 0 : i32
      %dma_wait3A_109 = tpu.memref_slice %arg3[%dma_wait3A_108] : memref<6220800xf32, #tpu.memory_space<hbm>> -> memref<1200xf32, #tpu.memory_space<hbm>>
      tpu.wait_dma2 semaphore(%arg19 : memref<!tpu.dma_semaphore, #tpu.memory_space<semaphore_mem>>) src(%dma_wait3A_109 : memref<1200xf32, #tpu.memory_space<hbm>>) dst(%arg10 : memref<1200xf32, #tpu.memory_space<vmem>>)
      %dma_wait3A_110 = arith.constant 0 : i32
      %dma_wait3A_111 = tpu.memref_slice %arg3[%dma_wait3A_110] : memref<6220800xf32, #tpu.memory_space<hbm>> -> memref<1200xf32, #tpu.memory_space<hbm>>
      %dma_wait3A_112 = arith.constant 0 : i32
      %dma_wait3A_113 = tpu.memref_slice %arg3[%dma_wait3A_112] : memref<6220800xf32, #tpu.memory_space<hbm>> -> memref<1200xf32, #tpu.memory_space<hbm>>
      tpu.wait_dma2 semaphore(%arg19 : memref<!tpu.dma_semaphore, #tpu.memory_space<semaphore_mem>>) src(%dma_wait3A_113 : memref<1200xf32, #tpu.memory_space<hbm>>) dst(%arg11 : memref<1200xf32, #tpu.memory_space<vmem>>)
      %ge3A_114 = arith.constant 1 : i32
      %ge3A_115 = arith.cmpi sge, %scan3A_58, %ge3A_114 : i32
      %convert_element_type3A_116 = arith.extui %ge3A_115 : i1 to i32
      %cond3A_117 = arith.constant 0 : i32
      %cond3A_118 = arith.cmpi ne, %convert_element_type3A_116, %cond3A_117 : i32
      scf.if %cond3A_118 {
        %dma_wait3A_142 = arith.constant 0 : i32
        %dma_wait3A_143 = tpu.memref_slice %arg4[%dma_wait3A_142] : memref<6220800xf32, #tpu.memory_space<hbm>> -> memref<1200xf32, #tpu.memory_space<hbm>>
        %dma_wait3A_144 = arith.constant 0 : i32
        %dma_wait3A_145 = tpu.memref_slice %arg4[%dma_wait3A_144] : memref<6220800xf32, #tpu.memory_space<hbm>> -> memref<1200xf32, #tpu.memory_space<hbm>>
        tpu.wait_dma2 semaphore(%arg21 : memref<!tpu.dma_semaphore, #tpu.memory_space<semaphore_mem>>) src(%arg15 : memref<1200xf32, #tpu.memory_space<vmem>>) dst(%dma_wait3A_145 : memref<1200xf32, #tpu.memory_space<hbm>>)
        %dma_wait3A_146 = arith.constant 0 : i32
        %dma_wait3A_147 = tpu.memref_slice %arg4[%dma_wait3A_146] : memref<6220800xf32, #tpu.memory_space<hbm>> -> memref<1200xf32, #tpu.memory_space<hbm>>
        %dma_wait3A_148 = arith.constant 0 : i32
        %dma_wait3A_149 = tpu.memref_slice %arg4[%dma_wait3A_148] : memref<6220800xf32, #tpu.memory_space<hbm>> -> memref<1200xf32, #tpu.memory_space<hbm>>
        tpu.wait_dma2 semaphore(%arg21 : memref<!tpu.dma_semaphore, #tpu.memory_space<semaphore_mem>>) src(%arg16 : memref<1200xf32, #tpu.memory_space<vmem>>) dst(%dma_wait3A_149 : memref<1200xf32, #tpu.memory_space<hbm>>)
        %dma_wait3A_150 = arith.constant 0 : i32
        %dma_wait3A_151 = tpu.memref_slice %arg4[%dma_wait3A_150] : memref<6220800xf32, #tpu.memory_space<hbm>> -> memref<1200xf32, #tpu.memory_space<hbm>>
        %dma_wait3A_152 = arith.constant 0 : i32
        %dma_wait3A_153 = tpu.memref_slice %arg4[%dma_wait3A_152] : memref<6220800xf32, #tpu.memory_space<hbm>> -> memref<1200xf32, #tpu.memory_space<hbm>>
        tpu.wait_dma2 semaphore(%arg21 : memref<!tpu.dma_semaphore, #tpu.memory_space<semaphore_mem>>) src(%arg17 : memref<1200xf32, #tpu.memory_space<vmem>>) dst(%dma_wait3A_153 : memref<1200xf32, #tpu.memory_space<hbm>>)
      } else {
      }
      %parallel_loop3A_119 = arith.constant 0 : i32
      %parallel_loop3A_120 = arith.constant 75 : i32
      %parallel_loop3A_121 = arith.constant 1 : i32
      scf.for %parallel_loop3A_142 = %parallel_loop3A_119 to %parallel_loop3A_120 step %parallel_loop3A_121  : i32 {
        %parallel_loop3A_143 = arith.constant 16 : i32
        %parallel_loop3A_144 = arith.muli %parallel_loop3A_142, %parallel_loop3A_143 : i32
        %parallel_loop3A_145 = arith.index_cast %parallel_loop3A_144 : i32 to index
        %parallel_loop3A_146 = tpu.vector_load %arg9[%parallel_loop3A_145] {strides = array<i32>} : memref<1200xf32, #tpu.memory_space<vmem>>, vector<16xf32>,
        %parallel_loop3A_147 = arith.constant 3.200000e+01 : f32
        %parallel_loop3A_148 = vector.broadcast %parallel_loop3A_147 : f32 to vector<16xf32>
        %parallel_loop3A_149 = arith.mulf %parallel_loop3A_146, %parallel_loop3A_148 : vector<16xf32>
        %parallel_loop3A_150 = arith.index_cast %parallel_loop3A_144 : i32 to index
        %parallel_loop3A_151 = tpu.vector_load %arg10[%parallel_loop3A_150] {strides = array<i32>} : memref<1200xf32, #tpu.memory_space<vmem>>, vector<16xf32>,
        %parallel_loop3A_152 = arith.constant 3.200000e+01 : f32
        %parallel_loop3A_153 = vector.broadcast %parallel_loop3A_152 : f32 to vector<16xf32>
        %parallel_loop3A_154 = arith.mulf %parallel_loop3A_151, %parallel_loop3A_153 : vector<16xf32>
        %parallel_loop3A_155 = arith.index_cast %parallel_loop3A_144 : i32 to index
        %parallel_loop3A_156 = tpu.vector_load %arg11[%parallel_loop3A_155] {strides = array<i32>} : memref<1200xf32, #tpu.memory_space<vmem>>, vector<16xf32>,
        %parallel_loop3A_157 = arith.constant 3.200000e+01 : f32
        %parallel_loop3A_158 = vector.broadcast %parallel_loop3A_157 : f32 to vector<16xf32>
        %parallel_loop3A_159 = arith.mulf %parallel_loop3A_156, %parallel_loop3A_158 : vector<16xf32>
        %parallel_loop3A_160 = arith.fptosi %parallel_loop3A_149 : vector<16xf32> to vector<16xi32>
        %parallel_loop3A_161 = arith.constant 0 : i32
        %parallel_loop3A_162 = arith.constant 31 : i32
        %parallel_loop3A_163 = vector.broadcast %parallel_loop3A_161 : i32 to vector<16xi32>
        %parallel_loop3A_164 = arith.maxsi %parallel_loop3A_163, %parallel_loop3A_160 : vector<16xi32>
        %parallel_loop3A_165 = vector.broadcast %parallel_loop3A_162 : i32 to vector<16xi32>
        %parallel_loop3A_166 = arith.minsi %parallel_loop3A_165, %parallel_loop3A_164 : vector<16xi32>
        %parallel_loop3A_167 = arith.fptosi %parallel_loop3A_154 : vector<16xf32> to vector<16xi32>
        %parallel_loop3A_168 = arith.constant 0 : i32
        %parallel_loop3A_169 = arith.constant 31 : i32
        %parallel_loop3A_170 = vector.broadcast %parallel_loop3A_168 : i32 to vector<16xi32>
        %parallel_loop3A_171 = arith.maxsi %parallel_loop3A_170, %parallel_loop3A_167 : vector<16xi32>
        %parallel_loop3A_172 = vector.broadcast %parallel_loop3A_169 : i32 to vector<16xi32>
        %parallel_loop3A_173 = arith.minsi %parallel_loop3A_172, %parallel_loop3A_171 : vector<16xi32>
        %parallel_loop3A_174 = arith.fptosi %parallel_loop3A_159 : vector<16xf32> to vector<16xi32>
        %parallel_loop3A_175 = arith.constant 0 : i32
        %parallel_loop3A_176 = arith.constant 31 : i32
        %parallel_loop3A_177 = vector.broadcast %parallel_loop3A_175 : i32 to vector<16xi32>
        %parallel_loop3A_178 = arith.maxsi %parallel_loop3A_177, %parallel_loop3A_174 : vector<16xi32>
        %parallel_loop3A_179 = vector.broadcast %parallel_loop3A_176 : i32 to vector<16xi32>
        %parallel_loop3A_180 = arith.minsi %parallel_loop3A_179, %parallel_loop3A_178 : vector<16xi32>
        %parallel_loop3A_181 = arith.sitofp %parallel_loop3A_166 : vector<16xi32> to vector<16xf32>
        %parallel_loop3A_182 = arith.subf %parallel_loop3A_149, %parallel_loop3A_181 : vector<16xf32>
        %parallel_loop3A_183 = arith.sitofp %parallel_loop3A_173 : vector<16xi32> to vector<16xf32>
        %parallel_loop3A_184 = arith.subf %parallel_loop3A_154, %parallel_loop3A_183 : vector<16xf32>
        %parallel_loop3A_185 = arith.sitofp %parallel_loop3A_180 : vector<16xi32> to vector<16xf32>
        %parallel_loop3A_186 = arith.subf %parallel_loop3A_159, %parallel_loop3A_185 : vector<16xf32>
        %parallel_loop3A_187 = arith.constant 1089 : i32
        %parallel_loop3A_188 = vector.broadcast %parallel_loop3A_187 : i32 to vector<16xi32>
        %parallel_loop3A_189 = arith.muli %parallel_loop3A_166, %parallel_loop3A_188 : vector<16xi32>
        %parallel_loop3A_190 = arith.constant 33 : i32
        %parallel_loop3A_191 = vector.broadcast %parallel_loop3A_190 : i32 to vector<16xi32>
        %parallel_loop3A_192 = arith.muli %parallel_loop3A_173, %parallel_loop3A_191 : vector<16xi32>
        %parallel_loop3A_193 = arith.addi %parallel_loop3A_189, %parallel_loop3A_192 : vector<16xi32>
        %parallel_loop3A_194 = arith.addi %parallel_loop3A_193, %parallel_loop3A_180 : vector<16xi32>
        %parallel_loop3A_195 = arith.constant 0 : i32
        %parallel_loop3A_196 = vector.broadcast %parallel_loop3A_195 : i32 to vector<16xi32>
        %parallel_loop3A_197 = arith.addi %parallel_loop3A_194, %parallel_loop3A_196 : vector<16xi32>
        %parallel_loop3A_198 = tpu.vector_load_idx %arg5[%parallel_loop3A_197] : memref<108544xf32, #tpu.memory_space<vmem>>[vector<16xi32>], vector<16xf32>,
        %parallel_loop3A_199 = arith.constant 1 : i32
        %parallel_loop3A_200 = vector.broadcast %parallel_loop3A_199 : i32 to vector<16xi32>
        %parallel_loop3A_201 = arith.addi %parallel_loop3A_197, %parallel_loop3A_200 : vector<16xi32>
        %parallel_loop3A_202 = tpu.vector_load_idx %arg5[%parallel_loop3A_201] : memref<108544xf32, #tpu.memory_space<vmem>>[vector<16xi32>], vector<16xf32>,
        %parallel_loop3A_203 = arith.constant 33 : i32
        %parallel_loop3A_204 = vector.broadcast %parallel_loop3A_203 : i32 to vector<16xi32>
        %parallel_loop3A_205 = arith.addi %parallel_loop3A_197, %parallel_loop3A_204 : vector<16xi32>
        %parallel_loop3A_206 = tpu.vector_load_idx %arg5[%parallel_loop3A_205] : memref<108544xf32, #tpu.memory_space<vmem>>[vector<16xi32>], vector<16xf32>,
        %parallel_loop3A_207 = arith.constant 34 : i32
        %parallel_loop3A_208 = vector.broadcast %parallel_loop3A_207 : i32 to vector<16xi32>
        %parallel_loop3A_209 = arith.addi %parallel_loop3A_197, %parallel_loop3A_208 : vector<16xi32>
        %parallel_loop3A_210 = tpu.vector_load_idx %arg5[%parallel_loop3A_209] : memref<108544xf32, #tpu.memory_space<vmem>>[vector<16xi32>], vector<16xf32>,
        %parallel_loop3A_211 = arith.constant 1089 : i32
        %parallel_loop3A_212 = vector.broadcast %parallel_loop3A_211 : i32 to vector<16xi32>
        %parallel_loop3A_213 = arith.addi %parallel_loop3A_197, %parallel_loop3A_212 : vector<16xi32>
        %parallel_loop3A_214 = tpu.vector_load_idx %arg5[%parallel_loop3A_213] : memref<108544xf32, #tpu.memory_space<vmem>>[vector<16xi32>], vector<16xf32>,
        %parallel_loop3A_215 = arith.constant 1090 : i32
        %parallel_loop3A_216 = vector.broadcast %parallel_loop3A_215 : i32 to vector<16xi32>
        %parallel_loop3A_217 = arith.addi %parallel_loop3A_197, %parallel_loop3A_216 : vector<16xi32>
        %parallel_loop3A_218 = tpu.vector_load_idx %arg5[%parallel_loop3A_217] : memref<108544xf32, #tpu.memory_space<vmem>>[vector<16xi32>], vector<16xf32>,
        %parallel_loop3A_219 = arith.constant 1122 : i32
        %parallel_loop3A_220 = vector.broadcast %parallel_loop3A_219 : i32 to vector<16xi32>
        %parallel_loop3A_221 = arith.addi %parallel_loop3A_197, %parallel_loop3A_220 : vector<16xi32>
        %parallel_loop3A_222 = tpu.vector_load_idx %arg5[%parallel_loop3A_221] : memref<108544xf32, #tpu.memory_space<vmem>>[vector<16xi32>], vector<16xf32>,
        %parallel_loop3A_223 = arith.constant 1123 : i32
        %parallel_loop3A_224 = vector.broadcast %parallel_loop3A_223 : i32 to vector<16xi32>
        %parallel_loop3A_225 = arith.addi %parallel_loop3A_197, %parallel_loop3A_224 : vector<16xi32>
        %parallel_loop3A_226 = tpu.vector_load_idx %arg5[%parallel_loop3A_225] : memref<108544xf32, #tpu.memory_space<vmem>>[vector<16xi32>], vector<16xf32>,
        %parallel_loop3A_227 = arith.subf %parallel_loop3A_202, %parallel_loop3A_198 : vector<16xf32>
        %parallel_loop3A_228 = arith.mulf %parallel_loop3A_186, %parallel_loop3A_227 : vector<16xf32>
        %parallel_loop3A_229 = arith.addf %parallel_loop3A_198, %parallel_loop3A_228 : vector<16xf32>
        %parallel_loop3A_230 = arith.subf %parallel_loop3A_210, %parallel_loop3A_206 : vector<16xf32>
        %parallel_loop3A_231 = arith.mulf %parallel_loop3A_186, %parallel_loop3A_230 : vector<16xf32>
        %parallel_loop3A_232 = arith.addf %parallel_loop3A_206, %parallel_loop3A_231 : vector<16xf32>
        %parallel_loop3A_233 = arith.subf %parallel_loop3A_218, %parallel_loop3A_214 : vector<16xf32>
        %parallel_loop3A_234 = arith.mulf %parallel_loop3A_186, %parallel_loop3A_233 : vector<16xf32>
        %parallel_loop3A_235 = arith.addf %parallel_loop3A_214, %parallel_loop3A_234 : vector<16xf32>
        %parallel_loop3A_236 = arith.subf %parallel_loop3A_226, %parallel_loop3A_222 : vector<16xf32>
        %parallel_loop3A_237 = arith.mulf %parallel_loop3A_186, %parallel_loop3A_236 : vector<16xf32>
        %parallel_loop3A_238 = arith.addf %parallel_loop3A_222, %parallel_loop3A_237 : vector<16xf32>
        %parallel_loop3A_239 = arith.subf %parallel_loop3A_232, %parallel_loop3A_229 : vector<16xf32>
        %parallel_loop3A_240 = arith.mulf %parallel_loop3A_184, %parallel_loop3A_239 : vector<16xf32>
        %parallel_loop3A_241 = arith.addf %parallel_loop3A_229, %parallel_loop3A_240 : vector<16xf32>
        %parallel_loop3A_242 = arith.subf %parallel_loop3A_238, %parallel_loop3A_235 : vector<16xf32>
        %parallel_loop3A_243 = arith.mulf %parallel_loop3A_184, %parallel_loop3A_242 : vector<16xf32>
        %parallel_loop3A_244 = arith.addf %parallel_loop3A_235, %parallel_loop3A_243 : vector<16xf32>
        %parallel_loop3A_245 = arith.subf %parallel_loop3A_244, %parallel_loop3A_241 : vector<16xf32>
        %parallel_loop3A_246 = arith.mulf %parallel_loop3A_182, %parallel_loop3A_245 : vector<16xf32>
        %parallel_loop3A_247 = arith.addf %parallel_loop3A_241, %parallel_loop3A_246 : vector<16xf32>
        %parallel_loop3A_248 = arith.index_cast %parallel_loop3A_144 : i32 to index
        %parallel_loop3A_249 = tpu.vector_load %arg15[%parallel_loop3A_248] {strides = array<i32>} : memref<1200xf32, #tpu.memory_space<vmem>>, vector<16xf32>,
        tpu.vector_store %arg15[%parallel_loop3A_248], %parallel_loop3A_247 {strides = array<i32>} : memref<1200xf32, #tpu.memory_space<vmem>>, vector<16xf32>,
        %parallel_loop3A_250 = arith.constant 35937 : i32
        %parallel_loop3A_251 = vector.broadcast %parallel_loop3A_250 : i32 to vector<16xi32>
        %parallel_loop3A_252 = arith.addi %parallel_loop3A_194, %parallel_loop3A_251 : vector<16xi32>
        %parallel_loop3A_253 = tpu.vector_load_idx %arg5[%parallel_loop3A_252] : memref<108544xf32, #tpu.memory_space<vmem>>[vector<16xi32>], vector<16xf32>,
        %parallel_loop3A_254 = arith.constant 1 : i32
        %parallel_loop3A_255 = vector.broadcast %parallel_loop3A_254 : i32 to vector<16xi32>
        %parallel_loop3A_256 = arith.addi %parallel_loop3A_252, %parallel_loop3A_255 : vector<16xi32>
        %parallel_loop3A_257 = tpu.vector_load_idx %arg5[%parallel_loop3A_256] : memref<108544xf32, #tpu.memory_space<vmem>>[vector<16xi32>], vector<16xf32>,
        %parallel_loop3A_258 = arith.constant 33 : i32
        %parallel_loop3A_259 = vector.broadcast %parallel_loop3A_258 : i32 to vector<16xi32>
        %parallel_loop3A_260 = arith.addi %parallel_loop3A_252, %parallel_loop3A_259 : vector<16xi32>
        %parallel_loop3A_261 = tpu.vector_load_idx %arg5[%parallel_loop3A_260] : memref<108544xf32, #tpu.memory_space<vmem>>[vector<16xi32>], vector<16xf32>,
        %parallel_loop3A_262 = arith.constant 34 : i32
        %parallel_loop3A_263 = vector.broadcast %parallel_loop3A_262 : i32 to vector<16xi32>
        %parallel_loop3A_264 = arith.addi %parallel_loop3A_252, %parallel_loop3A_263 : vector<16xi32>
        %parallel_loop3A_265 = tpu.vector_load_idx %arg5[%parallel_loop3A_264] : memref<108544xf32, #tpu.memory_space<vmem>>[vector<16xi32>], vector<16xf32>,
        %parallel_loop3A_266 = arith.constant 1089 : i32
        %parallel_loop3A_267 = vector.broadcast %parallel_loop3A_266 : i32 to vector<16xi32>
        %parallel_loop3A_268 = arith.addi %parallel_loop3A_252, %parallel_loop3A_267 : vector<16xi32>
        %parallel_loop3A_269 = tpu.vector_load_idx %arg5[%parallel_loop3A_268] : memref<108544xf32, #tpu.memory_space<vmem>>[vector<16xi32>], vector<16xf32>,
        %parallel_loop3A_270 = arith.constant 1090 : i32
        %parallel_loop3A_271 = vector.broadcast %parallel_loop3A_270 : i32 to vector<16xi32>
        %parallel_loop3A_272 = arith.addi %parallel_loop3A_252, %parallel_loop3A_271 : vector<16xi32>
        %parallel_loop3A_273 = tpu.vector_load_idx %arg5[%parallel_loop3A_272] : memref<108544xf32, #tpu.memory_space<vmem>>[vector<16xi32>], vector<16xf32>,
        %parallel_loop3A_274 = arith.constant 1122 : i32
        %parallel_loop3A_275 = vector.broadcast %parallel_loop3A_274 : i32 to vector<16xi32>
        %parallel_loop3A_276 = arith.addi %parallel_loop3A_252, %parallel_loop3A_275 : vector<16xi32>
        %parallel_loop3A_277 = tpu.vector_load_idx %arg5[%parallel_loop3A_276] : memref<108544xf32, #tpu.memory_space<vmem>>[vector<16xi32>], vector<16xf32>,
        %parallel_loop3A_278 = arith.constant 1123 : i32
        %parallel_loop3A_279 = vector.broadcast %parallel_loop3A_278 : i32 to vector<16xi32>
        %parallel_loop3A_280 = arith.addi %parallel_loop3A_252, %parallel_loop3A_279 : vector<16xi32>
        %parallel_loop3A_281 = tpu.vector_load_idx %arg5[%parallel_loop3A_280] : memref<108544xf32, #tpu.memory_space<vmem>>[vector<16xi32>], vector<16xf32>,
        %parallel_loop3A_282 = arith.subf %parallel_loop3A_257, %parallel_loop3A_253 : vector<16xf32>
        %parallel_loop3A_283 = arith.mulf %parallel_loop3A_186, %parallel_loop3A_282 : vector<16xf32>
        %parallel_loop3A_284 = arith.addf %parallel_loop3A_253, %parallel_loop3A_283 : vector<16xf32>
        %parallel_loop3A_285 = arith.subf %parallel_loop3A_265, %parallel_loop3A_261 : vector<16xf32>
        %parallel_loop3A_286 = arith.mulf %parallel_loop3A_186, %parallel_loop3A_285 : vector<16xf32>
        %parallel_loop3A_287 = arith.addf %parallel_loop3A_261, %parallel_loop3A_286 : vector<16xf32>
        %parallel_loop3A_288 = arith.subf %parallel_loop3A_273, %parallel_loop3A_269 : vector<16xf32>
        %parallel_loop3A_289 = arith.mulf %parallel_loop3A_186, %parallel_loop3A_288 : vector<16xf32>
        %parallel_loop3A_290 = arith.addf %parallel_loop3A_269, %parallel_loop3A_289 : vector<16xf32>
        %parallel_loop3A_291 = arith.subf %parallel_loop3A_281, %parallel_loop3A_277 : vector<16xf32>
        %parallel_loop3A_292 = arith.mulf %parallel_loop3A_186, %parallel_loop3A_291 : vector<16xf32>
        %parallel_loop3A_293 = arith.addf %parallel_loop3A_277, %parallel_loop3A_292 : vector<16xf32>
        %parallel_loop3A_294 = arith.subf %parallel_loop3A_287, %parallel_loop3A_284 : vector<16xf32>
        %parallel_loop3A_295 = arith.mulf %parallel_loop3A_184, %parallel_loop3A_294 : vector<16xf32>
        %parallel_loop3A_296 = arith.addf %parallel_loop3A_284, %parallel_loop3A_295 : vector<16xf32>
        %parallel_loop3A_297 = arith.subf %parallel_loop3A_293, %parallel_loop3A_290 : vector<16xf32>
        %parallel_loop3A_298 = arith.mulf %parallel_loop3A_184, %parallel_loop3A_297 : vector<16xf32>
        %parallel_loop3A_299 = arith.addf %parallel_loop3A_290, %parallel_loop3A_298 : vector<16xf32>
        %parallel_loop3A_300 = arith.subf %parallel_loop3A_299, %parallel_loop3A_296 : vector<16xf32>
        %parallel_loop3A_301 = arith.mulf %parallel_loop3A_182, %parallel_loop3A_300 : vector<16xf32>
        %parallel_loop3A_302 = arith.addf %parallel_loop3A_296, %parallel_loop3A_301 : vector<16xf32>
        %parallel_loop3A_303 = arith.index_cast %parallel_loop3A_144 : i32 to index
        %parallel_loop3A_304 = tpu.vector_load %arg16[%parallel_loop3A_303] {strides = array<i32>} : memref<1200xf32, #tpu.memory_space<vmem>>, vector<16xf32>,
        tpu.vector_store %arg16[%parallel_loop3A_303], %parallel_loop3A_302 {strides = array<i32>} : memref<1200xf32, #tpu.memory_space<vmem>>, vector<16xf32>,
        %parallel_loop3A_305 = arith.constant 71874 : i32
        %parallel_loop3A_306 = vector.broadcast %parallel_loop3A_305 : i32 to vector<16xi32>
        %parallel_loop3A_307 = arith.addi %parallel_loop3A_194, %parallel_loop3A_306 : vector<16xi32>
        %parallel_loop3A_308 = tpu.vector_load_idx %arg5[%parallel_loop3A_307] : memref<108544xf32, #tpu.memory_space<vmem>>[vector<16xi32>], vector<16xf32>,
        %parallel_loop3A_309 = arith.constant 1 : i32
        %parallel_loop3A_310 = vector.broadcast %parallel_loop3A_309 : i32 to vector<16xi32>
        %parallel_loop3A_311 = arith.addi %parallel_loop3A_307, %parallel_loop3A_310 : vector<16xi32>
        %parallel_loop3A_312 = tpu.vector_load_idx %arg5[%parallel_loop3A_311] : memref<108544xf32, #tpu.memory_space<vmem>>[vector<16xi32>], vector<16xf32>,
        %parallel_loop3A_313 = arith.constant 33 : i32
        %parallel_loop3A_314 = vector.broadcast %parallel_loop3A_313 : i32 to vector<16xi32>
        %parallel_loop3A_315 = arith.addi %parallel_loop3A_307, %parallel_loop3A_314 : vector<16xi32>
        %parallel_loop3A_316 = tpu.vector_load_idx %arg5[%parallel_loop3A_315] : memref<108544xf32, #tpu.memory_space<vmem>>[vector<16xi32>], vector<16xf32>,
        %parallel_loop3A_317 = arith.constant 34 : i32
        %parallel_loop3A_318 = vector.broadcast %parallel_loop3A_317 : i32 to vector<16xi32>
        %parallel_loop3A_319 = arith.addi %parallel_loop3A_307, %parallel_loop3A_318 : vector<16xi32>
        %parallel_loop3A_320 = tpu.vector_load_idx %arg5[%parallel_loop3A_319] : memref<108544xf32, #tpu.memory_space<vmem>>[vector<16xi32>], vector<16xf32>,
        %parallel_loop3A_321 = arith.constant 1089 : i32
        %parallel_loop3A_322 = vector.broadcast %parallel_loop3A_321 : i32 to vector<16xi32>
        %parallel_loop3A_323 = arith.addi %parallel_loop3A_307, %parallel_loop3A_322 : vector<16xi32>
        %parallel_loop3A_324 = tpu.vector_load_idx %arg5[%parallel_loop3A_323] : memref<108544xf32, #tpu.memory_space<vmem>>[vector<16xi32>], vector<16xf32>,
        %parallel_loop3A_325 = arith.constant 1090 : i32
        %parallel_loop3A_326 = vector.broadcast %parallel_loop3A_325 : i32 to vector<16xi32>
        %parallel_loop3A_327 = arith.addi %parallel_loop3A_307, %parallel_loop3A_326 : vector<16xi32>
        %parallel_loop3A_328 = tpu.vector_load_idx %arg5[%parallel_loop3A_327] : memref<108544xf32, #tpu.memory_space<vmem>>[vector<16xi32>], vector<16xf32>,
        %parallel_loop3A_329 = arith.constant 1122 : i32
        %parallel_loop3A_330 = vector.broadcast %parallel_loop3A_329 : i32 to vector<16xi32>
        %parallel_loop3A_331 = arith.addi %parallel_loop3A_307, %parallel_loop3A_330 : vector<16xi32>
        %parallel_loop3A_332 = tpu.vector_load_idx %arg5[%parallel_loop3A_331] : memref<108544xf32, #tpu.memory_space<vmem>>[vector<16xi32>], vector<16xf32>,
        %parallel_loop3A_333 = arith.constant 1123 : i32
        %parallel_loop3A_334 = vector.broadcast %parallel_loop3A_333 : i32 to vector<16xi32>
        %parallel_loop3A_335 = arith.addi %parallel_loop3A_307, %parallel_loop3A_334 : vector<16xi32>
        %parallel_loop3A_336 = tpu.vector_load_idx %arg5[%parallel_loop3A_335] : memref<108544xf32, #tpu.memory_space<vmem>>[vector<16xi32>], vector<16xf32>,
        %parallel_loop3A_337 = arith.subf %parallel_loop3A_312, %parallel_loop3A_308 : vector<16xf32>
        %parallel_loop3A_338 = arith.mulf %parallel_loop3A_186, %parallel_loop3A_337 : vector<16xf32>
        %parallel_loop3A_339 = arith.addf %parallel_loop3A_308, %parallel_loop3A_338 : vector<16xf32>
        %parallel_loop3A_340 = arith.subf %parallel_loop3A_320, %parallel_loop3A_316 : vector<16xf32>
        %parallel_loop3A_341 = arith.mulf %parallel_loop3A_186, %parallel_loop3A_340 : vector<16xf32>
        %parallel_loop3A_342 = arith.addf %parallel_loop3A_316, %parallel_loop3A_341 : vector<16xf32>
        %parallel_loop3A_343 = arith.subf %parallel_loop3A_328, %parallel_loop3A_324 : vector<16xf32>
        %parallel_loop3A_344 = arith.mulf %parallel_loop3A_186, %parallel_loop3A_343 : vector<16xf32>
        %parallel_loop3A_345 = arith.addf %parallel_loop3A_324, %parallel_loop3A_344 : vector<16xf32>
        %parallel_loop3A_346 = arith.subf %parallel_loop3A_336, %parallel_loop3A_332 : vector<16xf32>
        %parallel_loop3A_347 = arith.mulf %parallel_loop3A_186, %parallel_loop3A_346 : vector<16xf32>
        %parallel_loop3A_348 = arith.addf %parallel_loop3A_332, %parallel_loop3A_347 : vector<16xf32>
        %parallel_loop3A_349 = arith.subf %parallel_loop3A_342, %parallel_loop3A_339 : vector<16xf32>
        %parallel_loop3A_350 = arith.mulf %parallel_loop3A_184, %parallel_loop3A_349 : vector<16xf32>
        %parallel_loop3A_351 = arith.addf %parallel_loop3A_339, %parallel_loop3A_350 : vector<16xf32>
        %parallel_loop3A_352 = arith.subf %parallel_loop3A_348, %parallel_loop3A_345 : vector<16xf32>
        %parallel_loop3A_353 = arith.mulf %parallel_loop3A_184, %parallel_loop3A_352 : vector<16xf32>
        %parallel_loop3A_354 = arith.addf %parallel_loop3A_345, %parallel_loop3A_353 : vector<16xf32>
        %parallel_loop3A_355 = arith.subf %parallel_loop3A_354, %parallel_loop3A_351 : vector<16xf32>
        %parallel_loop3A_356 = arith.mulf %parallel_loop3A_182, %parallel_loop3A_355 : vector<16xf32>
        %parallel_loop3A_357 = arith.addf %parallel_loop3A_351, %parallel_loop3A_356 : vector<16xf32>
        %parallel_loop3A_358 = arith.index_cast %parallel_loop3A_144 : i32 to index
        %parallel_loop3A_359 = tpu.vector_load %arg17[%parallel_loop3A_358] {strides = array<i32>} : memref<1200xf32, #tpu.memory_space<vmem>>, vector<16xf32>,
        tpu.vector_store %arg17[%parallel_loop3A_358], %parallel_loop3A_357 {strides = array<i32>} : memref<1200xf32, #tpu.memory_space<vmem>>, vector<16xf32>,
      } {sc.loop_unroll_factor = 4 : i64, sc.parallel_access}
      %mul3A_122 = arith.constant 1200 : i32
      %mul3A_123 = arith.muli %add3A_101, %mul3A_122 : i32
      %add3A_124 = arith.addi %mul3A_2, %mul3A_123 : i32
      %add3A_125 = arith.constant 0 : i32
      %add3A_126 = arith.addi %add3A_125, %add3A_124 : i32
      %dma_start3A_127 = tpu.memref_slice %arg4[%add3A_126] : memref<6220800xf32, #tpu.memory_space<hbm>> -> memref<1200xf32, #tpu.memory_space<hbm>>
      %dma_start3A_128 = tpu.memref_slice %arg4[%add3A_126] : memref<6220800xf32, #tpu.memory_space<hbm>> -> memref<1200xf32, #tpu.memory_space<hbm>>
      tpu.enqueue_dma source(%arg15 : memref<1200xf32, #tpu.memory_space<vmem>>) target(%dma_start3A_128 : memref<1200xf32, #tpu.memory_space<hbm>>) target_semaphore(%arg21 : memref<!tpu.dma_semaphore, #tpu.memory_space<semaphore_mem>>)
      %add3A_129 = arith.constant 2073600 : i32
      %add3A_130 = arith.addi %add3A_129, %add3A_124 : i32
      %dma_start3A_131 = tpu.memref_slice %arg4[%add3A_130] : memref<6220800xf32, #tpu.memory_space<hbm>> -> memref<1200xf32, #tpu.memory_space<hbm>>
      %dma_start3A_132 = tpu.memref_slice %arg4[%add3A_130] : memref<6220800xf32, #tpu.memory_space<hbm>> -> memref<1200xf32, #tpu.memory_space<hbm>>
      tpu.enqueue_dma source(%arg16 : memref<1200xf32, #tpu.memory_space<vmem>>) target(%dma_start3A_132 : memref<1200xf32, #tpu.memory_space<hbm>>) target_semaphore(%arg21 : memref<!tpu.dma_semaphore, #tpu.memory_space<semaphore_mem>>)
      %add3A_133 = arith.constant 4147200 : i32
      %add3A_134 = arith.addi %add3A_133, %add3A_124 : i32
      %dma_start3A_135 = tpu.memref_slice %arg4[%add3A_134] : memref<6220800xf32, #tpu.memory_space<hbm>> -> memref<1200xf32, #tpu.memory_space<hbm>>
      %dma_start3A_136 = tpu.memref_slice %arg4[%add3A_134] : memref<6220800xf32, #tpu.memory_space<hbm>> -> memref<1200xf32, #tpu.memory_space<hbm>>
      tpu.enqueue_dma source(%arg17 : memref<1200xf32, #tpu.memory_space<vmem>>) target(%dma_start3A_136 : memref<1200xf32, #tpu.memory_space<hbm>>) target_semaphore(%arg21 : memref<!tpu.dma_semaphore, #tpu.memory_space<semaphore_mem>>)
      %lt3A_137 = arith.constant 26 : i32
      %lt3A_138 = arith.cmpi slt, %scan3A_58, %lt3A_137 : i32
      %convert_element_type3A_139 = arith.extui %lt3A_138 : i1 to i32
      %cond3A_140 = arith.constant 0 : i32
      %cond3A_141 = arith.cmpi ne, %convert_element_type3A_139, %cond3A_140 : i32
      scf.if %cond3A_141 {
        %add3A_142 = arith.constant 2 : i32
        %add3A_143 = arith.addi %add3A_101, %add3A_142 : i32
        %mul3A_144 = arith.constant 1200 : i32
        %mul3A_145 = arith.muli %add3A_143, %mul3A_144 : i32
        %add3A_146 = arith.addi %mul3A_2, %mul3A_145 : i32
        %add3A_147 = arith.constant 0 : i32
        %add3A_148 = arith.addi %add3A_147, %add3A_146 : i32
        %dma_start3A_149 = tpu.memref_slice %arg3[%add3A_148] : memref<6220800xf32, #tpu.memory_space<hbm>> -> memref<1200xf32, #tpu.memory_space<hbm>>
        %dma_start3A_150 = tpu.memref_slice %arg3[%add3A_148] : memref<6220800xf32, #tpu.memory_space<hbm>> -> memref<1200xf32, #tpu.memory_space<hbm>>
        tpu.enqueue_dma source(%dma_start3A_150 : memref<1200xf32, #tpu.memory_space<hbm>>) target(%arg9 : memref<1200xf32, #tpu.memory_space<vmem>>) target_semaphore(%arg19 : memref<!tpu.dma_semaphore, #tpu.memory_space<semaphore_mem>>)
        %add3A_151 = arith.constant 2073600 : i32
        %add3A_152 = arith.addi %add3A_151, %add3A_146 : i32
        %dma_start3A_153 = tpu.memref_slice %arg3[%add3A_152] : memref<6220800xf32, #tpu.memory_space<hbm>> -> memref<1200xf32, #tpu.memory_space<hbm>>
        %dma_start3A_154 = tpu.memref_slice %arg3[%add3A_152] : memref<6220800xf32, #tpu.memory_space<hbm>> -> memref<1200xf32, #tpu.memory_space<hbm>>
        tpu.enqueue_dma source(%dma_start3A_154 : memref<1200xf32, #tpu.memory_space<hbm>>) target(%arg10 : memref<1200xf32, #tpu.memory_space<vmem>>) target_semaphore(%arg19 : memref<!tpu.dma_semaphore, #tpu.memory_space<semaphore_mem>>)
        %add3A_155 = arith.constant 4147200 : i32
        %add3A_156 = arith.addi %add3A_155, %add3A_146 : i32
        %dma_start3A_157 = tpu.memref_slice %arg3[%add3A_156] : memref<6220800xf32, #tpu.memory_space<hbm>> -> memref<1200xf32, #tpu.memory_space<hbm>>
        %dma_start3A_158 = tpu.memref_slice %arg3[%add3A_156] : memref<6220800xf32, #tpu.memory_space<hbm>> -> memref<1200xf32, #tpu.memory_space<hbm>>
        tpu.enqueue_dma source(%dma_start3A_158 : memref<1200xf32, #tpu.memory_space<hbm>>) target(%arg11 : memref<1200xf32, #tpu.memory_space<vmem>>) target_semaphore(%arg19 : memref<!tpu.dma_semaphore, #tpu.memory_space<semaphore_mem>>)
      } else {
      }
    }
    %scan3A_34 = arith.constant 27 : i32
    %dma_wait3A = arith.constant 0 : i32
    %dma_wait3A_35 = tpu.memref_slice %arg4[%dma_wait3A] : memref<6220800xf32, #tpu.memory_space<hbm>> -> memref<1200xf32, #tpu.memory_space<hbm>>
    %dma_wait3A_36 = arith.constant 0 : i32
    %dma_wait3A_37 = tpu.memref_slice %arg4[%dma_wait3A_36] : memref<6220800xf32, #tpu.memory_space<hbm>> -> memref<1200xf32, #tpu.memory_space<hbm>>
    tpu.wait_dma2 semaphore(%arg20 : memref<!tpu.dma_semaphore, #tpu.memory_space<semaphore_mem>>) src(%arg12 : memref<1200xf32, #tpu.memory_space<vmem>>) dst(%dma_wait3A_37 : memref<1200xf32, #tpu.memory_space<hbm>>)
    %dma_wait3A_38 = arith.constant 0 : i32
    %dma_wait3A_39 = tpu.memref_slice %arg4[%dma_wait3A_38] : memref<6220800xf32, #tpu.memory_space<hbm>> -> memref<1200xf32, #tpu.memory_space<hbm>>
    %dma_wait3A_40 = arith.constant 0 : i32
    %dma_wait3A_41 = tpu.memref_slice %arg4[%dma_wait3A_40] : memref<6220800xf32, #tpu.memory_space<hbm>> -> memref<1200xf32, #tpu.memory_space<hbm>>
    tpu.wait_dma2 semaphore(%arg20 : memref<!tpu.dma_semaphore, #tpu.memory_space<semaphore_mem>>) src(%arg13 : memref<1200xf32, #tpu.memory_space<vmem>>) dst(%dma_wait3A_41 : memref<1200xf32, #tpu.memory_space<hbm>>)
    %dma_wait3A_42 = arith.constant 0 : i32
    %dma_wait3A_43 = tpu.memref_slice %arg4[%dma_wait3A_42] : memref<6220800xf32, #tpu.memory_space<hbm>> -> memref<1200xf32, #tpu.memory_space<hbm>>
    %dma_wait3A_44 = arith.constant 0 : i32
    %dma_wait3A_45 = tpu.memref_slice %arg4[%dma_wait3A_44] : memref<6220800xf32, #tpu.memory_space<hbm>> -> memref<1200xf32, #tpu.memory_space<hbm>>
    tpu.wait_dma2 semaphore(%arg20 : memref<!tpu.dma_semaphore, #tpu.memory_space<semaphore_mem>>) src(%arg14 : memref<1200xf32, #tpu.memory_space<vmem>>) dst(%dma_wait3A_45 : memref<1200xf32, #tpu.memory_space<hbm>>)
    %dma_wait3A_46 = arith.constant 0 : i32
    %dma_wait3A_47 = tpu.memref_slice %arg4[%dma_wait3A_46] : memref<6220800xf32, #tpu.memory_space<hbm>> -> memref<1200xf32, #tpu.memory_space<hbm>>
    %dma_wait3A_48 = arith.constant 0 : i32
    %dma_wait3A_49 = tpu.memref_slice %arg4[%dma_wait3A_48] : memref<6220800xf32, #tpu.memory_space<hbm>> -> memref<1200xf32, #tpu.memory_space<hbm>>
    tpu.wait_dma2 semaphore(%arg21 : memref<!tpu.dma_semaphore, #tpu.memory_space<semaphore_mem>>) src(%arg15 : memref<1200xf32, #tpu.memory_space<vmem>>) dst(%dma_wait3A_49 : memref<1200xf32, #tpu.memory_space<hbm>>)
    %dma_wait3A_50 = arith.constant 0 : i32
    %dma_wait3A_51 = tpu.memref_slice %arg4[%dma_wait3A_50] : memref<6220800xf32, #tpu.memory_space<hbm>> -> memref<1200xf32, #tpu.memory_space<hbm>>
    %dma_wait3A_52 = arith.constant 0 : i32
    %dma_wait3A_53 = tpu.memref_slice %arg4[%dma_wait3A_52] : memref<6220800xf32, #tpu.memory_space<hbm>> -> memref<1200xf32, #tpu.memory_space<hbm>>
    tpu.wait_dma2 semaphore(%arg21 : memref<!tpu.dma_semaphore, #tpu.memory_space<semaphore_mem>>) src(%arg16 : memref<1200xf32, #tpu.memory_space<vmem>>) dst(%dma_wait3A_53 : memref<1200xf32, #tpu.memory_space<hbm>>)
    %dma_wait3A_54 = arith.constant 0 : i32
    %dma_wait3A_55 = tpu.memref_slice %arg4[%dma_wait3A_54] : memref<6220800xf32, #tpu.memory_space<hbm>> -> memref<1200xf32, #tpu.memory_space<hbm>>
    %dma_wait3A_56 = arith.constant 0 : i32
    %dma_wait3A_57 = tpu.memref_slice %arg4[%dma_wait3A_56] : memref<6220800xf32, #tpu.memory_space<hbm>> -> memref<1200xf32, #tpu.memory_space<hbm>>
    tpu.wait_dma2 semaphore(%arg21 : memref<!tpu.dma_semaphore, #tpu.memory_space<semaphore_mem>>) src(%arg17 : memref<1200xf32, #tpu.memory_space<vmem>>) dst(%dma_wait3A_57 : memref<1200xf32, #tpu.memory_space<hbm>>)
    return
  }
}

module attributes {stable_mosaic.version = 14 : i64} {
  func.func @_cls_body(%arg0: memref<3240x1920xf32, #tpu.memory_space<vmem>>, %arg1: memref<1920x256xf32, #tpu.memory_space<vmem>>, %arg2: memref<256x1080xf32, #tpu.memory_space<vmem>>, %arg3: memref<256x128xf32, #tpu.memory_space<vmem>>, %arg4: memref<256x128xf32, #tpu.memory_space<vmem>>, %arg5: memref<256x128xf32, #tpu.memory_space<vmem>>, %arg6: memref<128x64xf32, #tpu.memory_space<vmem>>, %arg7: memref<128x64xf32, #tpu.memory_space<vmem>>, %arg8: memref<128x64xf32, #tpu.memory_space<vmem>>, %arg9: memref<384x1xf32, #tpu.memory_space<vmem>>, %arg10: memref<1024x1xf32, #tpu.memory_space<vmem>>, %arg11: memref<16x27xf32, #tpu.memory_space<vmem>>, %arg12: memref<16x1xf32, #tpu.memory_space<vmem>>, %arg13: memref<32x48xf32, #tpu.memory_space<vmem>>, %arg14: memref<32x48xf32, #tpu.memory_space<vmem>>, %arg15: memref<32x48xf32, #tpu.memory_space<vmem>>, %arg16: memref<32x1xf32, #tpu.memory_space<vmem>>, %arg17: memref<3x32xf32, #tpu.memory_space<vmem>>, %arg18: memref<3x1xf32, #tpu.memory_space<vmem>>, %arg19: memref<848x128xf32, #tpu.memory_space<vmem>>, %arg20: memref<848x128xf32, #tpu.memory_space<vmem>>, %arg21: memref<848x128xf32, #tpu.memory_space<vmem>>, %arg22: memref<848x128xf32, #tpu.memory_space<vmem>>) attributes {dimension_semantics = [], scalar_prefetch = 0 : i64, scratch_operands = 0 : i64, tpu.core_type = #tpu.core_type<tc>} {
    %get3A = arith.constant 0 : index
    %get3A_0 = arith.constant 0 : index
    %get3A_1 = vector.load %arg0[%get3A, %get3A_0] : memref<3240x1920xf32, #tpu.memory_space<vmem>>, vector<1080x1920xf32>
    %get3A_2 = arith.constant 0 : index
    %get3A_3 = arith.constant 0 : index
    %get3A_4 = vector.load %arg1[%get3A_2, %get3A_3] : memref<1920x256xf32, #tpu.memory_space<vmem>>, vector<1920x256xf32>
    %dot_general3A = arith.constant dense<0.000000e+00> : vector<1080x256xf32>
    %dot_general3A_5 = tpu.matmul %get3A_1, %get3A_4, %dot_general3A {dimension_numbers = #tpu.dot_dimension_numbers<[1], [0], [0], [1], [0, 0, 1, 1], [], []>, transpose_lhs_hint = false} : vector<1080x1920xf32>, vector<1920x256xf32>, vector<1080x256xf32> -> vector<1080x256xf32>
    %get3A_6 = arith.constant 0 : index
    %get3A_7 = arith.constant 0 : index
    %get3A_8 = vector.load %arg2[%get3A_6, %get3A_7] : memref<256x1080xf32, #tpu.memory_space<vmem>>, vector<256x1080xf32>
    %dot_general3A_9 = arith.constant dense<0.000000e+00> : vector<256x256xf32>
    %dot_general3A_10 = tpu.matmul %get3A_8, %dot_general3A_5, %dot_general3A_9 {dimension_numbers = #tpu.dot_dimension_numbers<[1], [0], [0], [1], [0, 0, 1, 1], [], []>, transpose_lhs_hint = false} : vector<256x1080xf32>, vector<1080x256xf32>, vector<256x256xf32> -> vector<256x256xf32>
    %get3A_11 = arith.constant 1080 : index
    %get3A_12 = arith.constant 0 : index
    %get3A_13 = vector.load %arg0[%get3A_11, %get3A_12] : memref<3240x1920xf32, #tpu.memory_space<vmem>>, vector<1080x1920xf32>
    %get3A_14 = arith.constant 0 : index
    %get3A_15 = arith.constant 0 : index
    %get3A_16 = vector.load %arg1[%get3A_14, %get3A_15] : memref<1920x256xf32, #tpu.memory_space<vmem>>, vector<1920x256xf32>
    %dot_general3A_17 = arith.constant dense<0.000000e+00> : vector<1080x256xf32>
    %dot_general3A_18 = tpu.matmul %get3A_13, %get3A_16, %dot_general3A_17 {dimension_numbers = #tpu.dot_dimension_numbers<[1], [0], [0], [1], [0, 0, 1, 1], [], []>, transpose_lhs_hint = false} : vector<1080x1920xf32>, vector<1920x256xf32>, vector<1080x256xf32> -> vector<1080x256xf32>
    %get3A_19 = arith.constant 0 : index
    %get3A_20 = arith.constant 0 : index
    %get3A_21 = vector.load %arg2[%get3A_19, %get3A_20] : memref<256x1080xf32, #tpu.memory_space<vmem>>, vector<256x1080xf32>
    %dot_general3A_22 = arith.constant dense<0.000000e+00> : vector<256x256xf32>
    %dot_general3A_23 = tpu.matmul %get3A_21, %dot_general3A_18, %dot_general3A_22 {dimension_numbers = #tpu.dot_dimension_numbers<[1], [0], [0], [1], [0, 0, 1, 1], [], []>, transpose_lhs_hint = false} : vector<256x1080xf32>, vector<1080x256xf32>, vector<256x256xf32> -> vector<256x256xf32>
    %get3A_24 = arith.constant 2160 : index
    %get3A_25 = arith.constant 0 : index
    %get3A_26 = vector.load %arg0[%get3A_24, %get3A_25] : memref<3240x1920xf32, #tpu.memory_space<vmem>>, vector<1080x1920xf32>
    %get3A_27 = arith.constant 0 : index
    %get3A_28 = arith.constant 0 : index
    %get3A_29 = vector.load %arg1[%get3A_27, %get3A_28] : memref<1920x256xf32, #tpu.memory_space<vmem>>, vector<1920x256xf32>
    %dot_general3A_30 = arith.constant dense<0.000000e+00> : vector<1080x256xf32>
    %dot_general3A_31 = tpu.matmul %get3A_26, %get3A_29, %dot_general3A_30 {dimension_numbers = #tpu.dot_dimension_numbers<[1], [0], [0], [1], [0, 0, 1, 1], [], []>, transpose_lhs_hint = false} : vector<1080x1920xf32>, vector<1920x256xf32>, vector<1080x256xf32> -> vector<1080x256xf32>
    %get3A_32 = arith.constant 0 : index
    %get3A_33 = arith.constant 0 : index
    %get3A_34 = vector.load %arg2[%get3A_32, %get3A_33] : memref<256x1080xf32, #tpu.memory_space<vmem>>, vector<256x1080xf32>
    %dot_general3A_35 = arith.constant dense<0.000000e+00> : vector<256x256xf32>
    %dot_general3A_36 = tpu.matmul %get3A_34, %dot_general3A_31, %dot_general3A_35 {dimension_numbers = #tpu.dot_dimension_numbers<[1], [0], [0], [1], [0, 0, 1, 1], [], []>, transpose_lhs_hint = false} : vector<256x1080xf32>, vector<1080x256xf32>, vector<256x256xf32> -> vector<256x256xf32>
    %concatenate3A = tpu.concatenate %dot_general3A_10, %dot_general3A_23, %dot_general3A_36 in 0 : vector<256x256xf32>, vector<256x256xf32>, vector<256x256xf32> -> vector<768x256xf32>
    %get3A_37 = arith.constant 0 : index
    %get3A_38 = arith.constant 0 : index
    %get3A_39 = vector.load %arg3[%get3A_37, %get3A_38] : memref<256x128xf32, #tpu.memory_space<vmem>>, vector<256x128xf32>
    %get3A_40 = arith.constant 0 : index
    %get3A_41 = arith.constant 0 : index
    %get3A_42 = vector.load %arg4[%get3A_40, %get3A_41] : memref<256x128xf32, #tpu.memory_space<vmem>>, vector<256x128xf32>
    %get3A_43 = arith.constant 0 : index
    %get3A_44 = arith.constant 0 : index
    %get3A_45 = vector.load %arg5[%get3A_43, %get3A_44] : memref<256x128xf32, #tpu.memory_space<vmem>>, vector<256x128xf32>
    %dot_general3A_46 = arith.constant dense<0.000000e+00> : vector<768x128xf32>
    %dot_general3A_47 = tpu.matmul %concatenate3A, %get3A_39, %dot_general3A_46 {dimension_numbers = #tpu.dot_dimension_numbers<[1], [0], [0], [1], [0, 0, 1, 1], [], []>, transpose_lhs_hint = false} : vector<768x256xf32>, vector<256x128xf32>, vector<768x128xf32> -> vector<768x128xf32>
    %dot_general3A_48 = arith.constant dense<0.000000e+00> : vector<768x128xf32>
    %dot_general3A_49 = tpu.matmul %concatenate3A, %get3A_42, %dot_general3A_48 {dimension_numbers = #tpu.dot_dimension_numbers<[1], [0], [0], [1], [0, 0, 1, 1], [], []>, transpose_lhs_hint = false} : vector<768x256xf32>, vector<256x128xf32>, vector<768x128xf32> -> vector<768x128xf32>
    %dot_general3A_50 = arith.constant dense<0.000000e+00> : vector<768x128xf32>
    %dot_general3A_51 = tpu.matmul %concatenate3A, %get3A_45, %dot_general3A_50 {dimension_numbers = #tpu.dot_dimension_numbers<[1], [0], [0], [1], [0, 0, 1, 1], [], []>, transpose_lhs_hint = false} : vector<768x256xf32>, vector<256x128xf32>, vector<768x128xf32> -> vector<768x128xf32>
    %get3A_52 = arith.constant 0 : index
    %get3A_53 = arith.constant 0 : index
    %get3A_54 = vector.load %arg9[%get3A_52, %get3A_53] : memref<384x1xf32, #tpu.memory_space<vmem>>, vector<384x1xf32>
    %reshape3A = vector.shape_cast %dot_general3A_47 : vector<768x128xf32> to vector<384x2x128xf32>
    %slice3A = vector.extract_strided_slice %reshape3A {offsets = [0, 0, 0], sizes = [384, 1, 128], strides = [1, 1, 1]} : vector<384x2x128xf32> to vector<384x1x128xf32>
    %squeeze3A = vector.shape_cast %slice3A : vector<384x1x128xf32> to vector<384x128xf32>
    %reshape3A_55 = vector.shape_cast %squeeze3A : vector<384x128xf32> to vector<3x16384xf32>
    %reshape3A_56 = vector.shape_cast %dot_general3A_49 : vector<768x128xf32> to vector<384x2x128xf32>
    %slice3A_57 = vector.extract_strided_slice %reshape3A_56 {offsets = [0, 0, 0], sizes = [384, 1, 128], strides = [1, 1, 1]} : vector<384x2x128xf32> to vector<384x1x128xf32>
    %squeeze3A_58 = vector.shape_cast %slice3A_57 : vector<384x1x128xf32> to vector<384x128xf32>
    %reshape3A_59 = vector.shape_cast %squeeze3A_58 : vector<384x128xf32> to vector<3x16384xf32>
    %reshape3A_60 = vector.shape_cast %dot_general3A_51 : vector<768x128xf32> to vector<384x2x128xf32>
    %slice3A_61 = vector.extract_strided_slice %reshape3A_60 {offsets = [0, 0, 0], sizes = [384, 1, 128], strides = [1, 1, 1]} : vector<384x2x128xf32> to vector<384x1x128xf32>
    %squeeze3A_62 = vector.shape_cast %slice3A_61 : vector<384x1x128xf32> to vector<384x128xf32>
    %reshape3A_63 = vector.shape_cast %squeeze3A_62 : vector<384x128xf32> to vector<3x16384xf32>
    %reshape3A_64 = vector.shape_cast %dot_general3A_47 : vector<768x128xf32> to vector<384x2x128xf32>
    %slice3A_65 = vector.extract_strided_slice %reshape3A_64 {offsets = [0, 1, 0], sizes = [384, 1, 128], strides = [1, 1, 1]} : vector<384x2x128xf32> to vector<384x1x128xf32>
    %squeeze3A_66 = vector.shape_cast %slice3A_65 : vector<384x1x128xf32> to vector<384x128xf32>
    %reshape3A_67 = vector.shape_cast %squeeze3A_66 : vector<384x128xf32> to vector<3x16384xf32>
    %reshape3A_68 = vector.shape_cast %dot_general3A_49 : vector<768x128xf32> to vector<384x2x128xf32>
    %slice3A_69 = vector.extract_strided_slice %reshape3A_68 {offsets = [0, 1, 0], sizes = [384, 1, 128], strides = [1, 1, 1]} : vector<384x2x128xf32> to vector<384x1x128xf32>
    %squeeze3A_70 = vector.shape_cast %slice3A_69 : vector<384x1x128xf32> to vector<384x128xf32>
    %reshape3A_71 = vector.shape_cast %squeeze3A_70 : vector<384x128xf32> to vector<3x16384xf32>
    %reshape3A_72 = vector.shape_cast %dot_general3A_51 : vector<768x128xf32> to vector<384x2x128xf32>
    %slice3A_73 = vector.extract_strided_slice %reshape3A_72 {offsets = [0, 1, 0], sizes = [384, 1, 128], strides = [1, 1, 1]} : vector<384x2x128xf32> to vector<384x1x128xf32>
    %squeeze3A_74 = vector.shape_cast %slice3A_73 : vector<384x1x128xf32> to vector<384x128xf32>
    %reshape3A_75 = vector.shape_cast %squeeze3A_74 : vector<384x128xf32> to vector<3x16384xf32>
    %reshape3A_76 = vector.shape_cast %dot_general3A_47 : vector<768x128xf32> to vector<384x2x128xf32>
    %slice3A_77 = vector.extract_strided_slice %reshape3A_76 {offsets = [0, 0, 0], sizes = [384, 1, 128], strides = [1, 1, 1]} : vector<384x2x128xf32> to vector<384x1x128xf32>
    %squeeze3A_78 = vector.shape_cast %slice3A_77 : vector<384x1x128xf32> to vector<384x128xf32>
    %slice3A_79 = vector.extract_strided_slice %squeeze3A_78 {offsets = [1, 0], sizes = [383, 128], strides = [1, 1]} : vector<384x128xf32> to vector<383x128xf32>
    %broadcast_in_dim3A = arith.constant 0.000000e+00 : f32
    %broadcast_in_dim3A_80 = vector.broadcast %broadcast_in_dim3A : f32 to vector<1x128xf32>
    %concatenate3A_81 = tpu.concatenate %slice3A_79, %broadcast_in_dim3A_80 in 0 : vector<383x128xf32>, vector<1x128xf32> -> vector<384x128xf32>
    %mul3A = vector.broadcast %get3A_54 : vector<384x1xf32> to vector<384x128xf32>
    %mul3A_82 = arith.mulf %concatenate3A_81, %mul3A : vector<384x128xf32>
    %reshape3A_83 = vector.shape_cast %mul3A_82 : vector<384x128xf32> to vector<3x16384xf32>
    %reshape3A_84 = vector.shape_cast %dot_general3A_49 : vector<768x128xf32> to vector<384x2x128xf32>
    %slice3A_85 = vector.extract_strided_slice %reshape3A_84 {offsets = [0, 0, 0], sizes = [384, 1, 128], strides = [1, 1, 1]} : vector<384x2x128xf32> to vector<384x1x128xf32>
    %squeeze3A_86 = vector.shape_cast %slice3A_85 : vector<384x1x128xf32> to vector<384x128xf32>
    %slice3A_87 = vector.extract_strided_slice %squeeze3A_86 {offsets = [1, 0], sizes = [383, 128], strides = [1, 1]} : vector<384x128xf32> to vector<383x128xf32>
    %broadcast_in_dim3A_88 = arith.constant 0.000000e+00 : f32
    %broadcast_in_dim3A_89 = vector.broadcast %broadcast_in_dim3A_88 : f32 to vector<1x128xf32>
    %concatenate3A_90 = tpu.concatenate %slice3A_87, %broadcast_in_dim3A_89 in 0 : vector<383x128xf32>, vector<1x128xf32> -> vector<384x128xf32>
    %mul3A_91 = vector.broadcast %get3A_54 : vector<384x1xf32> to vector<384x128xf32>
    %mul3A_92 = arith.mulf %concatenate3A_90, %mul3A_91 : vector<384x128xf32>
    %reshape3A_93 = vector.shape_cast %mul3A_92 : vector<384x128xf32> to vector<3x16384xf32>
    %reshape3A_94 = vector.shape_cast %dot_general3A_51 : vector<768x128xf32> to vector<384x2x128xf32>
    %slice3A_95 = vector.extract_strided_slice %reshape3A_94 {offsets = [0, 0, 0], sizes = [384, 1, 128], strides = [1, 1, 1]} : vector<384x2x128xf32> to vector<384x1x128xf32>
    %squeeze3A_96 = vector.shape_cast %slice3A_95 : vector<384x1x128xf32> to vector<384x128xf32>
    %slice3A_97 = vector.extract_strided_slice %squeeze3A_96 {offsets = [1, 0], sizes = [383, 128], strides = [1, 1]} : vector<384x128xf32> to vector<383x128xf32>
    %broadcast_in_dim3A_98 = arith.constant 0.000000e+00 : f32
    %broadcast_in_dim3A_99 = vector.broadcast %broadcast_in_dim3A_98 : f32 to vector<1x128xf32>
    %concatenate3A_100 = tpu.concatenate %slice3A_97, %broadcast_in_dim3A_99 in 0 : vector<383x128xf32>, vector<1x128xf32> -> vector<384x128xf32>
    %mul3A_101 = vector.broadcast %get3A_54 : vector<384x1xf32> to vector<384x128xf32>
    %mul3A_102 = arith.mulf %concatenate3A_100, %mul3A_101 : vector<384x128xf32>
    %reshape3A_103 = vector.shape_cast %mul3A_102 : vector<384x128xf32> to vector<3x16384xf32>
    %concatenate3A_104 = tpu.concatenate %reshape3A_55, %reshape3A_59, %reshape3A_63, %reshape3A_67, %reshape3A_71, %reshape3A_75, %reshape3A_83, %reshape3A_93, %reshape3A_103 in 0 : vector<3x16384xf32>, vector<3x16384xf32>, vector<3x16384xf32>, vector<3x16384xf32>, vector<3x16384xf32>, vector<3x16384xf32>, vector<3x16384xf32>, vector<3x16384xf32>, vector<3x16384xf32> -> vector<27x16384xf32>
    %get3A_105 = arith.constant 0 : index
    %get3A_106 = arith.constant 0 : index
    %get3A_107 = vector.load %arg11[%get3A_105, %get3A_106] : memref<16x27xf32, #tpu.memory_space<vmem>>, vector<16x27xf32>
    %dot_general3A_108 = arith.constant dense<0.000000e+00> : vector<16x16384xf32>
    %dot_general3A_109 = tpu.matmul %get3A_107, %concatenate3A_104, %dot_general3A_108 {dimension_numbers = #tpu.dot_dimension_numbers<[1], [0], [0], [1], [0, 0, 1, 1], [], []>, transpose_lhs_hint = false} : vector<16x27xf32>, vector<27x16384xf32>, vector<16x16384xf32> -> vector<16x16384xf32>
    %get3A_110 = arith.constant 0 : index
    %get3A_111 = arith.constant 0 : index
    %get3A_112 = vector.load %arg12[%get3A_110, %get3A_111] : memref<16x1xf32, #tpu.memory_space<vmem>>, vector<16x1xf32>
    %add3A = vector.broadcast %get3A_112 : vector<16x1xf32> to vector<16x16384xf32>
    %add3A_113 = arith.addf %dot_general3A_109, %add3A : vector<16x16384xf32>
    %gt3A = arith.constant 0.000000e+00 : f32
    %gt3A_114 = vector.broadcast %gt3A : f32 to vector<16x16384xf32>
    %gt3A_115 = arith.cmpf ogt, %add3A_113, %gt3A_114 : vector<16x16384xf32>
    %mul3A_116 = arith.constant 2.000000e-01 : f32
    %mul3A_117 = vector.broadcast %mul3A_116 : f32 to vector<16x16384xf32>
    %mul3A_118 = arith.mulf %mul3A_117, %add3A_113 : vector<16x16384xf32>
    %select_n3A = arith.select %gt3A_115, %add3A_113, %mul3A_118 : vector<16x16384xi1>, vector<16x16384xf32>
    %reshape3A_119 = vector.shape_cast %select_n3A : vector<16x16384xf32> to vector<2048x128xf32>
    %get3A_120 = arith.constant 0 : index
    %get3A_121 = arith.constant 0 : index
    %get3A_122 = vector.load %arg6[%get3A_120, %get3A_121] : memref<128x64xf32, #tpu.memory_space<vmem>>, vector<128x64xf32>
    %get3A_123 = arith.constant 0 : index
    %get3A_124 = arith.constant 0 : index
    %get3A_125 = vector.load %arg7[%get3A_123, %get3A_124] : memref<128x64xf32, #tpu.memory_space<vmem>>, vector<128x64xf32>
    %get3A_126 = arith.constant 0 : index
    %get3A_127 = arith.constant 0 : index
    %get3A_128 = vector.load %arg8[%get3A_126, %get3A_127] : memref<128x64xf32, #tpu.memory_space<vmem>>, vector<128x64xf32>
    %get3A_129 = arith.constant 0 : index
    %get3A_130 = arith.constant 0 : index
    %get3A_131 = vector.load %arg13[%get3A_129, %get3A_130] : memref<32x48xf32, #tpu.memory_space<vmem>>, vector<32x48xf32>
    %get3A_132 = arith.constant 0 : index
    %get3A_133 = arith.constant 0 : index
    %get3A_134 = vector.load %arg14[%get3A_132, %get3A_133] : memref<32x48xf32, #tpu.memory_space<vmem>>, vector<32x48xf32>
    %get3A_135 = arith.constant 0 : index
    %get3A_136 = arith.constant 0 : index
    %get3A_137 = vector.load %arg15[%get3A_135, %get3A_136] : memref<32x48xf32, #tpu.memory_space<vmem>>, vector<32x48xf32>
    %get3A_138 = arith.constant 0 : index
    %get3A_139 = arith.constant 0 : index
    %get3A_140 = vector.load %arg10[%get3A_138, %get3A_139] : memref<1024x1xf32, #tpu.memory_space<vmem>>, vector<1024x1xf32>
    %reshape3A_141 = vector.shape_cast %reshape3A_119 : vector<2048x128xf32> to vector<1024x2x128xf32>
    %slice3A_142 = vector.extract_strided_slice %reshape3A_141 {offsets = [0, 0, 0], sizes = [1024, 1, 128], strides = [1, 1, 1]} : vector<1024x2x128xf32> to vector<1024x1x128xf32>
    %squeeze3A_143 = vector.shape_cast %slice3A_142 : vector<1024x1x128xf32> to vector<1024x128xf32>
    %reshape3A_144 = vector.shape_cast %squeeze3A_143 : vector<1024x128xf32> to vector<16x8192xf32>
    %reshape3A_145 = vector.shape_cast %reshape3A_119 : vector<2048x128xf32> to vector<1024x2x128xf32>
    %slice3A_146 = vector.extract_strided_slice %reshape3A_145 {offsets = [0, 1, 0], sizes = [1024, 1, 128], strides = [1, 1, 1]} : vector<1024x2x128xf32> to vector<1024x1x128xf32>
    %squeeze3A_147 = vector.shape_cast %slice3A_146 : vector<1024x1x128xf32> to vector<1024x128xf32>
    %reshape3A_148 = vector.shape_cast %squeeze3A_147 : vector<1024x128xf32> to vector<16x8192xf32>
    %reshape3A_149 = vector.shape_cast %reshape3A_119 : vector<2048x128xf32> to vector<1024x2x128xf32>
    %slice3A_150 = vector.extract_strided_slice %reshape3A_149 {offsets = [0, 0, 0], sizes = [1024, 1, 128], strides = [1, 1, 1]} : vector<1024x2x128xf32> to vector<1024x1x128xf32>
    %squeeze3A_151 = vector.shape_cast %slice3A_150 : vector<1024x1x128xf32> to vector<1024x128xf32>
    %slice3A_152 = vector.extract_strided_slice %squeeze3A_151 {offsets = [1, 0], sizes = [1023, 128], strides = [1, 1]} : vector<1024x128xf32> to vector<1023x128xf32>
    %broadcast_in_dim3A_153 = arith.constant 0.000000e+00 : f32
    %broadcast_in_dim3A_154 = vector.broadcast %broadcast_in_dim3A_153 : f32 to vector<1x128xf32>
    %concatenate3A_155 = tpu.concatenate %slice3A_152, %broadcast_in_dim3A_154 in 0 : vector<1023x128xf32>, vector<1x128xf32> -> vector<1024x128xf32>
    %mul3A_156 = vector.broadcast %get3A_140 : vector<1024x1xf32> to vector<1024x128xf32>
    %mul3A_157 = arith.mulf %concatenate3A_155, %mul3A_156 : vector<1024x128xf32>
    %reshape3A_158 = vector.shape_cast %mul3A_157 : vector<1024x128xf32> to vector<16x8192xf32>
    %concatenate3A_159 = tpu.concatenate %reshape3A_144, %reshape3A_148, %reshape3A_158 in 0 : vector<16x8192xf32>, vector<16x8192xf32>, vector<16x8192xf32> -> vector<48x8192xf32>
    %dot_general3A_160 = arith.constant dense<0.000000e+00> : vector<32x8192xf32>
    %dot_general3A_161 = tpu.matmul %get3A_131, %concatenate3A_159, %dot_general3A_160 {dimension_numbers = #tpu.dot_dimension_numbers<[1], [0], [0], [1], [0, 0, 1, 1], [], []>, transpose_lhs_hint = false} : vector<32x48xf32>, vector<48x8192xf32>, vector<32x8192xf32> -> vector<32x8192xf32>
    %reshape3A_162 = vector.shape_cast %dot_general3A_161 : vector<32x8192xf32> to vector<2048x128xf32>
    %dot_general3A_163 = arith.constant dense<0.000000e+00> : vector<2048x64xf32>
    %dot_general3A_164 = tpu.matmul %reshape3A_162, %get3A_122, %dot_general3A_163 {dimension_numbers = #tpu.dot_dimension_numbers<[1], [0], [0], [1], [0, 0, 1, 1], [], []>, transpose_lhs_hint = false} : vector<2048x128xf32>, vector<128x64xf32>, vector<2048x64xf32> -> vector<2048x64xf32>
    %dot_general3A_165 = arith.constant dense<0.000000e+00> : vector<32x8192xf32>
    %dot_general3A_166 = tpu.matmul %get3A_134, %concatenate3A_159, %dot_general3A_165 {dimension_numbers = #tpu.dot_dimension_numbers<[1], [0], [0], [1], [0, 0, 1, 1], [], []>, transpose_lhs_hint = false} : vector<32x48xf32>, vector<48x8192xf32>, vector<32x8192xf32> -> vector<32x8192xf32>
    %reshape3A_167 = vector.shape_cast %dot_general3A_166 : vector<32x8192xf32> to vector<2048x128xf32>
    %dot_general3A_168 = arith.constant dense<0.000000e+00> : vector<2048x64xf32>
    %dot_general3A_169 = tpu.matmul %reshape3A_167, %get3A_125, %dot_general3A_168 {dimension_numbers = #tpu.dot_dimension_numbers<[1], [0], [0], [1], [0, 0, 1, 1], [], []>, transpose_lhs_hint = false} : vector<2048x128xf32>, vector<128x64xf32>, vector<2048x64xf32> -> vector<2048x64xf32>
    %add3A_170 = arith.addf %dot_general3A_164, %dot_general3A_169 : vector<2048x64xf32>
    %dot_general3A_171 = arith.constant dense<0.000000e+00> : vector<32x8192xf32>
    %dot_general3A_172 = tpu.matmul %get3A_137, %concatenate3A_159, %dot_general3A_171 {dimension_numbers = #tpu.dot_dimension_numbers<[1], [0], [0], [1], [0, 0, 1, 1], [], []>, transpose_lhs_hint = false} : vector<32x48xf32>, vector<48x8192xf32>, vector<32x8192xf32> -> vector<32x8192xf32>
    %reshape3A_173 = vector.shape_cast %dot_general3A_172 : vector<32x8192xf32> to vector<2048x128xf32>
    %dot_general3A_174 = arith.constant dense<0.000000e+00> : vector<2048x64xf32>
    %dot_general3A_175 = tpu.matmul %reshape3A_173, %get3A_128, %dot_general3A_174 {dimension_numbers = #tpu.dot_dimension_numbers<[1], [0], [0], [1], [0, 0, 1, 1], [], []>, transpose_lhs_hint = false} : vector<2048x128xf32>, vector<128x64xf32>, vector<2048x64xf32> -> vector<2048x64xf32>
    %add3A_176 = arith.addf %add3A_170, %dot_general3A_175 : vector<2048x64xf32>
    %reshape3A_177 = vector.shape_cast %add3A_176 : vector<2048x64xf32> to vector<32x64x64xf32>
    %get3A_178 = arith.constant 0 : index
    %get3A_179 = arith.constant 0 : index
    %get3A_180 = vector.load %arg16[%get3A_178, %get3A_179] : memref<32x1xf32, #tpu.memory_space<vmem>>, vector<32x1xf32>
    %reshape3A_181 = vector.shape_cast %get3A_180 : vector<32x1xf32> to vector<32x1x1xf32>
    %add3A_182 = vector.broadcast %reshape3A_181 : vector<32x1x1xf32> to vector<32x64x64xf32>
    %add3A_183 = arith.addf %reshape3A_177, %add3A_182 : vector<32x64x64xf32>
    %gt3A_184 = arith.constant 0.000000e+00 : f32
    %gt3A_185 = vector.broadcast %gt3A_184 : f32 to vector<32x64x64xf32>
    %gt3A_186 = arith.cmpf ogt, %add3A_183, %gt3A_185 : vector<32x64x64xf32>
    %mul3A_187 = arith.constant 2.000000e-01 : f32
    %mul3A_188 = vector.broadcast %mul3A_187 : f32 to vector<32x64x64xf32>
    %mul3A_189 = arith.mulf %mul3A_188, %add3A_183 : vector<32x64x64xf32>
    %select_n3A_190 = arith.select %gt3A_186, %add3A_183, %mul3A_189 : vector<32x64x64xi1>, vector<32x64x64xf32>
    %reduce_sum3A = arith.constant dense<0.000000e+00> : vector<32xf32>
    %reduce_sum3A_191 = vector.multi_reduction <add>, %select_n3A_190, %reduce_sum3A [1, 2] : vector<32x64x64xf32> to vector<32xf32>
    %broadcast_in_dim3A_192 = vector.shape_cast %reduce_sum3A_191 : vector<32xf32> to vector<32x1x1xf32>
    %div3A = arith.constant 4.096000e+03 : f32
    %div3A_193 = vector.broadcast %div3A : f32 to vector<32x1x1xf32>
    %div3A_194 = arith.divf %broadcast_in_dim3A_192, %div3A_193 : vector<32x1x1xf32>
    %reshape3A_195 = vector.shape_cast %div3A_194 : vector<32x1x1xf32> to vector<32x1xf32>
    %get3A_196 = arith.constant 0 : index
    %get3A_197 = arith.constant 0 : index
    %get3A_198 = vector.load %arg17[%get3A_196, %get3A_197] : memref<3x32xf32, #tpu.memory_space<vmem>>, vector<3x32xf32>
    %dot_general3A_199 = arith.constant dense<0.000000e+00> : vector<3x1xf32>
    %dot_general3A_200 = tpu.matmul %get3A_198, %reshape3A_195, %dot_general3A_199 {dimension_numbers = #tpu.dot_dimension_numbers<[1], [0], [0], [1], [0, 0, 1, 1], [], []>, transpose_lhs_hint = false} : vector<3x32xf32>, vector<32x1xf32>, vector<3x1xf32> -> vector<3x1xf32>
    %get3A_201 = arith.constant 0 : index
    %get3A_202 = arith.constant 0 : index
    %get3A_203 = vector.load %arg18[%get3A_201, %get3A_202] : memref<3x1xf32, #tpu.memory_space<vmem>>, vector<3x1xf32>
    %add3A_204 = arith.addf %dot_general3A_200, %get3A_203 : vector<3x1xf32>
    %slice3A_205 = vector.extract_strided_slice %add3A_204 {offsets = [0, 0], sizes = [1, 1], strides = [1, 1]} : vector<3x1xf32> to vector<1x1xf32>
    %get3A_206 = arith.constant 0 : index
    %get3A_207 = arith.constant 0 : index
    %get3A_208 = vector.load %arg19[%get3A_206, %get3A_207] : memref<848x128xf32, #tpu.memory_space<vmem>>, vector<848x128xf32>
    %mul3A_209 = vector.broadcast %slice3A_205 : vector<1x1xf32> to vector<848x128xf32>
    %mul3A_210 = arith.mulf %mul3A_209, %get3A_208 : vector<848x128xf32>
    %slice3A_211 = vector.extract_strided_slice %add3A_204 {offsets = [1, 0], sizes = [1, 1], strides = [1, 1]} : vector<3x1xf32> to vector<1x1xf32>
    %get3A_212 = arith.constant 0 : index
    %get3A_213 = arith.constant 0 : index
    %get3A_214 = vector.load %arg20[%get3A_212, %get3A_213] : memref<848x128xf32, #tpu.memory_space<vmem>>, vector<848x128xf32>
    %mul3A_215 = vector.broadcast %slice3A_211 : vector<1x1xf32> to vector<848x128xf32>
    %mul3A_216 = arith.mulf %mul3A_215, %get3A_214 : vector<848x128xf32>
    %add3A_217 = arith.addf %mul3A_210, %mul3A_216 : vector<848x128xf32>
    %slice3A_218 = vector.extract_strided_slice %add3A_204 {offsets = [2, 0], sizes = [1, 1], strides = [1, 1]} : vector<3x1xf32> to vector<1x1xf32>
    %get3A_219 = arith.constant 0 : index
    %get3A_220 = arith.constant 0 : index
    %get3A_221 = vector.load %arg21[%get3A_219, %get3A_220] : memref<848x128xf32, #tpu.memory_space<vmem>>, vector<848x128xf32>
    %mul3A_222 = vector.broadcast %slice3A_218 : vector<1x1xf32> to vector<848x128xf32>
    %mul3A_223 = arith.mulf %mul3A_222, %get3A_221 : vector<848x128xf32>
    %add3A_224 = arith.addf %add3A_217, %mul3A_223 : vector<848x128xf32>
    %swap3A = arith.constant 0 : index
    %swap3A_225 = arith.constant 0 : index
    %swap3A_226 = vector.load %arg22[%swap3A, %swap3A_225] : memref<848x128xf32, #tpu.memory_space<vmem>>, vector<848x128xf32>
    tpu.vector_store %arg22[%swap3A, %swap3A_225], %add3A_224 {strides = array<i32>} : memref<848x128xf32, #tpu.memory_space<vmem>>, vector<848x128xf32>,
    return
  }
}

</mosaic_0001>

<sc_bundles>
// kernel: kernel.4.cloned.1.call-start
scs
__scs_entry_jumppad:
0x0: {  	(pc) =	sbr.rel $0x88, $3  }
0x1: {  	(tag) =	ssettag $0x0;
	lr =	simm.s32 $0x1  }
0x2: {  	[smem:$0x3F97] =	sst lr;
	_ =	strace $0xD0000000  }
0x3: {  	_ = 	snop  }
0x4: {  	_ = 	snop  }
0x5: {  	_ = 	snop  }
0x6: {  	_ = 	snop  }
0x7: {  	_ = 	snop  }
__scs_overlays_trampoline_lowered:
0x8: {  	[smem:$0x3FA6] =	sst s0  }
0x9: {  	[smem:$0x3FA7] =	sst s1  }
0xa: {  	[smem:$0x3FA8] =	sst s2  }
0xb: {  	[smem:$0x3FA9] =	sst s3  }
0xc: {  	[smem:$0x3FAA] =	sst s4  }
0xd: {  	[smem:$0x3FAB] =	sst s5  }
0xe: {  	[smem:$0x3FAC] =	sst s6  }
0xf: {  	[smem:$0x3FAD] =	sst s7  }
0x10: {  	[smem:$0x3FAE] =	sst s8  }
0x11: {  	[smem:$0x3FAF] =	sst s9;
	s0 =	simm.s32 @!p0 $0x0  }
0x12: {  	s1 =	sld [smem:$0x3F95];
	s0 =	simm.s32 @p0 $0x1  }
0x13: {  	[smem:$0x3FB0] =	sst s0;
	s0 =	simm.s32 @!p1 $0x0  }
0x14: {  	s2 =	sld [smem:$0x3F94];
	s0 =	simm.s32 @p1 $0x1  }
0x15: {  	[smem:$0x3FB1] =	sst s0;
	s0 =	simm.s32 @!p2 $0x0  }
0x16: {  	s3 =	sld [smem:$0x3FDB];
	s0 =	simm.s32 @p2 $0x1  }
0x17: {  	s4 =	simm.s32 $0x1BF5;
	[smem:$0x3FB3] =	sst s0  }
0x18: {  	s0 =	sld [smem:$0x3F96];
	_ =	swait.ge [sflag:s4], $0x0  }
0x19: {  	s7 =	sld [smem:$0x3F97]  }
0x1a: {  	s8 =	sadd.s32 $0xFFFFE003, lr  }
0x1b: {  	s9 =	sadd.s32 $0xFFFFFEF7, lr;
	s5 =	simm.s32 $0xFFFFFFFF;
	p2 =	slt.u32 s8, $0xFFFFF086  }
0x1c: {  	p1 =	slt.u32 s9, $0xF7A;
	s5 =	simm.s32 @!p2 $0x0  }
0x1d: {  	s5 =	simm.s32 @p1 $0x1;
	p0 =	seq.s32 s7, s2  }
0x1e: {  	s7 =	smul.u32 @!p0 $0xF7A, s2;
	p2 =	seq.s32 @!p0 s5, $0x0  }
0x1f: {  	s9 =	smul.u32 $0xF7A, s1;
	s8 =	simm.s32 @!p0 $0x1BF5;
	p2 =	por !p2, p0  }
0x20: {  	[sflag:s8] =	ssyncset.s32 @!p0 $0xFFFFF086;
	s6 =	sadd.s32 @!p0 s3, s7;
	s7 =	simm.s32 @!p0 $0x108  }
0x21: {  	s3 =	sadd.s32 s3, s9;
	s6 =	sadd.s32 @!p0 $0x88, s6;
	s7 =	simm.s32 @p2 $0x1082  }
0x22: {  	[simem:s7], [sflag:s8] =	dma.local @!p0 [hbm:s6], $0xF7A  }
0x23: {  	s9 =	sor.u32 $0xD0000000, s2;
	s6 =	simm.s32 $0x108;
	_ =	swait.ge @!p0 [sflag:s8], $0x0  }
0x24: {  	s3 =	sadd.s32 $0x88, s3;
	s6 =	simm.s32 @!p1 $0x1082;
	[sflag:s4] =	ssyncset.s32 $0xFFFFF086  }
0x25: {  	[simem:s6], [sflag:s4] =	dma.local [hbm:s3], $0xF7A  }
0x26: {  	[smem:$0x3F97] =	sst s1;
	(tag) =	ssettag s2;
	_ =	strace s9  }
0x27: {  	s1 =	sld [smem:$0x3FA7]  }
0x28: {  	s2 =	sld [smem:$0x3FA8]  }
0x29: {  	s4 =	sld [smem:$0x3FAA]  }
0x2a: {  	p0 =	seq.s32 s5, $0x0;
	s5 =	sld [smem:$0x3FAB]  }
0x2b: {  	s6 =	sld [smem:$0x3FAC]  }
0x2c: {  	s7 =	sld [smem:$0x3FAD]  }
0x2d: {  	s3 =	simm.s32 $0x108;
	s8 =	sld [smem:$0x3FAE]  }
0x2e: {  	s3 =	simm.s32 @!p0 $0x1082;
	s9 =	sld [smem:$0x3FAF]  }
0x2f: {  	lr =	sadd.s32 s0, s3;
	s0 =	sld [smem:$0x3FA6]  }
0x30: {  	s3 =	sld [smem:$0x3FA9]  }
0x31: {  	[smem:$0x3FB2] =	sst s10  }
0x32: {  	s10 =	sld [smem:$0x3FB0];
	_ =	sdelay $0x3  }
0x33: {  	p0 =	seq.s32 s10, $0x1;
	s10 =	sld [smem:$0x3FB2];
	_ =	sdelay $0x3  }
0x34: {  	[smem:$0x3FB2] =	sst s10  }
0x35: {  	s10 =	sld [smem:$0x3FB1];
	_ =	sdelay $0x3  }
0x36: {  	p1 =	seq.s32 s10, $0x1;
	s10 =	sld [smem:$0x3FB2];
	_ =	sdelay $0x3  }
0x37: {  	[smem:$0x3FB2] =	sst s10  }
0x38: {  	s10 =	sld [smem:$0x3FB3]  }
0x39: {  	_ = 	snop;
	(pc) =	sbr.ind lr, $3  }
0x3a: {  	_ = 	snop  }
0x3b: {  	_ = 	snop  }
0x3c: {  	p2 =	seq.s32 s10, $0x1;
	s10 =	sld [smem:$0x3FB2]  }
0x3d: {  	_ =	shalt  }
0x3e: {  	_ =	shalt  }
0x3f: {  	_ =	shalt  }
0x40: {  	_ =	shalt  }
0x41: {  	_ =	shalt  }
0x42: {  	_ =	shalt  }
0x43: {  	_ =	shalt  }
0x44: {  	_ =	shalt  }
0x45: {  	_ =	shalt  }
0x46: {  	_ =	shalt  }
0x47: {  	_ =	shalt  }
0x48: {  	_ =	shalt  }
0x49: {  	_ =	shalt  }
0x4a: {  	_ =	shalt  }
0x4b: {  	_ =	shalt  }
0x4c: {  	_ =	shalt  }
0x4d: {  	_ =	shalt  }
0x4e: {  	_ =	shalt  }
0x4f: {  	_ =	shalt  }
0x50: {  	_ =	shalt  }
0x51: {  	_ =	shalt  }
0x52: {  	_ =	shalt  }
0x53: {  	_ =	shalt  }
0x54: {  	_ =	shalt  }
0x55: {  	_ =	shalt  }
0x56: {  	_ =	shalt  }
0x57: {  	_ =	shalt  }
0x58: {  	_ =	shalt  }
0x59: {  	_ =	shalt  }
0x5a: {  	_ =	shalt  }
0x5b: {  	_ =	shalt  }
0x5c: {  	_ =	shalt  }
0x5d: {  	_ =	shalt  }
0x5e: {  	_ =	shalt  }
0x5f: {  	_ =	shalt  }
0x60: {  	_ =	shalt  }
0x61: {  	_ =	shalt  }
0x62: {  	_ =	shalt  }
0x63: {  	_ =	shalt  }
0x64: {  	_ =	shalt  }
0x65: {  	_ =	shalt  }
0x66: {  	_ =	shalt  }
0x67: {  	_ =	shalt  }
0x68: {  	_ =	shalt  }
0x69: {  	_ =	shalt  }
0x6a: {  	_ =	shalt  }
0x6b: {  	_ =	shalt  }
0x6c: {  	_ =	shalt  }
0x6d: {  	_ =	shalt  }
0x6e: {  	_ =	shalt  }
0x6f: {  	_ =	shalt  }
0x70: {  	_ =	shalt  }
0x71: {  	_ =	shalt  }
0x72: {  	_ =	shalt  }
0x73: {  	_ =	shalt  }
0x74: {  	_ =	shalt  }
0x75: {  	_ =	shalt  }
0x76: {  	_ =	shalt  }
0x77: {  	_ =	shalt  }
0x78: {  	_ =	shalt  }
0x79: {  	_ =	shalt  }
0x7a: {  	_ =	shalt  }
0x7b: {  	_ =	shalt  }
0x7c: {  	_ =	shalt  }
0x7d: {  	_ =	shalt  }
0x7e: {  	_ =	shalt  }
0x7f: {  	_ =	shalt  }
0x80: {  	_ =	shalt  }
0x81: {  	_ =	shalt  }
0x82: {  	_ =	shalt  }
0x83: {  	_ =	shalt  }
0x84: {  	_ =	shalt  }
0x85: {  	_ =	shalt  }
0x86: {  	_ =	shalt  }
0x87: {  	_ =	shalt  }
.Lfunc_end0:
.L_simem_size_0:
called_computation_lowered:
.L_overlay_start_0:
0x88: {  	s2 =	sld [smem:$0x3FD9]  }
0x89: {  	s3 =	sld [smem:$0x3FFE];
	_ =	sdelay $0x1  }
0x8a: {  	s1 =	srdreg.scid  }
0x8b: {  	s0 =	sand.u32 $0x1, s1  }
0x8c: {  	s17 =	sshll.u32 s0, $0xA;
	s2 =	sadd.s32 s3, s2  }
0x8d: {  	s2 =	sadd.s32 s2, s17  }
0x8e: {  	[smem:$0x3FBE] =	sst s2  }
0x8f: {  	_ = 	snop  }
0x90: {  	s2 =	sld [smem:$0x3FD0];
	(tm) =	ssettm $0x1  }
0x91: {  	s18 =	sld [smem:$0x3FFB];
	_ =	sdelay $0x3  }
0x92: {  	_ =	strace s18  }
0x93: {  	s3 =	sld [smem:$0x3FFC];
	_ =	sdelay $0x3  }
0x94: {  	_ =	strace s3  }
0x95: {  	s3 =	sld [smem:$0x3FFD];
	_ =	sdelay $0x3  }
0x96: {  	_ =	strace s3  }
0x97: {  	_ =	strace $0x8FFFFFFF  }
0x98: {  	s19 =	sld [smem:$0x3FDB];
	_ =	sdelay $0x1  }
0x99: {  	s4 =	simm.s32 $_scs_section_size  }
0x9a: {  	s5 =	simm.s32 $_size__tile_overlayer_lowered;
	s6 =	simm.s32 $_tile_overlayer_lowered  }
0x9b: {  	s22 =	simm.s32 $0x1BFF;
	s21 =	sshll.u32 s6, $0x1;
	s3 =	sadd.s32 s4, s19  }
0x9c: {  	s7 =	simm.s32 $0x0;
	s20 =	sshll.u32 s5, $0x1;
	s5 =	sadd.s32 s21, s3  }
0x9d: {  	[timem:s7], [sflag:s22] =	dma.local [hbm:s5], s20  }
0x9e: {  	_ =	swait.ge [sflag:s22], s20  }
0x9f: {  	s4 =	ssub.s32 $0x0, s20;
	[sflag:s22] =	ssyncset.done $0x0  }
0xa0: {  	[sflag:s22] =	ssyncadd.s32 s4;
	_ =	sdelay $0x1  }
0xa1: {  	s23 =	simm.s32 $0x1B8B  }
0xa2: {  	_ =	swait.ge [sflag:s23], $0x1  }
0xa3: {  	[sflag:s23] =	ssyncset.done $0x0  }
0xa4: {  	s25 =	simm.s32 $0x1B8E;
	s24 =	sld [smem:$0x3FFE];
	[sflag:s23] =	ssyncadd.s32 $0xFFFFFFFF  }
0xa5: {  	s26 =	simm.s32 $execute0_lowered;
	[smem:$0x3FD2] =	sst s25  }
0xa6: {  	s5 =	sshll.u32 s26, $0x1;
	_ =	strace $0x80000046;
	[dreg:$0x1] =	wrdreg $0xFFFFFFFF  }
0xa7: {  	s28 =	simm.s32 $_size_execute0_lowered;
	s3 =	sadd.s32 s3, s5;
	[dreg:$0x0] =	wrdreg $0x0  }
0xa8: {  	s5 =	sshll.u32 s28, $0x1;
	[dreg:$0x2] =	wrdreg s3  }
0xa9: {  	[dreg:$0x3] =	wrdreg s5  }
0xaa: {  	[dreg:$0x4] =	wrdreg $0xC0  }
0xab: {  	_ =	task [dreg:s7], $0x5FFFF  }
0xac: {  	[dreg:$0x1] =	wrdreg $0xFFFFFFFF  }
0xad: {  	[dreg:$0x0] =	wrdreg $0x60  }
0xae: {  	[dreg:$0x2] =	wrdreg s24  }
0xaf: {  	[dreg:$0x3] =	wrdreg s2  }
0xb0: {  	[dreg:$0x4] =	wrdreg $0x9  }
0xb1: {  	_ =	task.clear_ibuf [dreg:s7], $0x5FFFF;
	_ =	strace $0x90000046  }
0xb2: {  	s29 =	simm.s32 $0x9;
	_ =	strace $0x80000048  }
0xb3: {  	_ =	swait.ge [sflag:s29], $0x1  }
0xb4: {  	[sflag:s29] =	ssyncadd.s32 $0xFFFFFFFF  }
0xb5: {  	_ =	strace $0x90000048  }
0xb6: {  	_ =	sfence  }
0xb7: {  	s30 =	sld [smem:$0x0];
	_ =	sdelay $0x2  }
0xb8: {  	s31 =	sshll.u32 s1, $0xD;
	s1 =	sshrl.u32 s1, $0x2  }
0xb9: {  	s3 =	sand.u32 $0x4000, s31;
	s1 =	sadd.s32 s1, s30  }
0xba: {  	s0 =	sor.u32 s3, s0;
	s1 =	sshll.u32 s1, $0x11  }
0xbb: {  	s0 =	sor.u32 s1, s0  }
0xbc: {  	s0 =	sadd.s32 $0x8F2B, s0  }
0xbd: {  	[sflag:s0] =	ssyncadd.remote.s32 $0x1  }
0xbe: {  	_ =	sfence.sel $0xFFFF  }
0xbf: {  	[dreg:$0x0] =	wrdreg $0xFFFFFFFF;
	(pc) =	sbr.abs _section_cstart, $3  }
0xc0: {  	[dreg:$0x1] =	wrdreg $0xFFFFFFFF  }
0xc1: {  	_ =	task.clear_ibuf [dreg:s7], $0x2FFFF;
	_ =	strace $0x9FFFFFFF  }
0xc2: {  	(tm) =	ssettm $0x7FFFFFFF  }
0xc3: {  	_ =	shalt  }
tec
execute0_lowered:
.L_overlay_start_1:
0x0: {  	(tag) =	ssettag $0x1  }
0x1: {  	s0 =	rddreg [dreg:$0x0];
	s1 =	srdreg.scid  }
0x2: {  	s3 =	stileid.u32;
	s2 =	rddreg [dreg:$0x1];
	s28 =	simm.s32 $0x1D000  }
0x3: {  	s29 =	simm.s32 $0x2;
	s30 =	simm.s32 $0x1D500;
	s31 =	simm.s32 $0x1DA00  }
0x4: {  	s18 =	simm.s32 $0x4;
	s19 =	simm.s32 $0x0;
	s1 =	sand.u32 $0x1, s1  }
0x5: {  	s4 =	sshll.u32 s3, $0x1;
	s3 =	simm.s32 $0x0;
	s5 =	sadd.s32 $0x2400, s0  }
0x6: {  	s6 =	sadd.s32 $0x5A00, s0;
	s4 =	sor.u32 s1, s4;
	s1 =	ssub.s32 $0x2, s1  }
0x7: {  	[smem:$0x7FF] =	sst s3;
	s4 =	smul.u32 $0xFD20, s4;
	s20 =	sshrl.u32 s1, $0x1  }
0x8: {  	_ =	strace $0x80000047;
	[dreg:$0x3] =	wrdreg s5;
	s0 =	ssub.s32 s1, s20  }
0x9: {  	s21 =	sshrl.u32 s4, $0x3;
	s8 =	sadd.s32 $0x4B0, s4;
	s0 =	smax.u32 s0, $0x1  }
0xa: {  	s14 =	sadd.s32 $0x960, s4;
	s5 =	sadd.s32 s2, s21;
	[dreg:$0xa] =	wrdreg s0  }
0xb: {  	s15 =	sadd.s32 $0xE10, s4;
	s22 =	sadd.s32 $0x3F480, s5;
	[dreg:$0x4] =	wrdreg s5  }
0xc: {  	s24 =	sshrl.u32 s8, $0x3;
	s23 =	sadd.s32 $0x7E900, s5;
	[dreg:$0x5] =	wrdreg s22  }
.Ltmp0:
0xd: {  	s1 =	sadd.s32 s2, s24;
	[dreg:$0x6] =	wrdreg s23;
	(pc) =	sbr.rel .LBB2_1-.Ltmp0, $4  }
0xe: {  	s21 =	simm.s32 $0x1B700;
	s25 =	sadd.s32 $0x3F516, s5;
	[dreg:$0x7] =	wrdreg s1  }
0xf: {  	s26 =	sadd.s32 $0x7E996, s5;
	s24 =	simm.s32 $0x1;
	[dreg:$0x8] =	wrdreg s25  }
0x10: {  	[dreg:$0x9] =	wrdreg s26;
	s22 =	simm.s32 $0x1BC00;
	s23 =	simm.s32 $0x1C100  }
0x11: {  	s25 =	simm.s32 $0x1C600;
	s26 =	simm.s32 $0x1CB00;
	s1 =	simm.s32 $0x1DF00  }
.LBB2_12:
0x12: {  	s0 =	simm.s32 $0x3  }
0x13: {  	_ =	swait.ge [sflag:s0], $0x4B0  }
0x14: {  	[sflag:s0] =	ssyncset.done $0x0  }
0x15: {  	[sflag:s0] =	ssyncadd.s32 $0xFFFFFB50  }
0x16: {  	_ =	swait.ge [sflag:s0], $0x4B0  }
0x17: {  	[sflag:s0] =	ssyncset.done $0x0  }
0x18: {  	[sflag:s0] =	ssyncadd.s32 $0xFFFFFB50  }
0x19: {  	_ =	swait.ge [sflag:s0], $0x4B0  }
0x1a: {  	[sflag:s0] =	ssyncset.done $0x0  }
0x1b: {  	[sflag:s0] =	ssyncadd.s32 $0xFFFFFB50  }
0x1c: {  	_ =	swait.ge [sflag:s18], $0x4B0  }
0x1d: {  	[sflag:s18] =	ssyncset.done $0x0  }
0x1e: {  	[sflag:s18] =	ssyncadd.s32 $0xFFFFFB50  }
0x1f: {  	_ =	swait.ge [sflag:s18], $0x4B0  }
0x20: {  	[sflag:s18] =	ssyncset.done $0x0  }
0x21: {  	[sflag:s18] =	ssyncadd.s32 $0xFFFFFB50  }
0x22: {  	_ =	swait.ge [sflag:s18], $0x4B0  }
0x23: {  	s19 =	sadd.s32 $0x1, s19;
	s20 =	rddreg [dreg:$0xa]  }
0x24: {  	p0 =	sne.s32 s19, s20  }
.Ltmp1:
0x25: {  	_ = 	snop;
	(pc) =	sbr.rel @!p0 .LBB2_13-.Ltmp1, $3  }
0x26: {  	_ =	sdelay $0x1  }
0x27: {  	[sflag:s18] =	ssyncset.done $0x0  }
0x28: {  	[sflag:s18] =	ssyncadd.s32 $0xFFFFFB50  }
.LBB2_1:
0x29: {  	s0 =	rddreg [dreg:$0x3];
	s7 =	simm.s32 $0x5  }
0x2a: {  	[tilespmem:s3], [sflag:$0x5] =	stream.linear.gather [hbm4b:s0+s3], $0x1A800, $0x38;
	[tilespmem:$0x1E400] =	vst v63  }
0x2b: {  	_ =	swait.ge [sflag:s7], $0x1A800  }
0x2c: {  	[sflag:s7] =	ssyncset.done $0x0  }
0x2d: {  	s5 =	simm.s32 $0x1A800;
	s9 =	rddreg [dreg:$0x4];
	[sflag:s7] =	ssyncadd.s32 $0xFFFE5800  }
0x2e: {  	[tilespmem:s5], [sflag:$0x1] =	stream.linear.gather [hbm4b:s9+s3], $0x4B0, $0x38;
	[tilespmem:$0x1E400] =	vst v63  }
0x2f: {  	s11 =	simm.s32 $0x1AD00;
	s10 =	rddreg [dreg:$0x5]  }
0x30: {  	[tilespmem:s11], [sflag:$0x1] =	stream.linear.gather [hbm4b:s10+s3], $0x4B0, $0x38;
	[tilespmem:$0x1E400] =	vst v63  }
0x31: {  	s13 =	simm.s32 $0x1B200;
	s12 =	rddreg [dreg:$0x6]  }
0x32: {  	[tilespmem:s13], [sflag:$0x1] =	stream.linear.gather [hbm4b:s12+s3], $0x4B0, $0x38;
	[tilespmem:$0x1E400] =	vst v63  }
0x33: {  	s16 =	rddreg [dreg:$0x7]  }
0x34: {  	[tilespmem:s21], [sflag:$0x2] =	stream.linear.gather [hbm4b:s16+s3], $0x4B0, $0x38;
	[tilespmem:$0x1E400] =	vst v63  }
0x35: {  	s17 =	rddreg [dreg:$0x8]  }
0x36: {  	[tilespmem:s22], [sflag:$0x2] =	stream.linear.gather [hbm4b:s17+s3], $0x4B0, $0x38;
	[tilespmem:$0x1E400] =	vst v63  }
0x37: {  	s20 =	rddreg [dreg:$0x9]  }
0x38: {  	[tilespmem:s23], [sflag:$0x2] =	stream.linear.gather [hbm4b:s20+s3], $0x4B0, $0x38;
	[tilespmem:$0x1E400] =	vst v63  }
0x39: {  	s20 =	simm.s32 $0x0  }
.LBB2_2:
0x3a: {  	_ =	swait.ge [sflag:s24], $0x4B0  }
0x3b: {  	[sflag:s24] =	ssyncset.done $0x0  }
0x3c: {  	[sflag:s24] =	ssyncadd.s32 $0xFFFFFB50  }
0x3d: {  	_ =	swait.ge [sflag:s24], $0x4B0  }
0x3e: {  	[sflag:s24] =	ssyncset.done $0x0  }
0x3f: {  	[sflag:s24] =	ssyncadd.s32 $0xFFFFFB50  }
0x40: {  	_ =	swait.ge [sflag:s24], $0x4B0  }
0x41: {  	p0 =	seq.s32 s20, $0x0;
	[sflag:s24] =	ssyncset.done $0x0  }
0x42: {  	s0 =	simm.s32 @!p0 $0x3;
	[sflag:s24] =	ssyncadd.s32 $0xFFFFFB50  }
0x43: {  	_ =	swait.ge @!p0 [sflag:s0], $0x4B0  }
0x44: {  	[sflag:s0] =	ssyncset.done @!p0 $0x0  }
0x45: {  	[sflag:s0] =	ssyncadd.s32 @!p0 $0xFFFFFB50  }
0x46: {  	_ =	swait.ge @!p0 [sflag:s0], $0x4B0  }
0x47: {  	[sflag:s0] =	ssyncset.done @!p0 $0x0  }
0x48: {  	[sflag:s0] =	ssyncadd.s32 @!p0 $0xFFFFFB50  }
0x49: {  	_ =	swait.ge @!p0 [sflag:s0], $0x4B0  }
0x4a: {  	[sflag:s0] =	ssyncset.done @!p0 $0x0  }
0x4b: {  	s12 =	simm.s32 $0x1A820;
	[sflag:s0] =	ssyncadd.s32 @!p0 $0xFFFFFB50  }
0x4c: {  	s5 =	simm.s32 $0x1AD20;
	v0 =	vld [tilespmem:s12+$0x10]  }
0x4d: {  	s7 =	simm.s32 $0x1B220;
	v1 =	vld [tilespmem:s5+$0x10]  }
0x4e: {  	v2 =	vld [tilespmem:s7+$0x10];
	_ =	sdelay $0x1  }
0x4f: {  	v4 =	vld [tilespmem:s5+$0xFFFFFFE0]  }
0x50: {  	v5 =	vld [tilespmem:s12+$0xFFFFFFF0]  }
0x51: {  	v3 =	vmul.f32 $3.200000000e+01, v0;
	v6 =	vmul.f32 $3.200000000e+01, v1  }
0x52: {  	v8 =	vmul.f32 $3.200000000e+01, v2  }
0x53: {  	v1 =	vtrunc.f32 v3;
	v7 =	vtrunc.f32 v6  }
0x54: {  	v10 =	vcvt.f32.s32 v1;
	v7 =	vcvt.f32.s32 v7  }
0x55: {  	v9 =	vmul.f32 $3.200000000e+01, v4;
	v1 =	vmul.f32 $3.200000000e+01, v5  }
0x56: {  	v4 =	vld [tilespmem:s5+$0x0];
	v5 =	vtrunc.f32 v8;
	vm0 =	vgt.s32 v10, $0x0;
	vm1 =	vgt.s32 v7, $0x0  }
0x57: {  	v17 =	vld [tilespmem:s7+$0xFFFFFFF0];
	v5 =	vcvt.f32.s32 v5;
	v10 =	vnsel vm0, $0x0, v10;
	v7 =	vnsel vm1, $0x0, v7  }
0x58: {  	v21 =	vld [tilespmem:s7+$0x0];
	v13 =	vmin.u32 v10, $0x1F;
	v14 =	vmin.u32 v7, $0x1F  }
0x59: {  	vm14 =	vgt.s32 v5, $0x0;
	v7 =	vmul.u32 $0x441, v13;
	v15 =	vmul.u32 $0x21, v14  }
0x5a: {  	v5 =	vnsel vm14, $0x0, v5  }
0x5b: {  	v12 =	vld [tilespmem:s12+$0x0];
	v10 =	vmul.f32 $3.200000000e+01, v4;
	v4 =	vmin.u32 v5, $0x1F;
	v5 =	vadd.s32 v7, v15  }
0x5c: {  	v0 =	vld [tilespmem:s12+$0xFFFFFFE0];
	v7 =	vadd.s32 v4, v5  }
0x5d: {  	v2 =	vld [tilespmem:s5+$0xFFFFFFF0];
	v17 =	vmul.f32 $3.200000000e+01, v17;
	v21 =	vmul.f32 $3.200000000e+01, v21;
	v19 =	vadd.s32 $0x1, v7  }
0x5e: {  	v16 =	vtrunc.f32 v9;
	v23 =	vadd.s32 $0x21, v7  }
0x5f: {  	v31 =	vtrunc.f32 v17;
	v32 =	vtrunc.f32 v21;
	v24 =	vadd.s32 $0x22, v7  }
0x60: {  	s5 =	simm.s32 $0x0;
	v16 =	vcvt.f32.s32 v16;
	v31 =	vcvt.f32.s32 v31;
	v15 =	vld [tilespmem:s7+$0xFFFFFFE0];
	v25 =	vadd.s32 $0x441, v7  }
0x61: {  	v32 =	vcvt.f32.s32 v32;
	v0 =	vmul.f32 $3.200000000e+01, v0;
	v26 =	vadd.s32 $0x442, v7;
	v27 =	vld.idx.msk [tilespmem:v7+s5+$0x0], $0xffff  }
0x62: {  	v11 =	vmul.f32 $3.200000000e+01, v2;
	v2 =	vmul.f32 $3.200000000e+01, v12;
	v28 =	vadd.s32 $0x462, v7;
	v19 =	vld.idx.msk [tilespmem:v19+s5+$0x0], $0xffff  }
0x63: {  	vm8 =	vgt.s32 v16, $0x0;
	v12 =	vtrunc.f32 v0;
	v29 =	vadd.s32 $0x463, v7;
	v23 =	vld.idx.msk [tilespmem:v23+s5+$0x0], $0xffff  }
0x64: {  	vm10 =	vgt.s32 v31, $0x0;
	v18 =	vtrunc.f32 v11;
	v20 =	vtrunc.f32 v2;
	v24 =	vld.idx.msk [tilespmem:v24+s5+$0x0], $0xffff  }
0x65: {  	v16 =	vnsel vm8, $0x0, v16;
	v12 =	vcvt.f32.s32 v12;
	v18 =	vcvt.f32.s32 v18;
	v25 =	vld.idx.msk [tilespmem:v25+s5+$0x0], $0xffff  }
0x66: {  	v16 =	vmin.u32 v16, $0x1F;
	v20 =	vcvt.f32.s32 v20;
	v14 =	vcvt.s32.f32 v14;
	v26 =	vld.idx.msk [tilespmem:v26+s5+$0x0], $0xffff  }
0x67: {  	v13 =	vcvt.s32.f32 v13;
	vm15 =	vgt.s32 v12, $0x0;
	vm3 =	vgt.s32 v18, $0x0;
	v28 =	vld.idx.msk [tilespmem:v28+s5+$0x0], $0xffff  }
0x68: {  	v6 =	vsub.f32 v6, v14;
	v5 =	vtrunc.f32 v1;
	v12 =	vnsel vm15, $0x0, v12;
	v29 =	vld.idx.msk [tilespmem:v29+s5+$0x0], $0xffff  }
0x69: {  	v18 =	vnsel vm3, $0x0, v18;
	v4 =	vcvt.s32.f32 v4;
	v5 =	vcvt.f32.s32 v5  }
0x6a: {  	v12 =	vmin.u32 v12, $0x1F;
	v34 =	vmin.u32 v18, $0x1F;
	v18 =	vmul.u32 $0x21, v16  }
0x6b: {  	v8 =	vsub.f32 v8, v4;
	v35 =	vmul.u32 $0x21, v34;
	vm2 =	vgt.s32 v5, $0x0  }
0x6c: {  	v15 =	vmul.f32 $3.200000000e+01, v15;
	v4 =	vsub.f32 v19, v27;
	v24 =	vsub.f32 v24, v23  }
0x6d: {  	v5 =	vnsel vm2, $0x0, v5;
	v26 =	vsub.f32 v26, v25;
	v29 =	vsub.f32 v29, v28  }
0x6e: {  	v33 =	vmin.u32 v5, $0x1F;
	v4 =	vmul.f32 v8, v4;
	v24 =	vmul.f32 v8, v24  }
0x6f: {  	v5 =	vmul.u32 $0x441, v12;
	v26 =	vmul.f32 v26, v8;
	v29 =	vmul.f32 v29, v8  }
0x70: {  	v30 =	vtrunc.f32 v15;
	v4 =	vadd.f32 v4, v27;
	v23 =	vadd.f32 v24, v23  }
0x71: {  	v30 =	vcvt.f32.s32 v30;
	v24 =	vadd.f32 v26, v25;
	v25 =	vadd.f32 v29, v28  }
0x72: {  	v5 =	vadd.s32 v5, v18;
	v18 =	vnsel vm10, $0x0, v31;
	v19 =	vmul.u32 $0x441, v33  }
0x73: {  	vm9 =	vgt.s32 v30, $0x0;
	v23 =	vsub.f32 v23, v4;
	v25 =	vsub.f32 v25, v24  }
0x74: {  	v14 =	vnsel vm9, $0x0, v30;
	v19 =	vadd.s32 v19, v35;
	v28 =	vmin.u32 v18, $0x1F  }
0x75: {  	v18 =	vadd.s32 v28, v19;
	v23 =	vmul.f32 v23, v6;
	v25 =	vmul.f32 v25, v6  }
0x76: {  	v22 =	vtrunc.f32 v10;
	v27 =	vmin.u32 v14, $0x1F;
	v43 =	vadd.s32 $0x442, v18  }
0x77: {  	v44 =	vadd.s32 $0x462, v18;
	v23 =	vadd.f32 v23, v4;
	v24 =	vadd.f32 v25, v24  }
0x78: {  	v22 =	vcvt.f32.s32 v22;
	vm4 =	vgt.s32 v20, $0x0;
	v4 =	vadd.s32 v27, v5  }
0x79: {  	v3 =	vsub.f32 v3, v13;
	v13 =	vadd.s32 $0x1, v4;
	v5 =	vsub.f32 v24, v23  }
0x7a: {  	vm11 =	vgt.s32 v32, $0x0;
	v20 =	vnsel vm4, $0x0, v20;
	v38 =	vld.idx.msk [tilespmem:v18+s5+$0x0], $0xffff;
	v31 =	vadd.s32 $0x462, v4  }
0x7b: {  	vm5 =	vgt.s32 v22, $0x0;
	v29 =	vadd.s32 $0x8C61, v7;
	v63 =	vld.idx.msk [tilespmem:v43+s5+$0x0], $0xffff;
	v5 =	vmul.f32 v5, v3  }
0x7c: {  	v20 =	vmin.u32 v20, $0x1F;
	v56 =	vadd.s32 $0x8C62, v7;
	v40 =	vadd.s32 $0x8C83, v7;
	v44 =	vld.idx.msk [tilespmem:v44+s5+$0x0], $0xffff  }
0x7d: {  	v45 =	vadd.s32 $0x90A3, v7;
	v22 =	vnsel vm5, $0x0, v22;
	v58 =	vld.idx.msk [tilespmem:v4+s5+$0x0], $0xffff;
	v5 =	vadd.f32 v5, v23  }
0x7e: {  	s13 =	simm.s32 $0x1C620;
	v36 =	vmul.u32 $0x441, v20;
	v20 =	vcvt.s32.f32 v20;
	v22 =	vmin.u32 v22, $0x1F;
	v13 =	vld.idx.msk [tilespmem:v13+s5+$0x0], $0xffff  }
0x7f: {  	v48 =	vadd.s32 $0x90C3, v7;
	v51 =	vadd.s32 $0x90C4, v7;
	v37 =	vmul.u32 $0x21, v22;
	v31 =	vld.idx.msk [tilespmem:v31+s5+$0x0], $0xffff;
	[tilespmem:s13+$0x10] =	vst v5  }
0x80: {  	v16 =	vcvt.s32.f32 v16;
	v62 =	vsub.f32 v2, v20;
	v57 =	vadd.s32 $0x463, v4;
	v29 =	vld.idx.msk [tilespmem:v29+s5+$0x0], $0xffff  }
0x81: {  	v26 =	vnsel vm11, $0x0, v32;
	v14 =	vadd.s32 v36, v37;
	v59 =	vadd.s32 $0x1, v18;
	v32 =	vld.idx.msk [tilespmem:v56+s5+$0x0], $0xffff  }
0x82: {  	v28 =	vcvt.s32.f32 v28;
	v39 =	vadd.s32 $0x21, v18;
	v42 =	vadd.s32 $0x441, v18;
	v40 =	vld.idx.msk [tilespmem:v40+s5+$0x0], $0xffff  }
0x83: {  	v41 =	vadd.s32 $0x22, v18;
	v46 =	vadd.s32 $0x463, v18;
	v23 =	vadd.s32 $0x8C82, v7;
	v45 =	vld.idx.msk [tilespmem:v45+s5+$0x0], $0xffff  }
0x84: {  	v17 =	vsub.f32 v17, v28;
	v25 =	vmin.u32 v26, $0x1F;
	v5 =	vadd.s32 $0x90A2, v7;
	v28 =	vld.idx.msk [tilespmem:v48+s5+$0x0], $0xffff  }
0x85: {  	v27 =	vcvt.s32.f32 v27;
	v14 =	vadd.s32 v25, v14;
	v19 =	vadd.s32 $0x21, v4;
	v56 =	vld.idx.msk [tilespmem:v57+s5+$0x0], $0xffff  }
0x86: {  	v26 =	vadd.s32 $0x441, v4;
	v30 =	vadd.s32 $0x442, v4;
	v25 =	vcvt.s32.f32 v25;
	v57 =	vld.idx.msk [tilespmem:v59+s5+$0x0], $0xffff  }
0x87: {  	v36 =	vadd.s32 $0x8C83, v4;
	v43 =	vadd.s32 $0x8C61, v18;
	v24 =	vadd.s32 $0x22, v4;
	v59 =	vld.idx.msk [tilespmem:v42+s5+$0x0], $0xffff  }
0x88: {  	v47 =	vadd.s32 $0x1, v14;
	v49 =	vadd.s32 $0x21, v14;
	v50 =	vadd.s32 $0x22, v14;
	v23 =	vld.idx.msk [tilespmem:v23+s5+$0x0], $0xffff  }
0x89: {  	v52 =	vadd.s32 $0x441, v14;
	v13 =	vsub.f32 v13, v58;
	v54 =	vld.idx.msk [tilespmem:v5+s5+$0x0], $0xffff;
	v5 =	vsub.f32 v15, v27  }
0x8a: {  	v48 =	vld.idx.msk [tilespmem:v46+s5+$0x0], $0xffff;
	v27 =	vcvt.s32.f32 v34;
	v15 =	vsub.f32 v9, v16;
	v9 =	vcvt.s32.f32 v22  }
0x8b: {  	v16 =	vsub.f32 v21, v25;
	v21 =	vld.idx.msk [tilespmem:v51+s5+$0x0], $0xffff;
	v22 =	vcvt.s32.f32 v12;
	v34 =	vsub.f32 v56, v31  }
0x8c: {  	v35 =	vsub.f32 v57, v38;
	v25 =	vmul.f32 v5, v13;
	v13 =	vsub.f32 v11, v27;
	v11 =	vld.idx.msk [tilespmem:v19+s5+$0x0], $0xffff  }
0x8d: {  	v51 =	vsub.f32 v63, v59;
	v12 =	vsub.f32 v10, v9;
	v9 =	vadd.s32 $0x462, v14;
	v10 =	vld.idx.msk [tilespmem:v24+s5+$0x0], $0xffff  }
0x8e: {  	v60 =	vsub.f32 v0, v22;
	v24 =	vadd.s32 $0x463, v14;
	v27 =	vsub.f32 v40, v23  }
0x8f: {  	v53 =	vadd.s32 $0x442, v14;
	v22 =	vadd.f32 v25, v58;
	v25 =	vld.idx.msk [tilespmem:v26+s5+$0x0], $0xffff;
	v26 =	vsub.f32 v32, v29  }
0x90: {  	v20 =	vld.idx.msk [tilespmem:v30+s5+$0x0], $0xffff;
	v30 =	vadd.s32 $0x8C62, v4;
	v55 =	vsub.f32 v45, v54;
	v21 =	vsub.f32 v21, v28  }
0x91: {  	v56 =	vsub.f32 v48, v44;
	v58 =	vld.idx.msk [tilespmem:v39+s5+$0x0], $0xffff;
	v27 =	vmul.f32 v27, v8;
	v26 =	vmul.f32 v26, v8  }
0x92: {  	v10 =	vsub.f32 v10, v11;
	v32 =	vmul.f32 v55, v8;
	v21 =	vmul.f32 v21, v8;
	v9 =	vld.idx.msk [tilespmem:v9+s5+$0x0], $0xffff  }
0x93: {  	v42 =	vadd.s32 $0x90C4, v4;
	v23 =	vadd.f32 v27, v23;
	v24 =	vld.idx.msk [tilespmem:v24+s5+$0x0], $0xffff;
	v26 =	vadd.f32 v26, v29  }
0x94: {  	v57 =	vadd.s32 $0x118C2, v7;
	v29 =	vld.idx.msk [tilespmem:v41+s5+$0x0], $0xffff;
	v32 =	vadd.f32 v32, v54;
	v21 =	vadd.f32 v21, v28  }
0x95: {  	v19 =	vcvt.s32.f32 v33;
	v10 =	vmul.f32 v5, v10;
	v20 =	vsub.f32 v20, v25  }
0x96: {  	v48 =	vadd.s32 $0x118E4, v7;
	v23 =	vsub.f32 v23, v26;
	v21 =	vsub.f32 v21, v32  }
0x97: {  	v61 =	vsub.f32 v1, v19;
	v20 =	vmul.f32 v20, v5;
	v10 =	vadd.f32 v10, v11  }
0x98: {  	v23 =	vmul.f32 v23, v6;
	v24 =	vsub.f32 v24, v9;
	v21 =	vmul.f32 v21, v6  }
0x99: {  	v11 =	vsub.f32 v29, v58;
	v29 =	vmul.f32 v34, v5;
	v20 =	vadd.f32 v20, v25  }
0x9a: {  	v23 =	vadd.f32 v23, v26;
	v26 =	vmul.f32 v17, v35;
	v21 =	vadd.f32 v21, v32  }
0x9b: {  	v10 =	vsub.f32 v10, v22;
	v24 =	vmul.f32 v24, v16;
	v11 =	vmul.f32 v17, v11  }
0x9c: {  	v29 =	vadd.f32 v29, v31;
	v31 =	vmul.f32 v51, v17;
	v21 =	vsub.f32 v21, v23  }
0x9d: {  	v55 =	vld.idx.msk [tilespmem:v53+s5+$0x0], $0xffff;
	v10 =	vmul.f32 v10, v15;
	v26 =	vadd.f32 v26, v38;
	v38 =	vmul.f32 v56, v17  }
0x9e: {  	v25 =	vld.idx.msk [tilespmem:v52+s5+$0x0], $0xffff;
	v9 =	vadd.f32 v24, v9;
	v29 =	vsub.f32 v29, v20;
	v21 =	vmul.f32 v21, v3  }
0x9f: {  	v63 =	vld.idx.msk [tilespmem:v14+s5+$0x0], $0xffff;
	v11 =	vadd.f32 v11, v58;
	v31 =	vadd.f32 v31, v59;
	v58 =	vadd.s32 $0x118C3, v7  }
0xa0: {  	v54 =	vld.idx.msk [tilespmem:v50+s5+$0x0], $0xffff;
	v59 =	vadd.s32 $0x118E3, v7;
	v29 =	vmul.f32 v29, v15;
	v21 =	vadd.f32 v21, v23  }
0xa1: {  	s16 =	simm.s32 $0x1CB20;
	v19 =	vadd.s32 $0x8C61, v4;
	v32 =	vld.idx.msk [tilespmem:v49+s5+$0x0], $0xffff;
	v10 =	vadd.f32 v10, v22;
	v22 =	vadd.f32 v38, v44  }
0xa2: {  	v50 =	vadd.s32 $0x11D04, v7;
	v11 =	vsub.f32 v11, v26;
	v23 =	vld.idx.msk [tilespmem:v47+s5+$0x0], $0xffff;
	v20 =	vadd.f32 v29, v20;
	[tilespmem:s16+$0x10] =	vst v21  }
0xa3: {  	v52 =	vadd.s32 $0x11D24, v7;
	v22 =	vsub.f32 v22, v31;
	v29 =	vsub.f32 v55, v25;
	v49 =	vld.idx.msk [tilespmem:v57+s5+$0x0], $0xffff  }
0xa4: {  	v11 =	vmul.f32 v11, v13;
	v21 =	vadd.s32 $0x11D03, v7;
	v20 =	vsub.f32 v20, v10;
	v51 =	vld.idx.msk [tilespmem:v58+s5+$0x0], $0xffff  }
0xa5: {  	v22 =	vmul.f32 v22, v13;
	v29 =	vmul.f32 v29, v16;
	v7 =	vadd.s32 $0x11D25, v7;
	v53 =	vld.idx.msk [tilespmem:v59+s5+$0x0], $0xffff  }
0xa6: {  	v41 =	vsub.f32 v54, v32;
	v11 =	vadd.f32 v11, v26;
	v54 =	vld.idx.msk [tilespmem:v48+s5+$0x0], $0xffff;
	v20 =	vmul.f32 v20, v60  }
0xa7: {  	v33 =	vadd.s32 $0x8C82, v4;
	v24 =	vld.idx.msk [tilespmem:v50+s5+$0x0], $0xffff;
	v22 =	vadd.f32 v22, v31;
	v25 =	vadd.f32 v29, v25  }
0xa8: {  	v40 =	vadd.s32 $0x90C3, v4;
	v29 =	vld.idx.msk [tilespmem:v52+s5+$0x0], $0xffff;
	v23 =	vsub.f32 v23, v63;
	v10 =	vadd.f32 v20, v10  }
0xa9: {  	v27 =	vadd.s32 $0x90A2, v4;
	v28 =	vadd.s32 $0x90A3, v4;
	v41 =	vmul.f32 v16, v41;
	v21 =	vld.idx.msk [tilespmem:v21+s5+$0x0], $0xffff  }
0xaa: {  	v34 =	vadd.s32 $0x8C62, v18;
	v22 =	vsub.f32 v22, v11;
	v23 =	vmul.f32 v16, v23;
	v7 =	vld.idx.msk [tilespmem:v7+s5+$0x0], $0xffff;
	[tilespmem:s13+$0xFFFFFFE0] =	vst v10  }
0xab: {  	v56 =	vadd.s32 $0x90C3, v18;
	v55 =	vadd.s32 $0x8C82, v18;
	v9 =	vsub.f32 v9, v25;
	v19 =	vld.idx.msk [tilespmem:v19+s5+$0x0], $0xffff  }
0xac: {  	v20 =	vadd.f32 v41, v32;
	v22 =	vmul.f32 v22, v61;
	v23 =	vadd.f32 v23, v63;
	v30 =	vld.idx.msk [tilespmem:v30+s5+$0x0], $0xffff  }
0xad: {  	v9 =	vmul.f32 v9, v12;
	v58 =	vsub.f32 v51, v49;
	v59 =	vsub.f32 v54, v53;
	v33 =	vld.idx.msk [tilespmem:v33+s5+$0x0], $0xffff  }
0xae: {  	v26 =	vadd.s32 $0x90A2, v18;
	v27 =	vld.idx.msk [tilespmem:v27+s5+$0x0], $0xffff;
	v11 =	vadd.f32 v22, v11;
	v20 =	vsub.f32 v20, v23  }
0xaf: {  	v9 =	vadd.f32 v9, v25;
	v25 =	vld.idx.msk [tilespmem:v36+s5+$0x0], $0xffff;
	v36 =	vmul.f32 v58, v8;
	v38 =	vmul.f32 v59, v8  }
0xb0: {  	v28 =	vld.idx.msk [tilespmem:v28+s5+$0x0], $0xffff;
	v24 =	vsub.f32 v24, v21;
	v7 =	vsub.f32 v7, v29;
	v20 =	vmul.f32 v20, v12  }
0xb1: {  	v10 =	vadd.s32 $0x8C83, v18;
	v22 =	vld.idx.msk [tilespmem:v40+s5+$0x0], $0xffff;
	v35 =	vadd.f32 v36, v49;
	v40 =	vadd.f32 v38, v53  }
0xb2: {  	v7 =	vmul.f32 v7, v8;
	v20 =	vadd.f32 v20, v23;
	v23 =	vmul.f32 v24, v8;
	v8 =	vld.idx.msk [tilespmem:v42+s5+$0x0], $0xffff  }
0xb3: {  	v31 =	vadd.s32 $0x90A3, v18;
	v57 =	vadd.s32 $0x90C4, v18;
	v63 =	vadd.s32 $0x8C61, v14;
	[tilespmem:s13+$0xFFFFFFF0] =	vst v11  }
0xb4: {  	v11 =	vadd.s32 $0x8C82, v14;
	v34 =	vld.idx.msk [tilespmem:v34+s5+$0x0], $0xffff;
	v36 =	vsub.f32 v40, v35;
	v30 =	vsub.f32 v30, v19  }
0xb5: {  	v32 =	vld.idx.msk [tilespmem:v55+s5+$0x0], $0xffff;
	v28 =	vsub.f32 v28, v27;
	v24 =	vadd.s32 $0x8C62, v14;
	v9 =	vsub.f32 v9, v20  }
0xb6: {  	v26 =	vld.idx.msk [tilespmem:v26+s5+$0x0], $0xffff;
	v42 =	vadd.s32 $0x90A2, v14;
	v25 =	vsub.f32 v25, v33;
	v30 =	vmul.f32 v30, v5  }
0xb7: {  	v10 =	vld.idx.msk [tilespmem:v10+s5+$0x0], $0xffff;
	v7 =	vadd.f32 v7, v29;
	v9 =	vmul.f32 v9, v62;
	v8 =	vsub.f32 v8, v22  }
0xb8: {  	v21 =	vadd.f32 v23, v21;
	v23 =	vld.idx.msk [tilespmem:v43+s5+$0x0], $0xffff;
	v25 =	vmul.f32 v25, v5;
	v19 =	vadd.f32 v30, v19  }
0xb9: {  	v30 =	vld.idx.msk [tilespmem:v56+s5+$0x0], $0xffff;
	v9 =	vadd.f32 v9, v20;
	v20 =	vmul.f32 v28, v5;
	v8 =	vmul.f32 v8, v5  }
0xba: {  	v29 =	vadd.s32 $0x8C83, v14;
	v7 =	vsub.f32 v7, v21;
	v25 =	vadd.f32 v25, v33;
	v28 =	vld.idx.msk [tilespmem:v31+s5+$0x0], $0xffff  }
0xbb: {  	v31 =	vadd.s32 $0x90A3, v14;
	[tilespmem:s13+$0x0] =	vst v9;
	v9 =	vadd.f32 v20, v27;
	v20 =	vld.idx.msk [tilespmem:v57+s5+$0x0], $0xffff;
	v8 =	vadd.f32 v8, v22  }
0xbc: {  	v25 =	vsub.f32 v25, v19;
	v27 =	vmul.f32 v36, v6;
	v6 =	vmul.f32 v7, v6;
	v7 =	vld.idx.msk [tilespmem:v63+s5+$0x0], $0xffff  }
0xbd: {  	v46 =	vadd.s32 $0x118E3, v4;
	v22 =	vadd.s32 $0x90C4, v14;
	v24 =	vld.idx.msk [tilespmem:v24+s5+$0x0], $0xffff;
	v8 =	vsub.f32 v8, v9  }
0xbe: {  	v43 =	vadd.s32 $0x90C3, v14;
	v10 =	vsub.f32 v10, v32;
	v25 =	vmul.f32 v25, v15;
	v11 =	vld.idx.msk [tilespmem:v11+s5+$0x0], $0xffff  }
0xbf: {  	v45 =	vadd.s32 $0x118C3, v4;
	v34 =	vsub.f32 v34, v23;
	v29 =	vld.idx.msk [tilespmem:v29+s5+$0x0], $0xffff;
	v8 =	vmul.f32 v8, v15  }
0xc0: {  	v44 =	vadd.s32 $0x118C2, v4;
	v10 =	vmul.f32 v10, v17;
	v47 =	vld.idx.msk [tilespmem:v42+s5+$0x0], $0xffff;
	v19 =	vadd.f32 v25, v19  }
0xc1: {  	v34 =	vmul.f32 v34, v17;
	v28 =	vsub.f32 v28, v26;
	v25 =	vld.idx.msk [tilespmem:v31+s5+$0x0], $0xffff;
	v8 =	vadd.f32 v8, v9  }
0xc2: {  	v48 =	vadd.s32 $0x11D03, v4;
	v10 =	vadd.f32 v10, v32;
	v20 =	vsub.f32 v20, v30;
	v22 =	vld.idx.msk [tilespmem:v22+s5+$0x0], $0xffff  }
0xc3: {  	v9 =	vadd.f32 v34, v23;
	v23 =	vmul.f32 v28, v17;
	v28 =	vld.idx.msk [tilespmem:v43+s5+$0x0], $0xffff;
	v8 =	vsub.f32 v8, v19  }
0xc4: {  	v31 =	vadd.s32 $0x118E4, v4;
	v24 =	vsub.f32 v24, v7;
	v20 =	vmul.f32 v20, v17  }
0xc5: {  	v29 =	vsub.f32 v29, v11;
	v23 =	vadd.f32 v23, v26;
	v8 =	vmul.f32 v8, v60  }
0xc6: {  	v24 =	vmul.f32 v24, v16;
	v10 =	vsub.f32 v10, v9;
	v20 =	vadd.f32 v20, v30  }
0xc7: {  	s17 =	simm.s32 $0x1A860;
	v25 =	vsub.f32 v25, v47;
	v26 =	vadd.s32 $0x11D04, v4;
	v8 =	vadd.f32 v8, v19  }
0xc8: {  	s10 =	simm.s32 $0x1B260;
	v52 =	vld [tilespmem:s17+$0x0];
	v10 =	vmul.f32 v10, v13;
	v19 =	vsub.f32 v20, v23;
	v20 =	vsub.f32 v22, v28  }
0xc9: {  	v41 =	vld [tilespmem:s10+$0xFFFFFFF0];
	v7 =	vadd.f32 v24, v7;
	v24 =	vmul.f32 v25, v16;
	v22 =	vmul.f32 v29, v16;
	[tilespmem:s16+$0xFFFFFFE0] =	vst v8  }
0xca: {  	v8 =	vadd.f32 v10, v9;
	v9 =	vmul.f32 v19, v13;
	v10 =	vmul.f32 v20, v16;
	v20 =	vld.idx.msk [tilespmem:v44+s5+$0x0], $0xffff  }
0xcb: {  	v19 =	vadd.s32 $0x11D24, v4;
	v11 =	vadd.f32 v22, v11;
	v22 =	vadd.f32 v24, v47;
	v24 =	vld.idx.msk [tilespmem:v45+s5+$0x0], $0xffff  }
0xcc: {  	v27 =	vadd.f32 v27, v35;
	v4 =	vadd.s32 $0x11D25, v4;
	v25 =	vld.idx.msk [tilespmem:v46+s5+$0x0], $0xffff  }
0xcd: {  	v6 =	vadd.f32 v6, v21;
	v21 =	vld.idx.msk [tilespmem:v31+s5+$0x0], $0xffff;
	v9 =	vadd.f32 v9, v23  }
0xce: {  	v10 =	vadd.f32 v10, v28;
	v11 =	vsub.f32 v11, v7;
	v28 =	vld.idx.msk [tilespmem:v48+s5+$0x0], $0xffff  }
0xcf: {  	v50 =	vadd.s32 $0x118E3, v18;
	v41 =	vmul.f32 $3.200000000e+01, v41;
	v6 =	vsub.f32 v6, v27;
	v23 =	vld.idx.msk [tilespmem:v26+s5+$0x0], $0xffff  }
0xd0: {  	v9 =	vsub.f32 v9, v8;
	v10 =	vsub.f32 v10, v22;
	v11 =	vmul.f32 v11, v12;
	v31 =	vld.idx.msk [tilespmem:v19+s5+$0x0], $0xffff  }
0xd1: {  	v36 =	vmul.f32 $3.200000000e+01, v52;
	v3 =	vmul.f32 v6, v3;
	v26 =	vadd.s32 $0x118C2, v18;
	v4 =	vld.idx.msk [tilespmem:v4+s5+$0x0], $0xffff  }
0xd2: {  	v9 =	vmul.f32 v9, v61;
	v10 =	vmul.f32 v10, v12;
	v11 =	vadd.f32 v11, v7;
	v7 =	vld [tilespmem:s17+$0x10]  }
0xd3: {  	s9 =	simm.s32 $0x1AD60;
	v49 =	vadd.s32 $0x118C3, v18;
	v56 =	vtrunc.f32 v36;
	v19 =	vadd.f32 v3, v27  }
0xd4: {  	v6 =	vadd.s32 $0x11D03, v18;
	v8 =	vadd.f32 v9, v8;
	v9 =	vadd.f32 v10, v22;
	v10 =	vld [tilespmem:s9+$0x10]  }
0xd5: {  	v30 =	vadd.s32 $0x11D04, v18;
	v3 =	vsub.f32 v24, v20;
	v27 =	vsub.f32 v23, v28  }
0xd6: {  	v29 =	vadd.s32 $0x11D24, v18;
	v24 =	vld [tilespmem:s10+$0x10];
	[tilespmem:s16+$0xFFFFFFF0] =	vst v8;
	v8 =	vsub.f32 v9, v11;
	v9 =	vsub.f32 v21, v25  }
0xd7: {  	v3 =	vmul.f32 v3, v5;
	v4 =	vsub.f32 v4, v31;
	v21 =	vld.idx.msk [tilespmem:v26+s5+$0x0], $0xffff;
	v7 =	vmul.f32 $3.200000000e+01, v7  }
0xd8: {  	v22 =	vadd.s32 $0x118E4, v18;
	v26 =	vld.idx.msk [tilespmem:v49+s5+$0x0], $0xffff;
	v8 =	vmul.f32 v8, v62;
	v9 =	vmul.f32 v9, v5  }
0xd9: {  	v18 =	vadd.s32 $0x11D25, v18;
	v4 =	vmul.f32 v4, v5;
	v32 =	vmul.f32 $3.200000000e+01, v10  }
0xda: {  	v10 =	vtrunc.f32 v7;
	v23 =	vadd.f32 v8, v11;
	v8 =	vmul.f32 v27, v5  }
0xdb: {  	v3 =	vadd.f32 v3, v20;
	v10 =	vcvt.f32.s32 v10;
	v11 =	vtrunc.f32 v32  }
0xdc: {  	v27 =	vmul.f32 $3.200000000e+01, v24;
	v9 =	vadd.f32 v9, v25;
	v11 =	vcvt.f32.s32 v11  }
0xdd: {  	v51 =	vld.idx.msk [tilespmem:v22+s5+$0x0], $0xffff;
	v20 =	vadd.f32 v8, v28;
	v5 =	vsub.f32 v26, v21;
	vm12 =	vgt.s32 v10, $0x0  }
0xde: {  	v24 =	vld.idx.msk [tilespmem:v50+s5+$0x0], $0xffff;
	v22 =	vtrunc.f32 v27;
	v9 =	vsub.f32 v9, v3;
	vm13 =	vgt.s32 v11, $0x0  }
0xdf: {  	v10 =	vnsel vm12, $0x0, v10;
	v28 =	vcvt.f32.s32 v22;
	v11 =	vnsel vm13, $0x0, v11  }
0xe0: {  	v8 =	vld [tilespmem:s9+$0xFFFFFFE0];
	v22 =	vadd.f32 v4, v31;
	v35 =	vmin.u32 v10, $0x1F;
	v37 =	vmin.u32 v11, $0x1F  }
0xe1: {  	v26 =	vld [tilespmem:s9+$0xFFFFFFF0];
	vm14 =	vgt.s32 v28, $0x0;
	v10 =	vmul.u32 $0x441, v35;
	v53 =	vmul.u32 $0x21, v37  }
0xe2: {  	v38 =	vmul.f32 v5, v17;
	v39 =	vmul.f32 v9, v15;
	v28 =	vnsel vm14, $0x0, v28  }
0xe3: {  	v25 =	vld [tilespmem:s17+$0xFFFFFFF0];
	v4 =	vsub.f32 v51, v24;
	v28 =	vmin.u32 v28, $0x1F;
	v5 =	vadd.s32 v10, v53  }
0xe4: {  	v35 =	vcvt.s32.f32 v35;
	v22 =	vsub.f32 v22, v20;
	v31 =	vadd.s32 v28, v5  }
0xe5: {  	v11 =	vld [tilespmem:s17+$0xFFFFFFE0];
	v40 =	vmul.f32 v4, v17;
	v4 =	vmul.f32 $3.200000000e+01, v8;
	v8 =	vadd.s32 $0x1, v31  }
0xe6: {  	v54 =	vld [tilespmem:s9+$0x0];
	v21 =	vadd.f32 v38, v21;
	v5 =	vmul.f32 $3.200000000e+01, v26;
	v26 =	vadd.s32 $0x21, v31  }
0xe7: {  	v34 =	vld [tilespmem:s10+$0x0];
	v37 =	vcvt.s32.f32 v37;
	v15 =	vmul.f32 v22, v15;
	v33 =	vadd.s32 $0x22, v31  }
0xe8: {  	v10 =	vmul.f32 $3.200000000e+01, v25;
	v25 =	vld [tilespmem:s10+$0xFFFFFFE0];
	v59 =	vtrunc.f32 v4;
	v44 =	vadd.s32 $0x441, v31  }
0xe9: {  	v24 =	vadd.f32 v40, v24;
	v43 =	vcvt.f32.s32 v59;
	v48 =	vadd.s32 $0x442, v31;
	v47 =	vld.idx.msk [tilespmem:v31+s5+$0x0], $0xffff  }
0xea: {  	v28 =	vcvt.s32.f32 v28;
	v9 =	vmul.f32 $3.200000000e+01, v11;
	v58 =	vadd.s32 $0x462, v31;
	v8 =	vld.idx.msk [tilespmem:v8+s5+$0x0], $0xffff  }
0xeb: {  	v11 =	vmul.f32 $3.200000000e+01, v54;
	v45 =	vtrunc.f32 v10;
	v59 =	vadd.s32 $0x463, v31;
	v26 =	vld.idx.msk [tilespmem:v26+s5+$0x0], $0xffff  }
0xec: {  	v53 =	vadd.s32 $0x8C83, v31;
	v63 =	vtrunc.f32 v5;
	v38 =	vcvt.f32.s32 v45;
	v33 =	vld.idx.msk [tilespmem:v33+s5+$0x0], $0xffff  }
0xed: {  	vm8 =	vgt.s32 v43, $0x0;
	v55 =	vtrunc.f32 v9;
	v57 =	vtrunc.f32 v11;
	v44 =	vld.idx.msk [tilespmem:v44+s5+$0x0], $0xffff  }
0xee: {  	v45 =	vcvt.f32.s32 v63;
	v63 =	vadd.f32 v39, v3;
	v40 =	vmul.f32 $3.200000000e+01, v25;
	v25 =	vld.idx.msk [tilespmem:v48+s5+$0x0], $0xffff  }
0xef: {  	v39 =	vcvt.f32.s32 v56;
	v43 =	vnsel vm8, $0x0, v43;
	v42 =	vcvt.f32.s32 v55;
	v49 =	vld.idx.msk [tilespmem:v58+s5+$0x0], $0xffff  }
0xf0: {  	v46 =	vcvt.f32.s32 v57;
	vm9 =	vgt.s32 v38, $0x0;
	vm10 =	vgt.s32 v45, $0x0;
	v57 =	vld.idx.msk [tilespmem:v59+s5+$0x0], $0xffff  }
0xf1: {  	vm11 =	vgt.s32 v39, $0x0;
	v38 =	vnsel vm9, $0x0, v38;
	vm15 =	vgt.s32 v42, $0x0  }
0xf2: {  	v48 =	vmul.f32 $3.200000000e+01, v34;
	v56 =	vtrunc.f32 v40;
	vm12 =	vgt.s32 v46, $0x0  }
0xf3: {  	v58 =	vtrunc.f32 v41;
	v34 =	vsub.f32 v27, v28;
	v27 =	vnsel vm10, $0x0, v45  }
0xf4: {  	v39 =	vnsel vm11, $0x0, v39;
	v8 =	vsub.f32 v8, v47;
	v28 =	vsub.f32 v33, v26  }
0xf5: {  	v50 =	vcvt.f32.s32 v56;
	v25 =	vsub.f32 v25, v44;
	v51 =	vsub.f32 v57, v49  }
0xf6: {  	v38 =	vmin.u32 v38, $0x1F;
	v8 =	vmul.f32 v34, v8;
	v28 =	vmul.f32 v34, v28  }
0xf7: {  	v42 =	vnsel vm15, $0x0, v42;
	v25 =	vmul.f32 v25, v34;
	v33 =	vmul.f32 v51, v34  }
0xf8: {  	v46 =	vnsel vm12, $0x0, v46;
	v8 =	vadd.f32 v8, v47;
	v26 =	vadd.f32 v28, v26  }
0xf9: {  	v39 =	vmin.u32 v39, $0x1F;
	v25 =	vadd.f32 v25, v44;
	v28 =	vadd.f32 v33, v49  }
0xfa: {  	v59 =	vtrunc.f32 v48;
	v42 =	vmin.u32 v42, $0x1F;
	v33 =	vsub.f32 v32, v37  }
0xfb: {  	v46 =	vmin.u32 v46, $0x1F;
	v26 =	vsub.f32 v26, v8;
	v28 =	vsub.f32 v28, v25  }
0xfc: {  	v56 =	vmul.u32 $0x441, v39;
	v54 =	vcvt.f32.s32 v59;
	v37 =	vmin.u32 v43, $0x1F  }
0xfd: {  	v43 =	vmin.u32 v27, $0x1F;
	v26 =	vmul.f32 v26, v33;
	v27 =	vmul.f32 v28, v33  }
0xfe: {  	vm13 =	vgt.s32 v50, $0x0;
	v55 =	vmul.u32 $0x21, v37;
	v28 =	vmul.u32 $0x441, v42  }
0xff: {  	v45 =	vnsel vm13, $0x0, v50;
	v8 =	vadd.f32 v26, v8;
	v25 =	vadd.f32 v27, v25  }
0x100: {  	v59 =	vadd.s32 $0x8C62, v31;
	v45 =	vmin.u32 v45, $0x1F;
	v26 =	vadd.s32 v28, v55  }
0x101: {  	v32 =	vsub.f32 v7, v35;
	v28 =	vadd.s32 v45, v26;
	v7 =	vsub.f32 v25, v8  }
0x102: {  	v50 =	vadd.s32 $0x90A3, v31;
	v44 =	vcvt.f32.s32 v58;
	v27 =	vadd.s32 $0x1, v28  }
0x103: {  	v29 =	vld.idx.msk [tilespmem:v29+s5+$0x0], $0xffff;
	v57 =	vadd.s32 $0x8C61, v31;
	vm15 =	vgt.s32 v54, $0x0;
	v7 =	vmul.f32 v7, v32  }
0x104: {  	v18 =	vld.idx.msk [tilespmem:v18+s5+$0x0], $0xffff;
	v58 =	vmul.u32 $0x21, v46;
	v47 =	vnsel vm15, $0x0, v54;
	vm14 =	vgt.s32 v44, $0x0  }
0x105: {  	v30 =	vld.idx.msk [tilespmem:v30+s5+$0x0], $0xffff;
	v26 =	vmul.u32 $0x21, v43;
	v25 =	vmul.u32 $0x441, v38;
	v7 =	vadd.f32 v7, v8  }
0x106: {  	s11 =	simm.s32 $0x1C660;
	v47 =	vmin.u32 v47, $0x1F;
	v35 =	vadd.s32 v56, v58;
	v44 =	vnsel vm14, $0x0, v44;
	v52 =	vld.idx.msk [tilespmem:v28+s5+$0x0], $0xffff  }
0x107: {  	v25 =	vadd.s32 v25, v26;
	v26 =	vmin.u32 v44, $0x1F;
	v8 =	vadd.s32 $0x8C82, v31;
	v44 =	vld.idx.msk [tilespmem:v27+s5+$0x0], $0xffff;
	[tilespmem:s11+$0x10] =	vst v7  }
0x108: {  	v27 =	vadd.s32 v26, v25;
	v25 =	vadd.s32 v47, v35;
	v35 =	vadd.s32 $0x90C3, v31;
	v49 =	vld.idx.msk [tilespmem:v57+s5+$0x0], $0xffff  }
0x109: {  	v18 =	vsub.f32 v18, v29;
	v39 =	vcvt.s32.f32 v39;
	v58 =	vcvt.s32.f32 v26;
	v51 =	vld.idx.msk [tilespmem:v59+s5+$0x0], $0xffff  }
0x10a: {  	v46 =	vcvt.s32.f32 v46;
	v42 =	vcvt.s32.f32 v42;
	v7 =	vadd.s32 $0x90A2, v31;
	v53 =	vld.idx.msk [tilespmem:v53+s5+$0x0], $0xffff  }
0x10b: {  	v58 =	vsub.f32 v41, v58;
	v41 =	vcvt.s32.f32 v47;
	v47 =	vld.idx.msk [tilespmem:v50+s5+$0x0], $0xffff;
	v50 =	vadd.s32 $0x463, v28  }
0x10c: {  	v56 =	vadd.s32 $0x90C4, v31;
	v3 =	vsub.f32 v11, v46;
	v0 =	vsub.f32 v9, v42;
	v55 =	vld.idx.msk [tilespmem:v8+s5+$0x0], $0xffff  }
0x10d: {  	v43 =	vcvt.s32.f32 v43;
	v54 =	vadd.s32 $0x21, v28;
	v38 =	vcvt.s32.f32 v38;
	v1 =	vld.idx.msk [tilespmem:v35+s5+$0x0], $0xffff  }
0x10e: {  	v57 =	vadd.s32 $0x441, v28;
	v8 =	vcvt.s32.f32 v45;
	v45 =	vadd.s32 $0x22, v28;
	v35 =	vld.idx.msk [tilespmem:v6+s5+$0x0], $0xffff  }
0x10f: {  	v44 =	vsub.f32 v44, v52;
	v6 =	vsub.f32 v10, v38;
	v59 =	vld.idx.msk [tilespmem:v7+s5+$0x0], $0xffff;
	v7 =	vcvt.s32.f32 v37  }
0x110: {  	v11 =	vadd.s32 $0x21, v27;
	v10 =	vsub.f32 v36, v39;
	v26 =	vsub.f32 v40, v8;
	v50 =	vld.idx.msk [tilespmem:v50+s5+$0x0], $0xffff  }
0x111: {  	v40 =	vadd.s32 $0x442, v28;
	v2 =	vsub.f32 v4, v7;
	v7 =	vsub.f32 v48, v41;
	v48 =	vld.idx.msk [tilespmem:v56+s5+$0x0], $0xffff  }
0x112: {  	v37 =	vadd.s32 $0x462, v28;
	v41 =	vadd.s32 $0x1, v27;
	v56 =	vsub.f32 v51, v49;
	v51 =	vld.idx.msk [tilespmem:v54+s5+$0x0], $0xffff  }
0x113: {  	v4 =	vsub.f32 v5, v43;
	v44 =	vmul.f32 v26, v44;
	v54 =	vld.idx.msk [tilespmem:v57+s5+$0x0], $0xffff;
	v57 =	vadd.s32 $0x21, v25  }
0x114: {  	v42 =	vsub.f32 v53, v55;
	v53 =	vadd.s32 $0x22, v27;
	v45 =	vld.idx.msk [tilespmem:v45+s5+$0x0], $0xffff;
	v46 =	vmul.f32 v56, v34  }
0x115: {  	v43 =	vld.idx.msk [tilespmem:v27+s5+$0x0], $0xffff;
	v44 =	vadd.f32 v44, v52;
	v52 =	vadd.s32 $0x441, v27;
	v56 =	vadd.s32 $0x463, v27  }
0x116: {  	v30 =	vsub.f32 v30, v35;
	v47 =	vsub.f32 v47, v59;
	v42 =	vmul.f32 v42, v34;
	v40 =	vld.idx.msk [tilespmem:v40+s5+$0x0], $0xffff  }
0x117: {  	v37 =	vld.idx.msk [tilespmem:v37+s5+$0x0], $0xffff;
	v46 =	vadd.f32 v46, v49;
	v49 =	vadd.s32 $0x442, v27;
	v48 =	vsub.f32 v48, v1  }
0x118: {  	v30 =	vmul.f32 v30, v17;
	v42 =	vadd.f32 v42, v55;
	v55 =	vadd.s32 $0x462, v27;
	v41 =	vld.idx.msk [tilespmem:v41+s5+$0x0], $0xffff  }
0x119: {  	v47 =	vmul.f32 v47, v34;
	v45 =	vsub.f32 v45, v51;
	v38 =	vld.idx.msk [tilespmem:v53+s5+$0x0], $0xffff;
	v48 =	vmul.f32 v48, v34  }
0x11a: {  	v17 =	vmul.f32 v18, v17;
	v53 =	vadd.s32 $0x22, v25;
	v42 =	vsub.f32 v42, v46;
	v36 =	vld.idx.msk [tilespmem:v52+s5+$0x0], $0xffff  }
0x11b: {  	v47 =	vadd.f32 v47, v59;
	v45 =	vmul.f32 v26, v45;
	v48 =	vadd.f32 v48, v1;
	v1 =	vld.idx.msk [tilespmem:v11+s5+$0x0], $0xffff  }
0x11c: {  	v40 =	vsub.f32 v40, v54;
	v50 =	vsub.f32 v50, v37;
	v59 =	vmul.f32 v42, v33;
	v49 =	vld.idx.msk [tilespmem:v49+s5+$0x0], $0xffff  }
0x11d: {  	v42 =	vadd.s32 $0x441, v25;
	v45 =	vadd.f32 v45, v51;
	v51 =	vadd.s32 $0x442, v25;
	v52 =	vld.idx.msk [tilespmem:v55+s5+$0x0], $0xffff  }
0x11e: {  	v55 =	vld.idx.msk [tilespmem:v56+s5+$0x0], $0xffff;
	v40 =	vmul.f32 v40, v26;
	v50 =	vmul.f32 v50, v26;
	v48 =	vsub.f32 v48, v47  }
0x11f: {  	v41 =	vsub.f32 v41, v43;
	v56 =	vld.idx.msk [tilespmem:v57+s5+$0x0], $0xffff;
	v57 =	vadd.s32 $0x118C2, v31;
	v39 =	vadd.f32 v59, v46  }
0x120: {  	v53 =	vld.idx.msk [tilespmem:v53+s5+$0x0], $0xffff;
	v40 =	vadd.f32 v40, v54;
	v37 =	vadd.f32 v50, v37;
	v48 =	vmul.f32 v48, v33  }
0x121: {  	v41 =	vmul.f32 v58, v41;
	v45 =	vsub.f32 v45, v44;
	v38 =	vsub.f32 v38, v1  }
0x122: {  	v46 =	vadd.s32 $0x462, v25;
	v49 =	vsub.f32 v49, v36;
	v47 =	vadd.f32 v48, v47  }
0x123: {  	v54 =	vadd.s32 $0x1, v25;
	v41 =	vadd.f32 v41, v43;
	v37 =	vsub.f32 v37, v40  }
0x124: {  	v42 =	vld.idx.msk [tilespmem:v42+s5+$0x0], $0xffff;
	v55 =	vsub.f32 v55, v52;
	v59 =	vmul.f32 v49, v58;
	v47 =	vsub.f32 v47, v39  }
0x125: {  	v45 =	vmul.f32 v45, v2;
	v48 =	vadd.s32 $0x463, v25;
	v50 =	vld.idx.msk [tilespmem:v51+s5+$0x0], $0xffff;
	v53 =	vsub.f32 v53, v56  }
0x126: {  	v36 =	vadd.f32 v59, v36;
	v59 =	vmul.f32 v55, v58;
	v47 =	vmul.f32 v47, v32  }
0x127: {  	v38 =	vmul.f32 v58, v38;
	v46 =	vld.idx.msk [tilespmem:v46+s5+$0x0], $0xffff;
	v49 =	vadd.s32 $0x118C3, v31;
	v53 =	vmul.f32 v7, v53  }
0x128: {  	v54 =	vld.idx.msk [tilespmem:v54+s5+$0x0], $0xffff;
	v43 =	vadd.f32 v59, v52;
	v52 =	vadd.s32 $0x118E4, v31;
	v39 =	vadd.f32 v47, v39  }
0x129: {  	s12 =	simm.s32 $0x1CB60;
	v37 =	vmul.f32 v37, v2;
	v55 =	vld.idx.msk [tilespmem:v25+s5+$0x0], $0xffff;
	v53 =	vadd.f32 v53, v56;
	v56 =	vadd.s32 $0x11D24, v31  }
0x12a: {  	v38 =	vadd.f32 v38, v1;
	v48 =	vld.idx.msk [tilespmem:v48+s5+$0x0], $0xffff;
	v50 =	vsub.f32 v50, v42;
	v47 =	vadd.s32 $0x118E3, v31;
	[tilespmem:s12+$0x10] =	vst v39  }
0x12b: {  	v44 =	vadd.f32 v45, v44;
	v37 =	vadd.f32 v37, v40;
	v39 =	vadd.s32 $0x11D03, v31;
	v51 =	vld.idx.msk [tilespmem:v57+s5+$0x0], $0xffff  }
0x12c: {  	v38 =	vsub.f32 v38, v41;
	v50 =	vmul.f32 v50, v7;
	v57 =	vadd.s32 $0x11D04, v31;
	v49 =	vld.idx.msk [tilespmem:v49+s5+$0x0], $0xffff  }
0x12d: {  	v37 =	vsub.f32 v37, v44;
	v43 =	vsub.f32 v43, v36;
	v31 =	vadd.s32 $0x11D25, v31;
	v52 =	vld.idx.msk [tilespmem:v52+s5+$0x0], $0xffff  }
0x12e: {  	v38 =	vmul.f32 v38, v4;
	v54 =	vsub.f32 v54, v55;
	v42 =	vadd.f32 v50, v42;
	v50 =	vld.idx.msk [tilespmem:v56+s5+$0x0], $0xffff  }
0x12f: {  	v24 =	vsub.f32 v24, v21;
	v37 =	vmul.f32 v37, v0;
	v43 =	vmul.f32 v43, v4;
	v47 =	vld.idx.msk [tilespmem:v47+s5+$0x0], $0xffff  }
0x130: {  	v38 =	vadd.f32 v38, v41;
	v48 =	vsub.f32 v48, v46;
	v40 =	vmul.f32 v7, v54;
	v39 =	vld.idx.msk [tilespmem:v39+s5+$0x0], $0xffff  }
0x131: {  	v41 =	vadd.s32 $0x118C2, v14;
	v37 =	vadd.f32 v37, v44;
	v36 =	vadd.f32 v43, v36;
	v57 =	vld.idx.msk [tilespmem:v57+s5+$0x0], $0xffff  }
0x132: {  	v56 =	vadd.s32 $0x8C62, v28;
	v48 =	vmul.f32 v48, v7;
	v18 =	vadd.f32 v40, v55;
	v31 =	vld.idx.msk [tilespmem:v31+s5+$0x0], $0xffff  }
0x133: {  	[tilespmem:s11+$0xFFFFFFE0] =	vst v37;
	v37 =	vadd.s32 $0x90A3, v28;
	v36 =	vsub.f32 v36, v38;
	v59 =	vsub.f32 v49, v51  }
0x134: {  	v55 =	vadd.s32 $0x90C3, v28;
	v46 =	vadd.f32 v48, v46;
	v49 =	vsub.f32 v52, v47  }
0x135: {  	v54 =	vsub.f32 v53, v18;
	v36 =	vmul.f32 v36, v6;
	v40 =	vmul.f32 v59, v34  }
0x136: {  	v46 =	vsub.f32 v46, v42;
	v59 =	vadd.s32 $0x8C83, v28;
	v43 =	vmul.f32 v49, v34  }
0x137: {  	[tilespmem:s16+$0x0] =	vst v23;
	v52 =	vadd.s32 $0x8C61, v28;
	v45 =	vsub.f32 v57, v39;
	v31 =	vsub.f32 v31, v50  }
0x138: {  	v41 =	vld.idx.msk [tilespmem:v41+s5+$0x0], $0xffff;
	v40 =	vadd.f32 v40, v51;
	v46 =	vmul.f32 v46, v3;
	v43 =	vadd.f32 v43, v47  }
0x139: {  	v37 =	vld.idx.msk [tilespmem:v37+s5+$0x0], $0xffff;
	v57 =	vadd.s32 $0x8C82, v28;
	v45 =	vmul.f32 v45, v34;
	v31 =	vmul.f32 v31, v34  }
0x13a: {  	v49 =	vmul.f32 v54, v3;
	v34 =	vld.idx.msk [tilespmem:v56+s5+$0x0], $0xffff;
	v56 =	vadd.s32 $0x90C4, v28;
	v43 =	vsub.f32 v43, v40  }
0x13b: {  	v47 =	vld.idx.msk [tilespmem:v59+s5+$0x0], $0xffff;
	v59 =	vadd.s32 $0x8C62, v27;
	v39 =	vadd.f32 v45, v39;
	v31 =	vadd.f32 v31, v50  }
0x13c: {  	v49 =	vadd.f32 v49, v18;
	v44 =	vld.idx.msk [tilespmem:v52+s5+$0x0], $0xffff;
	v45 =	vadd.s32 $0x90A2, v28;
	v18 =	vmul.f32 v43, v33  }
0x13d: {  	v36 =	vadd.f32 v36, v38;
	v54 =	vadd.s32 $0x8C83, v27;
	v50 =	vld.idx.msk [tilespmem:v55+s5+$0x0], $0xffff;
	v31 =	vsub.f32 v31, v39  }
0x13e: {  	v42 =	vadd.f32 v46, v42;
	v48 =	vld.idx.msk [tilespmem:v57+s5+$0x0], $0xffff;
	v57 =	vadd.s32 $0x8C61, v27;
	v40 =	vadd.f32 v18, v40  }
0x13f: {  	[tilespmem:s11+$0xFFFFFFF0] =	vst v36;
	v18 =	vadd.f32 v30, v35;
	v30 =	vadd.s32 $0x90A2, v27;
	v36 =	vld.idx.msk [tilespmem:v56+s5+$0x0], $0xffff;
	v31 =	vmul.f32 v31, v33  }
0x140: {  	v22 =	vadd.s32 $0x118E3, v28;
	v42 =	vsub.f32 v42, v49;
	v56 =	vadd.s32 $0x90A3, v27;
	v38 =	vld.idx.msk [tilespmem:v59+s5+$0x0], $0xffff  }
0x141: {  	v23 =	vadd.s32 $0x90C3, v25;
	v43 =	vadd.s32 $0x8C82, v27;
	v33 =	vld.idx.msk [tilespmem:v45+s5+$0x0], $0xffff;
	v31 =	vadd.f32 v31, v39  }
0x142: {  	v29 =	vadd.f32 v17, v29;
	v52 =	vadd.s32 $0x8C61, v25;
	v55 =	vmul.f32 v42, v10;
	v39 =	vld.idx.msk [tilespmem:v54+s5+$0x0], $0xffff  }
0x143: {  	v34 =	vsub.f32 v34, v44;
	v45 =	vadd.s32 $0x118C3, v14;
	v17 =	vsub.f32 v31, v40;
	v31 =	vld.idx.msk [tilespmem:v57+s5+$0x0], $0xffff  }
0x144: {  	v35 =	vadd.f32 v55, v49;
	v47 =	vsub.f32 v47, v48;
	v54 =	vadd.s32 $0x8C82, v25;
	v30 =	vld.idx.msk [tilespmem:v30+s5+$0x0], $0xffff  }
0x145: {  	v53 =	vadd.s32 $0x8C62, v25;
	v34 =	vmul.f32 v34, v26;
	v29 =	vsub.f32 v29, v18;
	v42 =	vld.idx.msk [tilespmem:v56+s5+$0x0], $0xffff  }
0x146: {  	[tilespmem:s11+$0x0] =	vst v35;
	v57 =	vadd.s32 $0x90C3, v27;
	v47 =	vmul.f32 v47, v26;
	v17 =	vmul.f32 v17, v32;
	v32 =	vld.idx.msk [tilespmem:v43+s5+$0x0], $0xffff  }
0x147: {  	v55 =	vadd.s32 $0x8C83, v25;
	v34 =	vadd.f32 v34, v44;
	v36 =	vsub.f32 v36, v50;
	v43 =	vld.idx.msk [tilespmem:v52+s5+$0x0], $0xffff  }
0x148: {  	v59 =	vadd.s32 $0x90C4, v27;
	v37 =	vsub.f32 v37, v33;
	v47 =	vadd.f32 v47, v48;
	v45 =	vld.idx.msk [tilespmem:v45+s5+$0x0], $0xffff  }
0x149: {  	v56 =	vadd.s32 $0x90A2, v25;
	v36 =	vmul.f32 v36, v26;
	v44 =	vld.idx.msk [tilespmem:v54+s5+$0x0], $0xffff;
	v54 =	vadd.s32 $0x118E4, v14  }
0x14a: {  	v17 =	vadd.f32 v17, v40;
	v37 =	vmul.f32 v37, v26;
	v47 =	vsub.f32 v47, v34;
	v40 =	vld.idx.msk [tilespmem:v53+s5+$0x0], $0xffff  }
0x14b: {  	v36 =	vadd.f32 v36, v50;
	v50 =	vadd.s32 $0x90C4, v25;
	v46 =	vld.idx.msk [tilespmem:v57+s5+$0x0], $0xffff;
	v57 =	vadd.s32 $0x90A3, v25  }
0x14c: {  	v48 =	vld.idx.msk [tilespmem:v55+s5+$0x0], $0xffff;
	v53 =	vadd.s32 $0x118E3, v14;
	v38 =	vsub.f32 v38, v31;
	v52 =	vsub.f32 v42, v30  }
0x14d: {  	v33 =	vadd.f32 v37, v33;
	v37 =	vld.idx.msk [tilespmem:v59+s5+$0x0], $0xffff;
	v47 =	vmul.f32 v47, v2;
	v39 =	vsub.f32 v39, v32  }
0x14e: {  	v35 =	vld.idx.msk [tilespmem:v56+s5+$0x0], $0xffff;
	v56 =	vadd.s32 $0x11D03, v14;
	v38 =	vmul.f32 v38, v58;
	v55 =	vmul.f32 v52, v58  }
0x14f: {  	v23 =	vld.idx.msk [tilespmem:v23+s5+$0x0], $0xffff;
	v45 =	vsub.f32 v45, v41;
	v36 =	vsub.f32 v36, v33;
	v59 =	vmul.f32 v39, v58  }
0x150: {  	v34 =	vadd.f32 v47, v34;
	v40 =	vsub.f32 v40, v43;
	v49 =	vld.idx.msk [tilespmem:v57+s5+$0x0], $0xffff;
	v57 =	vadd.s32 $0x11D04, v14  }
0x151: {  	v50 =	vld.idx.msk [tilespmem:v50+s5+$0x0], $0xffff;
	v36 =	vmul.f32 v36, v2;
	v32 =	vadd.f32 v59, v32;
	v59 =	vadd.s32 $0x11D24, v14  }
0x152: {  	v52 =	vld.idx.msk [tilespmem:v54+s5+$0x0], $0xffff;
	v31 =	vadd.f32 v38, v31;
	v37 =	vsub.f32 v37, v46;
	v14 =	vadd.s32 $0x11D25, v14  }
0x153: {  	v42 =	vld.idx.msk [tilespmem:v53+s5+$0x0], $0xffff;
	v53 =	vsub.f32 v48, v44;
	v40 =	vmul.f32 v40, v7;
	v33 =	vadd.f32 v36, v33  }
0x154: {  	v30 =	vadd.f32 v55, v30;
	v39 =	vld.idx.msk [tilespmem:v56+s5+$0x0], $0xffff;
	v32 =	vsub.f32 v32, v31;
	v37 =	vmul.f32 v37, v58  }
0x155: {  	v40 =	vadd.f32 v40, v43;
	v43 =	vmul.f32 v53, v7;
	v33 =	vsub.f32 v33, v34;
	v38 =	vld.idx.msk [tilespmem:v57+s5+$0x0], $0xffff  }
0x156: {  	v53 =	vadd.s32 $0x118E4, v28;
	v55 =	vsub.f32 v50, v23;
	v32 =	vmul.f32 v32, v4;
	v36 =	vld.idx.msk [tilespmem:v59+s5+$0x0], $0xffff  }
0x157: {  	v37 =	vadd.f32 v37, v46;
	v54 =	vsub.f32 v49, v35;
	v33 =	vmul.f32 v33, v0;
	v14 =	vld.idx.msk [tilespmem:v14+s5+$0x0], $0xffff  }
0x158: {  	v43 =	vadd.f32 v43, v44;
	v56 =	vmul.f32 v55, v7;
	v59 =	vmul.f32 v45, v16  }
0x159: {  	v55 =	vadd.s32 $0x11D04, v28;
	v31 =	vadd.f32 v32, v31;
	v37 =	vsub.f32 v37, v30  }
0x15a: {  	v46 =	vmul.f32 v54, v7;
	v32 =	vsub.f32 v52, v42;
	v50 =	vsub.f32 v43, v40  }
0x15b: {  	v33 =	vadd.f32 v33, v34;
	v23 =	vadd.f32 v56, v23;
	v37 =	vmul.f32 v37, v4  }
0x15c: {  	v52 =	vadd.s32 $0x118C3, v28;
	v38 =	vsub.f32 v38, v39;
	v14 =	vsub.f32 v14, v36  }
0x15d: {  	v57 =	vadd.f32 v46, v35;
	v32 =	vmul.f32 v32, v16;
	v30 =	vadd.f32 v37, v30  }
0x15e: {  	v38 =	vmul.f32 v38, v16;
	v14 =	vmul.f32 v14, v16;
	v16 =	vadd.s32 $0x118C2, v28  }
0x15f: {  	v54 =	vadd.s32 $0x11D03, v28;
	v35 =	vadd.f32 v59, v41;
	v30 =	vsub.f32 v30, v31  }
0x160: {  	v41 =	vadd.f32 v15, v20;
	v59 =	vadd.s32 $0x118E3, v27;
	[tilespmem:s12+$0xFFFFFFE0] =	vst v33;
	v33 =	vadd.s32 $0x118C2, v25  }
0x161: {  	v32 =	vadd.f32 v32, v42;
	v23 =	vsub.f32 v23, v57;
	v30 =	vmul.f32 v30, v6  }
0x162: {  	v37 =	vmul.f32 v50, v3;
	v22 =	vld.idx.msk [tilespmem:v22+s5+$0x0], $0xffff;
	v38 =	vadd.f32 v38, v39;
	v14 =	vadd.f32 v14, v36  }
0x163: {  	s13 =	simm.s32 $0x1D020;
	v56 =	vld.idx.msk [tilespmem:v16+s5+$0x0], $0xffff;
	v16 =	vmul.f32 v23, v3;
	v23 =	vadd.f32 v30, v31;
	v30 =	vadd.s32 $0x11D24, v28  }
0x164: {  	[tilespmem:s13+$0x10] =	vst v19;
	v19 =	vsub.f32 v41, v63;
	v32 =	vsub.f32 v32, v35;
	v28 =	vadd.s32 $0x11D25, v28;
	v31 =	vld.idx.msk [tilespmem:v52+s5+$0x0], $0xffff  }
0x165: {  	v50 =	vld.idx.msk [tilespmem:v54+s5+$0x0], $0xffff;
	v14 =	vsub.f32 v14, v38;
	v34 =	vadd.f32 v16, v57;
	v57 =	vadd.s32 $0x118C2, v27  }
0x166: {  	v16 =	vmul.f32 v24, v13;
	v24 =	vld.idx.msk [tilespmem:v53+s5+$0x0], $0xffff;
	v13 =	vmul.f32 v29, v13;
	v29 =	vadd.s32 $0x118C3, v27  }
0x167: {  	v54 =	vadd.s32 $0x11D03, v27;
	v37 =	vadd.f32 v37, v40;
	v52 =	vadd.s32 $0x118E4, v27;
	v53 =	vld.idx.msk [tilespmem:v55+s5+$0x0], $0xffff  }
0x168: {  	v20 =	vmul.f32 v32, v12;
	v12 =	vmul.f32 v14, v12;
	v16 =	vadd.f32 v16, v21;
	v15 =	vld.idx.msk [tilespmem:v30+s5+$0x0], $0xffff  }
0x169: {  	[tilespmem:s12+$0xFFFFFFF0] =	vst v23;
	v21 =	vsub.f32 v34, v37;
	v14 =	vsub.f32 v31, v56;
	v31 =	vadd.s32 $0x11D04, v27;
	v28 =	vld.idx.msk [tilespmem:v28+s5+$0x0], $0xffff  }
0x16a: {  	v13 =	vadd.f32 v13, v18;
	v18 =	vadd.f32 v20, v35;
	v30 =	vadd.s32 $0x11D24, v27;
	v20 =	vld.idx.msk [tilespmem:v57+s5+$0x0], $0xffff  }
0x16b: {  	v27 =	vadd.s32 $0x11D25, v27;
	v21 =	vmul.f32 v21, v10;
	v14 =	vmul.f32 v14, v26;
	v55 =	vld.idx.msk [tilespmem:v29+s5+$0x0], $0xffff  }
0x16c: {  	v32 =	vadd.s32 $0x118C3, v25;
	v23 =	vsub.f32 v24, v22;
	v29 =	vsub.f32 v53, v50;
	v24 =	vld.idx.msk [tilespmem:v52+s5+$0x0], $0xffff  }
0x16d: {  	s16 =	simm.s32 $0x1D060;
	v36 =	vadd.s32 $0x11D04, v25;
	v14 =	vadd.f32 v14, v56;
	v56 =	vadd.f32 v21, v37;
	v21 =	vld.idx.msk [tilespmem:v59+s5+$0x0], $0xffff  }
0x16e: {  	[tilespmem:s16+$0x10] =	vst v17;
	v34 =	vadd.s32 $0x118E3, v25;
	v35 =	vadd.s32 $0x118E4, v25;
	v59 =	vsub.f32 v28, v15;
	v28 =	vld.idx.msk [tilespmem:v31+s5+$0x0], $0xffff  }
0x16f: {  	v57 =	vmul.f32 v23, v26;
	v23 =	vadd.f32 v12, v38;
	v12 =	vmul.f32 v29, v26;
	v17 =	vld.idx.msk [tilespmem:v30+s5+$0x0], $0xffff  }
0x170: {  	v51 =	vmovc v2;
	v48 =	vmovc v4;
	v37 =	vadd.s32 $0x11D03, v25;
	v38 =	vadd.s32 $0x11D24, v25;
	v31 =	vadd.s32 $0x11D25, v25;
	v25 =	vld.idx.msk [tilespmem:v27+s5+$0x0], $0xffff  }
0x171: {  	v49 =	vmovc v7;
	v45 =	vmov v3;
	v13 =	vsub.f32 v13, v16;
	v29 =	vadd.f32 v57, v22;
	v22 =	vld.idx.msk [tilespmem:v54+s5+$0x0], $0xffff  }
0x172: {  	s7 =	simm.s32 $0x4;
	s17 =	simm.s32 $0x1A8A0;
	v42 =	vadd.f32 v12, v50;
	[tilespmem:s12+$0x0] =	vst v56;
	v26 =	vmul.f32 v59, v26;
	v27 =	vsub.f32 v55, v20  }
.LBB2_3:
0x173: {  	v30 =	vld [tilespmem:s17+$0x10];
	s9 =	sadd.s32 $0x40, s9  }
0x174: {  	s10 =	sadd.s32 $0x40, s10;
	v29 =	vsub.f32 v29, v14;
	v9 =	vld [tilespmem:s9+$0x10]  }
0x175: {  	v15 =	vadd.f32 v26, v15;
	v26 =	vmul.f32 v27, v58;
	v27 =	vld [tilespmem:s10+$0x10]  }
0x176: {  	v1 =	vmovc v0;
	v0 =	vmov v6;
	v23 =	vsub.f32 v23, v18;
	v29 =	vmul.f32 v29, v51  }
0x177: {  	[tilespmem:$0x1FF60] =	vst v0;
	v0 =	vadd.f32 v26, v20;
	v24 =	vsub.f32 v24, v21  }
0x178: {  	v19 =	vmul.f32 v19, v60;
	v39 =	vmul.f32 v13, v61;
	v3 =	vadd.f32 v29, v14  }
0x179: {  	v26 =	vmul.f32 $3.200000000e+01, v30;
	v29 =	vld [tilespmem:s9+$0x0];
	v20 =	vmul.f32 v24, v58;
	v24 =	vsub.f32 v28, v22  }
0x17a: {  	v19 =	vadd.f32 v19, v63;
	v28 =	vld [tilespmem:s17+$0xFFFFFFF0];
	v30 =	vmul.f32 $3.200000000e+01, v9;
	v44 =	vmul.f32 $3.200000000e+01, v27  }
0x17b: {  	[tilespmem:$0x1FF30] =	vst v1;
	v11 =	vld [tilespmem:s9+$0xFFFFFFE0];
	v20 =	vadd.f32 v20, v21;
	v14 =	vmul.f32 v24, v58;
	v21 =	vsub.f32 v25, v17  }
0x17c: {  	v2 =	vsub.f32 v15, v42;
	v1 =	vmovc v10;
	v10 =	vtrunc.f32 v26;
	[tilespmem:s13+$0xFFFFFFE0] =	vst v19;
	v19 =	vmul.f32 v23, v62;
	v23 =	vld [tilespmem:s9+$0xFFFFFFF0]  }
0x17d: {  	[tilespmem:$0x1FF10] =	vst v1;
	v24 =	vld [tilespmem:s17+$0x0];
	v1 =	vadd.f32 v14, v22;
	v8 =	vmul.f32 v21, v58;
	v22 =	vtrunc.f32 v30  }
0x17e: {  	[tilespmem:$0x1FFF0] =	vst v0;
	v0 =	vsub.f32 v20, v0;
	v20 =	vcvt.f32.s32 v10;
	v40 =	vmul.f32 $3.200000000e+01, v29  }
0x17f: {  	v9 =	vadd.f32 v39, v16;
	v22 =	vcvt.f32.s32 v22;
	v25 =	vmul.f32 $3.200000000e+01, v28  }
0x180: {  	v21 =	vld [tilespmem:s17+$0xFFFFFFE0];
	[tilespmem:$0x1FFC0] =	vst v0;
	v0 =	vadd.f32 v8, v17;
	v17 =	vmul.f32 $3.200000000e+01, v11;
	v11 =	vadd.f32 v19, v18  }
0x181: {  	vm0 =	vgt.s32 v20, $0x0;
	v18 =	vtrunc.f32 v44;
	v43 =	vtrunc.f32 v40  }
0x182: {  	vm1 =	vgt.s32 v22, $0x0;
	v27 =	vmul.f32 $3.200000000e+01, v23;
	v39 =	vmul.f32 $3.200000000e+01, v24  }
0x183: {  	[tilespmem:$0x1FFD0] =	vst v45;
	v28 =	vld [tilespmem:s10+$0x0];
	v19 =	vnsel vm0, $0x0, v20;
	v58 =	vtrunc.f32 v25;
	v43 =	vcvt.f32.s32 v43  }
0x184: {  	[tilespmem:$0x1FFB0] =	vst v0;
	v20 =	vnsel vm1, $0x0, v22;
	v22 =	vcvt.f32.s32 v18;
	v0 =	vld.idx.msk [tilespmem:v33+s5+$0x0], $0xffff;
	v41 =	vmin.u32 v19, $0x1F  }
0x185: {  	[tilespmem:s13+$0xFFFFFFF0] =	vst v9;
	v56 =	vld [tilespmem:s10+$0xFFFFFFE0];
	v57 =	vtrunc.f32 v17;
	v16 =	vmul.f32 $3.200000000e+01, v21;
	v45 =	vmin.u32 v20, $0x1F  }
0x186: {  	v8 =	vld [tilespmem:s10+$0xFFFFFFF0];
	[tilespmem:s13+$0x0] =	vst v11;
	v20 =	vmul.u32 $0x441, v41;
	v59 =	vtrunc.f32 v27;
	v61 =	vtrunc.f32 v39  }
0x187: {  	v24 =	vld.idx.msk [tilespmem:v35+s5+$0x0], $0xffff;
	v35 =	vcvt.f32.s32 v58;
	vm10 =	vgt.s32 v22, $0x0;
	v21 =	vmul.u32 $0x21, v45  }
0x188: {  	vm5 =	vgt.s32 v43, $0x0;
	v41 =	vcvt.s32.f32 v41;
	v22 =	vnsel vm10, $0x0, v22  }
0x189: {  	v28 =	vmul.f32 $3.200000000e+01, v28;
	v21 =	vadd.s32 v20, v21;
	[tilespmem:$0x1FF40] =	vst v0;
	v0 =	vld.idx.msk [tilespmem:v32+s5+$0x0], $0xffff;
	v32 =	vmin.u32 v22, $0x1F  }
0x18a: {  	v45 =	vcvt.s32.f32 v45;
	v29 =	vtrunc.f32 v16;
	v33 =	vadd.s32 v32, v21  }
0x18b: {  	v19 =	vld.idx.msk [tilespmem:v37+s5+$0x0], $0xffff;
	v10 =	vmul.f32 $3.200000000e+01, v8;
	vm2 =	vgt.s32 v35, $0x0;
	v60 =	vadd.s32 $0x1, v33  }
0x18c: {  	v23 =	vld.idx.msk [tilespmem:v31+s5+$0x0], $0xffff;
	v31 =	vcvt.f32.s32 v29;
	v29 =	vmul.f32 $3.200000000e+01, v56;
	v46 =	vadd.s32 $0x21, v33  }
0x18d: {  	v54 =	vtrunc.f32 v28;
	v35 =	vnsel vm2, $0x0, v35;
	v21 =	vld.idx.msk [tilespmem:v38+s5+$0x0], $0xffff;
	v47 =	vadd.s32 $0x22, v33  }
0x18e: {  	v56 =	vnsel vm5, $0x0, v43;
	v53 =	vtrunc.f32 v10;
	v62 =	vadd.s32 $0x441, v33;
	[tilespmem:$0x1FF50] =	vst v0;
	v0 =	vld.idx.msk [tilespmem:v34+s5+$0x0], $0xffff  }
0x18f: {  	v18 =	vmovc v49;
	v56 =	vmin.u32 v56, $0x1F;
	v38 =	vcvt.f32.s32 v61;
	v50 =	vadd.s32 $0x442, v33;
	v49 =	vld.idx.msk [tilespmem:v33+s5+$0x0], $0xffff  }
0x190: {  	vm11 =	vgt.s32 v31, $0x0;
	v52 =	vtrunc.f32 v29;
	v61 =	vadd.s32 $0x463, v33;
	v63 =	vld.idx.msk [tilespmem:v60+s5+$0x0], $0xffff  }
0x191: {  	v32 =	vcvt.s32.f32 v32;
	v31 =	vnsel vm11, $0x0, v31;
	v60 =	vadd.s32 $0x462, v33;
	v46 =	vld.idx.msk [tilespmem:v46+s5+$0x0], $0xffff  }
0x192: {  	[tilespmem:$0x1FFE0] =	vst v42;
	v52 =	vcvt.f32.s32 v52;
	v42 =	vmin.u32 v31, $0x1F;
	v31 =	vcvt.f32.s32 v53;
	v47 =	vld.idx.msk [tilespmem:v47+s5+$0x0], $0xffff  }
0x193: {  	v20 =	vmovc v48;
	vm4 =	vgt.s32 v38, $0x0;
	v53 =	vcvt.f32.s32 v54;
	v34 =	vcvt.f32.s32 v57;
	v48 =	vld.idx.msk [tilespmem:v62+s5+$0x0], $0xffff  }
0x194: {  	v37 =	vsub.f32 v44, v32;
	vm13 =	vgt.s32 v52, $0x0;
	vm14 =	vgt.s32 v31, $0x0;
	v50 =	vld.idx.msk [tilespmem:v50+s5+$0x0], $0xffff  }
0x195: {  	vm15 =	vgt.s32 v53, $0x0;
	v31 =	vnsel vm14, $0x0, v31;
	vm12 =	vgt.s32 v34, $0x0;
	v57 =	vld.idx.msk [tilespmem:v61+s5+$0x0], $0xffff  }
0x196: {  	v62 =	vnsel vm4, $0x0, v38;
	v38 =	vmin.u32 v35, $0x1F;
	v34 =	vnsel vm12, $0x0, v34;
	v55 =	vld.idx.msk [tilespmem:v60+s5+$0x0], $0xffff  }
0x197: {  	v43 =	vmin.u32 v62, $0x1F;
	v54 =	vmin.u32 v34, $0x1F;
	[tilespmem:$0x1FF70] =	vst v0;
	v0 =	vld.idx.msk [tilespmem:v36+s5+$0x0], $0xffff;
	v36 =	vcvt.f32.s32 v59  }
0x198: {  	v32 =	vmul.u32 $0x441, v38;
	v34 =	vmul.u32 $0x441, v42;
	v35 =	vmul.u32 $0x21, v54  }
0x199: {  	v59 =	vmul.u32 $0x21, v56;
	vm3 =	vgt.s32 v36, $0x0;
	v63 =	vsub.f32 v63, v49  }
0x19a: {  	v60 =	vsub.f32 v47, v46;
	v50 =	vsub.f32 v50, v48;
	v36 =	vnsel vm3, $0x0, v36  }
0x19b: {  	v58 =	vmin.u32 v36, $0x1F;
	v36 =	vmul.f32 v37, v63;
	v62 =	vsub.f32 v57, v55  }
0x19c: {  	v34 =	vadd.s32 v34, v35;
	v44 =	vmul.f32 v37, v60;
	v50 =	vmul.f32 v50, v37  }
0x19d: {  	v22 =	vmovc v51;
	v60 =	vnsel vm15, $0x0, v53;
	v49 =	vadd.f32 v36, v49;
	v51 =	vmul.f32 v62, v37  }
0x19e: {  	v61 =	vmul.u32 $0x21, v58;
	v44 =	vadd.f32 v44, v46;
	v46 =	vadd.f32 v50, v48  }
0x19f: {  	v36 =	vsub.f32 v30, v45;
	v30 =	vnsel vm13, $0x0, v52;
	v63 =	vadd.f32 v51, v55  }
0x1a0: {  	v45 =	vmin.u32 v31, $0x1F;
	v57 =	vmul.u32 $0x441, v43;
	v30 =	vmin.u32 v30, $0x1F  }
0x1a1: {  	v32 =	vadd.s32 v32, v61;
	v35 =	vadd.s32 v30, v34;
	v55 =	vsub.f32 v63, v46  }
0x1a2: {  	v32 =	vadd.s32 v45, v32;
	v34 =	vsub.f32 v26, v41;
	v41 =	vadd.s32 $0x1, v35  }
0x1a3: {  	[tilespmem:$0x1FF90] =	vst v2;
	v44 =	vsub.f32 v44, v49;
	v2 =	vadd.s32 $0x441, v32;
	v62 =	vmul.f32 v55, v36  }
0x1a4: {  	v31 =	vadd.s32 v57, v59;
	v4 =	vadd.s32 $0x442, v32;
	v5 =	vadd.s32 $0x462, v32  }
0x1a5: {  	v61 =	vmul.f32 v44, v36;
	v44 =	vadd.f32 v62, v46;
	v46 =	vmin.u32 v60, $0x1F  }
0x1a6: {  	v7 =	vadd.s32 $0x463, v32;
	v57 =	vld.idx.msk [tilespmem:v35+s5+$0x0], $0xffff;
	v31 =	vadd.s32 v46, v31  }
0x1a7: {  	v41 =	vld.idx.msk [tilespmem:v41+s5+$0x0], $0xffff;
	v9 =	vadd.s32 $0x21, v31  }
0x1a8: {  	v2 =	vld.idx.msk [tilespmem:v2+s5+$0x0], $0xffff;
	v12 =	vadd.s32 $0x22, v31  }
0x1a9: {  	v63 =	vadd.f32 v61, v49;
	v4 =	vld.idx.msk [tilespmem:v4+s5+$0x0], $0xffff;
	v11 =	vadd.s32 $0x441, v31  }
0x1aa: {  	v5 =	vld.idx.msk [tilespmem:v5+s5+$0x0], $0xffff;
	v13 =	vadd.s32 $0x442, v31  }
0x1ab: {  	v7 =	vld.idx.msk [tilespmem:v7+s5+$0x0], $0xffff;
	v26 =	vsub.f32 v44, v63;
	v15 =	vadd.s32 $0x462, v31  }
0x1ac: {  	v14 =	vadd.s32 $0x463, v31;
	v9 =	vld.idx.msk [tilespmem:v9+s5+$0x0], $0xffff  }
0x1ad: {  	v51 =	vadd.s32 $0x8C61, v33;
	v26 =	vmul.f32 v26, v34;
	v12 =	vld.idx.msk [tilespmem:v12+s5+$0x0], $0xffff  }
0x1ae: {  	v55 =	vadd.s32 $0x8C62, v33;
	v11 =	vld.idx.msk [tilespmem:v11+s5+$0x0], $0xffff  }
0x1af: {  	v47 =	vadd.s32 $0x8C82, v33;
	v26 =	vadd.f32 v26, v63;
	v13 =	vld.idx.msk [tilespmem:v13+s5+$0x0], $0xffff  }
0x1b0: {  	s11 =	sadd.s32 $0x40, s11;
	[tilespmem:$0x1FF20] =	vst v3;
	v62 =	vadd.s32 $0x8C83, v33;
	v15 =	vld.idx.msk [tilespmem:v15+s5+$0x0], $0xffff  }
0x1b1: {  	v3 =	vadd.s32 $0x90A3, v33;
	v6 =	vadd.s32 $0x90C3, v33;
	v14 =	vld.idx.msk [tilespmem:v14+s5+$0x0], $0xffff;
	[tilespmem:s11+$0x10] =	vst v26  }
0x1b2: {  	v38 =	vcvt.s32.f32 v38;
	v54 =	vcvt.s32.f32 v54;
	v26 =	vadd.s32 $0x90A2, v33;
	v51 =	vld.idx.msk [tilespmem:v51+s5+$0x0], $0xffff  }
0x1b3: {  	[tilespmem:$0x1FF80] =	vst v0;
	v0 =	vadd.s32 $0x90C4, v33;
	v30 =	vcvt.s32.f32 v30;
	v45 =	vcvt.s32.f32 v45;
	v55 =	vld.idx.msk [tilespmem:v55+s5+$0x0], $0xffff  }
0x1b4: {  	v48 =	vadd.s32 $0x22, v35;
	v50 =	vadd.s32 $0x441, v35;
	v52 =	vadd.s32 $0x442, v35;
	v47 =	vld.idx.msk [tilespmem:v47+s5+$0x0], $0xffff  }
0x1b5: {  	v53 =	vadd.s32 $0x462, v35;
	v46 =	vcvt.s32.f32 v46;
	v41 =	vsub.f32 v41, v57;
	v62 =	vld.idx.msk [tilespmem:v62+s5+$0x0], $0xffff  }
0x1b6: {  	v59 =	vadd.s32 $0x463, v35;
	v4 =	vsub.f32 v4, v2;
	v7 =	vsub.f32 v7, v5;
	v3 =	vld.idx.msk [tilespmem:v3+s5+$0x0], $0xffff  }
0x1b7: {  	[tilespmem:$0x1FFA0] =	vst v1;
	v61 =	vadd.s32 $0x21, v32;
	v28 =	vsub.f32 v28, v46;
	v12 =	vsub.f32 v12, v9;
	v1 =	vld.idx.msk [tilespmem:v26+s5+$0x0], $0xffff  }
0x1b8: {  	v26 =	vsub.f32 v29, v30;
	v29 =	vcvt.s32.f32 v58;
	v58 =	vsub.f32 v10, v45;
	v45 =	vld.idx.msk [tilespmem:v6+s5+$0x0], $0xffff  }
0x1b9: {  	v44 =	vadd.s32 $0x21, v35;
	v13 =	vsub.f32 v13, v11;
	v30 =	vsub.f32 v17, v54;
	v17 =	vld.idx.msk [tilespmem:v0+s5+$0x0], $0xffff  }
0x1ba: {  	v14 =	vsub.f32 v14, v15;
	v6 =	vcvt.s32.f32 v56;
	v0 =	vcvt.s32.f32 v42  }
0x1bb: {  	v56 =	vsub.f32 v55, v51;
	v10 =	vmul.f32 v26, v41;
	v29 =	vsub.f32 v27, v29  }
0x1bc: {  	v60 =	vadd.s32 $0x1, v32;
	v27 =	vsub.f32 v40, v6;
	v0 =	vsub.f32 v16, v0  }
0x1bd: {  	v46 =	vcvt.s32.f32 v43;
	v16 =	vld.idx.msk [tilespmem:v50+s5+$0x0], $0xffff;
	v50 =	vadd.f32 v10, v57;
	v57 =	vsub.f32 v62, v47  }
0x1be: {  	v54 =	vld.idx.msk [tilespmem:v44+s5+$0x0], $0xffff;
	v12 =	vmul.f32 v28, v12;
	v3 =	vsub.f32 v3, v1;
	v17 =	vsub.f32 v17, v45  }
0x1bf: {  	v44 =	vld.idx.msk [tilespmem:v48+s5+$0x0], $0xffff;
	v10 =	vsub.f32 v39, v46;
	v46 =	vmul.f32 v56, v37;
	v48 =	vmul.f32 v57, v37  }
0x1c0: {  	v49 =	vld.idx.msk [tilespmem:v32+s5+$0x0], $0xffff;
	v6 =	vsub.f32 v25, v38;
	v3 =	vmul.f32 v3, v37;
	v17 =	vmul.f32 v17, v37  }
0x1c1: {  	v43 =	vld.idx.msk [tilespmem:v52+s5+$0x0], $0xffff;
	v13 =	vmul.f32 v13, v28;
	v51 =	vadd.f32 v46, v51;
	v47 =	vadd.f32 v48, v47  }
0x1c2: {  	v8 =	vadd.s32 $0x1, v31;
	v52 =	vld.idx.msk [tilespmem:v59+s5+$0x0], $0xffff;
	v1 =	vadd.f32 v3, v1;
	v3 =	vadd.f32 v17, v45  }
0x1c3: {  	v25 =	vld.idx.msk [tilespmem:v53+s5+$0x0], $0xffff;
	v4 =	vmul.f32 v4, v58;
	v9 =	vadd.f32 v12, v9;
	v11 =	vadd.f32 v13, v11  }
0x1c4: {  	v63 =	vadd.s32 $0x22, v32;
	v53 =	vld.idx.msk [tilespmem:v60+s5+$0x0], $0xffff;
	v47 =	vsub.f32 v47, v51;
	v3 =	vsub.f32 v3, v1  }
0x1c5: {  	v13 =	vmul.f32 v14, v28;
	v2 =	vadd.f32 v4, v2;
	v4 =	vmul.f32 v7, v58  }
0x1c6: {  	v56 =	vld.idx.msk [tilespmem:v61+s5+$0x0], $0xffff;
	v55 =	vsub.f32 v44, v54;
	v61 =	vmul.f32 v47, v36;
	v3 =	vmul.f32 v3, v36  }
0x1c7: {  	v8 =	vld.idx.msk [tilespmem:v8+s5+$0x0], $0xffff;
	v13 =	vadd.f32 v13, v15;
	v4 =	vadd.f32 v4, v5  }
0x1c8: {  	v7 =	vld.idx.msk [tilespmem:v31+s5+$0x0], $0xffff;
	v51 =	vadd.f32 v61, v51;
	v1 =	vadd.f32 v3, v1  }
0x1c9: {  	v57 =	vld.idx.msk [tilespmem:v63+s5+$0x0], $0xffff;
	v60 =	vmul.f32 v26, v55;
	v52 =	vsub.f32 v52, v25;
	v53 =	vsub.f32 v53, v49  }
0x1ca: {  	v4 =	vsub.f32 v4, v2;
	v1 =	vsub.f32 v1, v51  }
0x1cb: {  	v17 =	vsub.f32 v43, v16;
	v54 =	vadd.f32 v60, v54;
	v52 =	vmul.f32 v52, v26  }
0x1cc: {  	v53 =	vmul.f32 v58, v53;
	v60 =	vadd.s32 $0x118C2, v33;
	v1 =	vmul.f32 v1, v34  }
0x1cd: {  	v8 =	vsub.f32 v8, v7;
	v17 =	vmul.f32 v17, v26;
	v61 =	vadd.s32 $0x118C3, v33  }
0x1ce: {  	v59 =	vsub.f32 v57, v56;
	v57 =	vadd.s32 $0x118E3, v33;
	v1 =	vadd.f32 v1, v51  }
0x1cf: {  	s12 =	sadd.s32 $0x40, s12;
	v5 =	vadd.s32 $0x118E4, v33;
	v4 =	vmul.f32 v4, v29;
	v8 =	vmul.f32 v28, v8  }
0x1d0: {  	v3 =	vadd.f32 v17, v16;
	v16 =	vmul.f32 v58, v59;
	[tilespmem:s12+$0x10] =	vst v1;
	v1 =	vadd.s32 $0x11D03, v33  }
0x1d1: {  	v17 =	vadd.f32 v52, v25;
	v25 =	vadd.f32 v53, v49;
	v49 =	vld.idx.msk [tilespmem:v60+s5+$0x0], $0xffff;
	v60 =	vadd.s32 $0x11D04, v33  }
0x1d2: {  	v13 =	vsub.f32 v13, v11;
	v2 =	vadd.f32 v4, v2;
	v52 =	vld.idx.msk [tilespmem:v61+s5+$0x0], $0xffff;
	v61 =	vadd.s32 $0x11D24, v33  }
0x1d3: {  	v7 =	vadd.f32 v8, v7;
	v16 =	vadd.f32 v16, v56;
	v12 =	vld.idx.msk [tilespmem:v57+s5+$0x0], $0xffff;
	v33 =	vadd.s32 $0x11D25, v33  }
0x1d4: {  	v59 =	vsub.f32 v54, v50;
	v17 =	vsub.f32 v17, v3;
	v5 =	vld.idx.msk [tilespmem:v5+s5+$0x0], $0xffff  }
0x1d5: {  	v4 =	vmul.f32 v13, v27;
	v9 =	vsub.f32 v9, v7;
	v16 =	vsub.f32 v16, v25;
	v1 =	vld.idx.msk [tilespmem:v1+s5+$0x0], $0xffff  }
0x1d6: {  	v42 =	vadd.s32 $0x8C61, v35;
	v14 =	vmul.f32 v59, v30;
	v17 =	vmul.f32 v17, v30;
	v15 =	vld.idx.msk [tilespmem:v60+s5+$0x0], $0xffff  }
0x1d7: {  	v4 =	vadd.f32 v4, v11;
	v9 =	vmul.f32 v9, v27;
	v16 =	vmul.f32 v16, v29;
	v8 =	vld.idx.msk [tilespmem:v61+s5+$0x0], $0xffff  }
0x1d8: {  	v40 =	vadd.s32 $0x8C62, v35;
	v14 =	vadd.f32 v14, v50;
	v3 =	vadd.f32 v17, v3;
	v33 =	vld.idx.msk [tilespmem:v33+s5+$0x0], $0xffff  }
0x1d9: {  	v41 =	vadd.s32 $0x8C82, v35;
	v7 =	vadd.f32 v9, v7;
	v16 =	vadd.f32 v16, v25  }
0x1da: {  	v38 =	vadd.s32 $0x90A2, v35;
	v39 =	vadd.s32 $0x8C83, v35;
	v3 =	vsub.f32 v3, v14  }
0x1db: {  	v13 =	vadd.s32 $0x90C3, v32;
	v4 =	vsub.f32 v4, v7;
	v2 =	vsub.f32 v2, v16  }
0x1dc: {  	v3 =	vmul.f32 v3, v0;
	v56 =	vsub.f32 v52, v49;
	v5 =	vsub.f32 v5, v12  }
0x1dd: {  	v2 =	vmul.f32 v2, v6;
	v15 =	vsub.f32 v15, v1;
	v33 =	vsub.f32 v33, v8  }
0x1de: {  	v3 =	vadd.f32 v3, v14;
	v9 =	vmul.f32 v56, v37;
	v5 =	vmul.f32 v5, v37  }
0x1df: {  	v2 =	vadd.f32 v2, v16;
	v14 =	vmul.f32 v15, v37;
	v15 =	vmul.f32 v33, v37  }
0x1e0: {  	v44 =	vadd.s32 $0x90A3, v35;
	[tilespmem:s11+$0xFFFFFFE0] =	vst v3;
	v9 =	vadd.f32 v9, v49;
	v5 =	vadd.f32 v5, v12  }
0x1e1: {  	v46 =	vadd.s32 $0x90C3, v35;
	v39 =	vld.idx.msk [tilespmem:v39+s5+$0x0], $0xffff;
	[tilespmem:s11+$0xFFFFFFF0] =	vst v2;
	v1 =	vadd.f32 v14, v1;
	v8 =	vadd.f32 v15, v8  }
0x1e2: {  	v55 =	vadd.s32 $0x118C3, v35;
	v45 =	vadd.s32 $0x90C4, v35;
	v11 =	vadd.s32 $0x8C61, v31;
	v13 =	vld.idx.msk [tilespmem:v13+s5+$0x0], $0xffff  }
0x1e3: {  	v2 =	vmul.f32 v4, v10;
	v12 =	vld.idx.msk [tilespmem:v42+s5+$0x0], $0xffff;
	v5 =	vsub.f32 v5, v9;
	v8 =	vsub.f32 v8, v1  }
0x1e4: {  	v48 =	vadd.s32 $0x8C82, v32;
	v47 =	vadd.s32 $0x8C62, v32;
	v3 =	vadd.s32 $0x8C82, v31;
	v15 =	vld.idx.msk [tilespmem:v40+s5+$0x0], $0xffff  }
0x1e5: {  	v2 =	vadd.f32 v2, v7;
	v7 =	vld.idx.msk [tilespmem:v44+s5+$0x0], $0xffff;
	v5 =	vmul.f32 v5, v36;
	v8 =	vmul.f32 v8, v36  }
0x1e6: {  	v53 =	vadd.s32 $0x118E3, v35;
	v54 =	vadd.s32 $0x118E4, v35;
	v59 =	vadd.s32 $0x90C4, v32;
	v33 =	vld.idx.msk [tilespmem:v41+s5+$0x0], $0xffff  }
0x1e7: {  	v50 =	vadd.s32 $0x11D04, v35;
	[tilespmem:s11+$0x0] =	vst v2;
	v2 =	vld.idx.msk [tilespmem:v45+s5+$0x0], $0xffff;
	v5 =	vadd.f32 v5, v9;
	v1 =	vadd.f32 v8, v1  }
0x1e8: {  	v17 =	vadd.s32 $0x90A2, v32;
	v51 =	vadd.s32 $0x11D24, v35;
	v25 =	vadd.s32 $0x90A3, v32;
	v11 =	vld.idx.msk [tilespmem:v11+s5+$0x0], $0xffff  }
0x1e9: {  	v52 =	vadd.s32 $0x11D03, v35;
	v3 =	vld.idx.msk [tilespmem:v3+s5+$0x0], $0xffff;
	v9 =	vsub.f32 v15, v12;
	v1 =	vsub.f32 v1, v5  }
0x1ea: {  	v56 =	vadd.s32 $0x118C2, v35;
	v49 =	vadd.s32 $0x11D25, v35;
	v37 =	vadd.s32 $0x8C62, v31;
	v36 =	vld.idx.msk [tilespmem:v38+s5+$0x0], $0xffff  }
0x1eb: {  	v35 =	vsub.f32 v39, v33;
	v38 =	vld.idx.msk [tilespmem:v47+s5+$0x0], $0xffff;
	v9 =	vmul.f32 v9, v26;
	v1 =	vmul.f32 v1, v34  }
0x1ec: {  	v43 =	vadd.s32 $0x8C61, v32;
	v47 =	vld.idx.msk [tilespmem:v48+s5+$0x0], $0xffff  }
0x1ed: {  	v34 =	vmul.f32 v35, v26;
	v1 =	vadd.f32 v1, v5;
	v5 =	vadd.f32 v9, v12;
	v9 =	vld.idx.msk [tilespmem:v17+s5+$0x0], $0xffff  }
0x1ee: {  	s13 =	smov.u32 s16;
	s16 =	sadd.s32 $0x40, s16;
	v14 =	vadd.s32 $0x8C83, v31;
	v12 =	vld.idx.msk [tilespmem:v25+s5+$0x0], $0xffff  }
0x1ef: {  	v57 =	vadd.s32 $0x8C83, v32;
	v48 =	vld.idx.msk [tilespmem:v37+s5+$0x0], $0xffff;
	[tilespmem:s16+$0x10] =	vst v1;
	v1 =	vadd.f32 v34, v33  }
0x1f0: {  	v16 =	vadd.s32 $0x90A2, v31;
	v17 =	vld.idx.msk [tilespmem:v59+s5+$0x0], $0xffff  }
0x1f1: {  	v8 =	vld.idx.msk [tilespmem:v46+s5+$0x0], $0xffff;
	v1 =	vsub.f32 v1, v5  }
0x1f2: {  	v15 =	vld.idx.msk [tilespmem:v43+s5+$0x0], $0xffff  }
0x1f3: {  	v14 =	vld.idx.msk [tilespmem:v14+s5+$0x0], $0xffff;
	v12 =	vsub.f32 v12, v9;
	v1 =	vmul.f32 v1, v30  }
0x1f4: {  	v60 =	vadd.s32 $0x90C3, v31;
	v57 =	vld.idx.msk [tilespmem:v57+s5+$0x0], $0xffff;
	v7 =	vsub.f32 v7, v36  }
0x1f5: {  	v12 =	vmul.f32 v12, v58;
	v1 =	vadd.f32 v1, v5;
	v5 =	vld.idx.msk [tilespmem:v16+s5+$0x0], $0xffff;
	v16 =	vsub.f32 v17, v13  }
0x1f6: {  	v4 =	vadd.s32 $0x90A3, v31;
	v48 =	vsub.f32 v48, v11;
	v2 =	vsub.f32 v2, v8  }
0x1f7: {  	v7 =	vmul.f32 v7, v26;
	v9 =	vadd.f32 v12, v9;
	v12 =	vmul.f32 v16, v58  }
0x1f8: {  	v14 =	vsub.f32 v14, v3;
	v25 =	vsub.f32 v38, v15;
	v2 =	vmul.f32 v2, v26  }
0x1f9: {  	v7 =	vadd.f32 v7, v36;
	v12 =	vadd.f32 v12, v13;
	v13 =	vmul.f32 v48, v28  }
0x1fa: {  	v2 =	vadd.f32 v2, v8;
	v8 =	vmul.f32 v25, v58;
	v25 =	vsub.f32 v57, v47  }
0x1fb: {  	v61 =	vadd.s32 $0x90C4, v31;
	v57 =	vld [tilespmem:$0x1FF40];
	v11 =	vadd.f32 v13, v11;
	v13 =	vmul.f32 v14, v28  }
0x1fc: {  	v8 =	vadd.f32 v8, v15;
	v15 =	vmul.f32 v25, v58;
	v2 =	vsub.f32 v2, v7;
	v25 =	vld [tilespmem:$0x1FF50]  }
0x1fd: {  	v3 =	vadd.f32 v13, v3  }
0x1fe: {  	v4 =	vld.idx.msk [tilespmem:v4+s5+$0x0], $0xffff;
	v15 =	vadd.f32 v15, v47;
	v2 =	vmul.f32 v2, v30  }
0x1ff: {  	v17 =	vld.idx.msk [tilespmem:v60+s5+$0x0], $0xffff;
	v3 =	vsub.f32 v3, v11  }
0x200: {  	v2 =	vadd.f32 v2, v7;
	v7 =	vsub.f32 v15, v8;
	v16 =	vld.idx.msk [tilespmem:v61+s5+$0x0], $0xffff  }
0x201: {  	v25 =	vsub.f32 v25, v57;
	v3 =	vmul.f32 v3, v27  }
0x202: {  	v2 =	vsub.f32 v2, v1;
	v7 =	vmul.f32 v7, v29  }
0x203: {  	v15 =	vmul.f32 v25, v18;
	v4 =	vsub.f32 v4, v5;
	v3 =	vadd.f32 v3, v11;
	v11 =	vld [tilespmem:$0x1FF90]  }
0x204: {  	v25 =	vld [tilespmem:$0x1FF70];
	v2 =	vmul.f32 v2, v0;
	v7 =	vadd.f32 v7, v8;
	v8 =	vsub.f32 v12, v9  }
0x205: {  	v4 =	vmul.f32 v4, v28;
	v12 =	vsub.f32 v16, v17  }
0x206: {  	v1 =	vadd.f32 v2, v1;
	v2 =	vmul.f32 v8, v29;
	v8 =	vld [tilespmem:$0x1FF80]  }
0x207: {  	v14 =	vadd.f32 v15, v57;
	v15 =	vld [tilespmem:$0x1FFB0];
	v4 =	vadd.f32 v4, v5;
	v5 =	vmul.f32 v12, v28  }
0x208: {  	v11 =	vmul.f32 v11, v22;
	v22 =	vld [tilespmem:$0x1FFA0]  }
0x209: {  	v24 =	vsub.f32 v24, v25;
	v5 =	vadd.f32 v5, v17  }
0x20a: {  	[tilespmem:s12+$0xFFFFFFE0] =	vst v1;
	v1 =	vadd.f32 v2, v9;
	v9 =	vsub.f32 v23, v21  }
0x20b: {  	v62 =	vld [tilespmem:$0x1FF10];
	v8 =	vsub.f32 v8, v19;
	v5 =	vsub.f32 v5, v4  }
0x20c: {  	v63 =	vld [tilespmem:$0x1FF20];
	v2 =	vmul.f32 v24, v18;
	v9 =	vmul.f32 v9, v18  }
0x20d: {  	v12 =	vld.idx.msk [tilespmem:v56+s5+$0x0], $0xffff;
	v8 =	vmul.f32 v8, v18;
	v5 =	vmul.f32 v5, v27;
	v18 =	vsub.f32 v15, v22  }
0x20e: {  	v13 =	vld.idx.msk [tilespmem:v55+s5+$0x0], $0xffff;
	v1 =	vsub.f32 v1, v7  }
0x20f: {  	v4 =	vadd.f32 v5, v4;
	v5 =	vmul.f32 v18, v20;
	v18 =	vld [tilespmem:$0x1FFD0]  }
0x210: {  	v16 =	vld.idx.msk [tilespmem:v54+s5+$0x0], $0xffff;
	v2 =	vadd.f32 v2, v25;
	v1 =	vmul.f32 v1, v6  }
0x211: {  	v17 =	vld.idx.msk [tilespmem:v53+s5+$0x0], $0xffff  }
0x212: {  	v44 =	vadd.s32 $0x118C3, v32;
	v25 =	vld.idx.msk [tilespmem:v52+s5+$0x0], $0xffff;
	v2 =	vsub.f32 v2, v14;
	v1 =	vadd.f32 v1, v7  }
0x213: {  	v46 =	vadd.s32 $0x118C2, v32;
	v7 =	vld [tilespmem:$0x1FFC0]  }
0x214: {  	[tilespmem:s12+$0xFFFFFFF0] =	vst v1;
	v1 =	vmul.f32 v2, v18;
	v2 =	vsub.f32 v4, v3;
	v4 =	vld [tilespmem:$0x1FFE0]  }
0x215: {  	v42 =	vadd.s32 $0x11D04, v32;
	v8 =	vadd.f32 v8, v19;
	v19 =	vld.idx.msk [tilespmem:v50+s5+$0x0], $0xffff  }
0x216: {  	v45 =	vadd.s32 $0x118E3, v32;
	v41 =	vadd.s32 $0x11D03, v32;
	v40 =	vadd.s32 $0x11D24, v32;
	v15 =	vld.idx.msk [tilespmem:v51+s5+$0x0], $0xffff  }
0x217: {  	v39 =	vadd.s32 $0x11D25, v32;
	v37 =	vadd.s32 $0x11D03, v31;
	v13 =	vsub.f32 v13, v12;
	v51 =	vmovc v30;
	v30 =	vld.idx.msk [tilespmem:v44+s5+$0x0], $0xffff  }
0x218: {  	v43 =	vadd.s32 $0x118E4, v32;
	v9 =	vadd.f32 v9, v21;
	v7 =	vmul.f32 v7, v20;
	v20 =	vld.idx.msk [tilespmem:v46+s5+$0x0], $0xffff  }
0x219: {  	v4 =	vadd.f32 v11, v4;
	v11 =	vmul.f32 v13, v26;
	v13 =	vsub.f32 v16, v17;
	v16 =	vld [tilespmem:$0x1FFF0]  }
0x21a: {  	v32 =	vadd.s32 $0x118C3, v31;
	v35 =	vadd.s32 $0x118E4, v31;
	v60 =	vld [tilespmem:$0x1FF30];
	v9 =	vsub.f32 v9, v8  }
0x21b: {  	v38 =	vadd.s32 $0x11D24, v31;
	v36 =	vadd.s32 $0x11D04, v31;
	v33 =	vadd.s32 $0x118C2, v31;
	v59 =	vld.idx.msk [tilespmem:v49+s5+$0x0], $0xffff  }
0x21c: {  	s7 =	sadd.s32 $0x4, s7;
	v34 =	vadd.s32 $0x118E3, v31;
	v21 =	vld.idx.msk [tilespmem:v45+s5+$0x0], $0xffff;
	v5 =	vadd.f32 v5, v22;
	v9 =	vmul.f32 v9, v18  }
0x21d: {  	p1 =	slt.u32 s7, $0x44;
	v61 =	vld [tilespmem:$0x1FF60];
	v45 =	vmovc v27;
	v27 =	vsub.f32 v30, v20;
	v2 =	vmul.f32 v2, v10;
	v18 =	vadd.f32 v1, v14  }
.Ltmp2:
0x21e: {  	v24 =	vld.idx.msk [tilespmem:v43+s5+$0x0], $0xffff;
	v1 =	vmul.f32 v13, v26;
	v16 =	vadd.f32 v7, v16;
	v7 =	vsub.f32 v19, v25;
	(pc) =	sbr.rel @p1 .LBB2_3-.Ltmp2, $4  }
0x21f: {  	v48 =	vmovc v29;
	v49 =	vmov v28;
	v28 =	vld.idx.msk [tilespmem:v42+s5+$0x0], $0xffff;
	v23 =	vadd.f32 v9, v8;
	v2 =	vadd.f32 v2, v3  }
0x220: {  	v22 =	vld.idx.msk [tilespmem:v41+s5+$0x0], $0xffff;
	v3 =	vsub.f32 v59, v15;
	v29 =	vadd.f32 v1, v17;
	v1 =	vmul.f32 v7, v26  }
0x221: {  	v31 =	vadd.s32 $0x11D25, v31;
	[tilespmem:s12+$0x0] =	vst v2;
	v14 =	vadd.f32 v11, v12;
	v17 =	vld.idx.msk [tilespmem:v40+s5+$0x0], $0xffff;
	v19 =	vsub.f32 v4, v63  }
0x222: {  	s17 =	sadd.s32 $0x40, s17;
	v13 =	vsub.f32 v5, v16;
	v26 =	vmul.f32 v3, v26;
	v42 =	vadd.f32 v1, v25;
	v25 =	vld.idx.msk [tilespmem:v39+s5+$0x0], $0xffff  }
0x223: {  	_ =	sdelay $0x3  }
0x224: {  	v1 =	vld.idx.msk [tilespmem:v33+s5+$0x0], $0xffff  }
0x225: {  	v2 =	vld.idx.msk [tilespmem:v32+s5+$0x0], $0xffff  }
0x226: {  	v3 =	vld.idx.msk [tilespmem:v34+s5+$0x0], $0xffff  }
0x227: {  	v4 =	vld.idx.msk [tilespmem:v35+s5+$0x0], $0xffff  }
0x228: {  	v5 =	vld.idx.msk [tilespmem:v37+s5+$0x0], $0xffff  }
0x229: {  	v7 =	vsub.f32 v24, v21;
	v8 =	vld.idx.msk [tilespmem:v36+s5+$0x0], $0xffff  }
0x22a: {  	v9 =	vmul.f32 v27, v58;
	v12 =	vld.idx.msk [tilespmem:v38+s5+$0x0], $0xffff;
	v40 =	vsub.f32 v29, v14  }
0x22b: {  	v41 =	vld.idx.msk [tilespmem:v31+s5+$0x0], $0xffff;
	v23 =	vsub.f32 v23, v18;
	v15 =	vadd.f32 v26, v15;
	v7 =	vmul.f32 v7, v58  }
0x22c: {  	v11 =	vsub.f32 v28, v22;
	v9 =	vadd.f32 v9, v20  }
0x22d: {  	v15 =	vsub.f32 v15, v42;
	v7 =	vadd.f32 v7, v21  }
0x22e: {  	v11 =	vmul.f32 v11, v58;
	v43 =	vsub.f32 v25, v17;
	v2 =	vsub.f32 v2, v1  }
0x22f: {  	v4 =	vsub.f32 v4, v3;
	v8 =	vsub.f32 v8, v5  }
0x230: {  	v44 =	vsub.f32 v41, v12;
	v11 =	vadd.f32 v11, v22;
	v20 =	vmul.f32 v43, v58  }
0x231: {  	v7 =	vsub.f32 v7, v9;
	v2 =	vmul.f32 v2, v49;
	v4 =	vmul.f32 v4, v49  }
0x232: {  	v8 =	vmul.f32 v8, v49;
	v47 =	vmul.f32 v44, v49;
	v46 =	vadd.f32 v20, v17  }
0x233: {  	v1 =	vadd.f32 v2, v1;
	v49 =	vadd.f32 v4, v3  }
0x234: {  	v50 =	vadd.f32 v8, v5;
	v52 =	vadd.f32 v47, v12  }
0x235: {  	v53 =	vmul.f32 v40, v51;
	v55 =	vmul.f32 v15, v51;
	v54 =	vsub.f32 v46, v11  }
0x236: {  	v7 =	vmul.f32 v7, v48;
	v2 =	vsub.f32 v49, v1;
	v4 =	vsub.f32 v52, v50  }
0x237: {  	v5 =	vadd.f32 v53, v14;
	v12 =	vadd.f32 v55, v42;
	v8 =	vmul.f32 v54, v48  }
0x238: {  	v7 =	vadd.f32 v7, v9;
	v2 =	vmul.f32 v2, v45;
	v4 =	vmul.f32 v4, v45  }
0x239: {  	v59 =	vmul.f32 v23, v62;
	v58 =	vsub.f32 v12, v5;
	v8 =	vadd.f32 v8, v11  }
0x23a: {  	v56 =	vmul.f32 v19, v60;
	v1 =	vadd.f32 v2, v1;
	v3 =	vadd.f32 v4, v50  }
0x23b: {  	v57 =	vmul.f32 v13, v61;
	v60 =	vadd.f32 v59, v18;
	v8 =	vsub.f32 v8, v7  }
0x23c: {  	v9 =	vadd.f32 v56, v63;
	v0 =	vmul.f32 v58, v0;
	v3 =	vsub.f32 v3, v1  }
0x23d: {  	[tilespmem:s13+$0x0] =	vst v60;
	v2 =	vadd.f32 v57, v16;
	v6 =	vmul.f32 v8, v6  }
0x23e: {  	[tilespmem:s13+$0xFFFFFFE0] =	vst v9;
	v0 =	vadd.f32 v0, v5;
	v61 =	vmul.f32 v3, v10  }
0x23f: {  	[tilespmem:s13+$0xFFFFFFF0] =	vst v2;
	v62 =	vadd.f32 v6, v7  }
0x240: {  	[tilespmem:s16+$0xFFFFFFE0] =	vst v0;
	v63 =	vadd.f32 v61, v1  }
0x241: {  	[tilespmem:s16+$0xFFFFFFF0] =	vst v62  }
0x242: {  	[tilespmem:s16+$0x0] =	vst v63  }
.LBB2_5:
0x243: {  	s0 =	sshra.s32 s5, $0x2  }
0x244: {  	v0 =	vld [tilespmem:s0+$0x1AC80]  }
0x245: {  	v1 =	vld [tilespmem:s0+$0x1B180]  }
0x246: {  	v2 =	vld [tilespmem:s0+$0x1B680];
	_ =	sdelay $0x3  }
0x247: {  	v0 =	vmul.f32 $3.200000000e+01, v0;
	v1 =	vmul.f32 $3.200000000e+01, v1  }
0x248: {  	v2 =	vmul.f32 $3.200000000e+01, v2  }
0x249: {  	v3 =	vtrunc.f32 v0;
	v4 =	vtrunc.f32 v1  }
0x24a: {  	v3 =	vcvt.f32.s32 v3;
	v4 =	vcvt.f32.s32 v4;
	_ =	sdelay $0x1  }
0x24b: {  	v5 =	vtrunc.f32 v2;
	vm0 =	vgt.s32 v3, $0x0;
	vm1 =	vgt.s32 v4, $0x0  }
0x24c: {  	v5 =	vcvt.f32.s32 v5;
	v3 =	vnsel vm0, $0x0, v3;
	v4 =	vnsel vm1, $0x0, v4  }
0x24d: {  	v3 =	vmin.u32 v3, $0x1F;
	v4 =	vmin.u32 v4, $0x1F  }
0x24e: {  	vm15 =	vgt.s32 v5, $0x0;
	v6 =	vmul.u32 $0x441, v3;
	v7 =	vmul.u32 $0x21, v4  }
0x24f: {  	v5 =	vnsel vm15, $0x0, v5  }
0x250: {  	v5 =	vmin.u32 v5, $0x1F;
	v6 =	vadd.s32 v6, v7  }
0x251: {  	v6 =	vadd.s32 v5, v6  }
0x252: {  	v36 =	vadd.s32 $0x1, v6  }
0x253: {  	v8 =	vadd.s32 $0x21, v6  }
0x254: {  	v9 =	vadd.s32 $0x22, v6  }
0x255: {  	v10 =	vadd.s32 $0x441, v6  }
0x256: {  	v12 =	vadd.s32 $0x442, v6;
	v11 =	vld.idx.msk [tilespmem:v6+s3+$0x0], $0xffff  }
0x257: {  	v13 =	vadd.s32 $0x462, v6;
	v7 =	vld.idx.msk [tilespmem:v36+s3+$0x0], $0xffff  }
0x258: {  	v14 =	vadd.s32 $0x463, v6;
	v8 =	vld.idx.msk [tilespmem:v8+s3+$0x0], $0xffff  }
0x259: {  	v9 =	vld.idx.msk [tilespmem:v9+s3+$0x0], $0xffff  }
0x25a: {  	v10 =	vld.idx.msk [tilespmem:v10+s3+$0x0], $0xffff  }
0x25b: {  	v12 =	vld.idx.msk [tilespmem:v12+s3+$0x0], $0xffff  }
0x25c: {  	v13 =	vld.idx.msk [tilespmem:v13+s3+$0x0], $0xffff  }
0x25d: {  	v14 =	vld.idx.msk [tilespmem:v14+s3+$0x0], $0xffff  }
0x25e: {  	v5 =	vcvt.s32.f32 v5;
	_ =	sdelay $0x1  }
0x25f: {  	v2 =	vsub.f32 v2, v5  }
0x260: {  	v37 =	vsub.f32 v7, v11;
	v38 =	vsub.f32 v9, v8  }
0x261: {  	v39 =	vsub.f32 v12, v10;
	v40 =	vsub.f32 v14, v13  }
0x262: {  	v5 =	vmul.f32 v2, v37;
	v7 =	vmul.f32 v2, v38  }
0x263: {  	v9 =	vmul.f32 v39, v2;
	v12 =	vmul.f32 v40, v2  }
0x264: {  	v4 =	vcvt.s32.f32 v4;
	v5 =	vadd.f32 v5, v11;
	v7 =	vadd.f32 v7, v8  }
0x265: {  	v41 =	vadd.f32 v9, v10;
	v42 =	vadd.f32 v12, v13  }
0x266: {  	v1 =	vsub.f32 v1, v4  }
0x267: {  	v43 =	vsub.f32 v7, v5;
	v44 =	vsub.f32 v42, v41;
	_ =	sdelay $0x1  }
0x268: {  	v4 =	vmul.f32 v43, v1;
	v7 =	vmul.f32 v44, v1;
	_ =	sdelay $0x1  }
0x269: {  	v3 =	vcvt.s32.f32 v3;
	v4 =	vadd.f32 v4, v5;
	v45 =	vadd.f32 v7, v41;
	_ =	sdelay $0x1  }
0x26a: {  	v0 =	vsub.f32 v0, v3;
	v46 =	vsub.f32 v45, v4;
	_ =	sdelay $0x1  }
0x26b: {  	v47 =	vadd.s32 $0x8C61, v6;
	v3 =	vmul.f32 v46, v0  }
0x26c: {  	v48 =	vadd.s32 $0x8C62, v6  }
0x26d: {  	v49 =	vadd.s32 $0x8C82, v6;
	v3 =	vadd.f32 v3, v4  }
0x26e: {  	v50 =	vadd.s32 $0x8C83, v6  }
0x26f: {  	v51 =	vadd.s32 $0x90A2, v6;
	[tilespmem:s0+$0x1CA80] =	vst v3  }
0x270: {  	v52 =	vadd.s32 $0x90A3, v6;
	v5 =	vld.idx.msk [tilespmem:v47+s3+$0x0], $0xffff  }
0x271: {  	v53 =	vadd.s32 $0x90C3, v6;
	v7 =	vld.idx.msk [tilespmem:v48+s3+$0x0], $0xffff  }
0x272: {  	v54 =	vadd.s32 $0x90C4, v6;
	v4 =	vld.idx.msk [tilespmem:v49+s3+$0x0], $0xffff  }
0x273: {  	v8 =	vld.idx.msk [tilespmem:v50+s3+$0x0], $0xffff  }
0x274: {  	v3 =	vld.idx.msk [tilespmem:v51+s3+$0x0], $0xffff  }
0x275: {  	v9 =	vld.idx.msk [tilespmem:v52+s3+$0x0], $0xffff  }
0x276: {  	v10 =	vld.idx.msk [tilespmem:v53+s3+$0x0], $0xffff  }
0x277: {  	v11 =	vld.idx.msk [tilespmem:v54+s3+$0x0], $0xffff;
	_ =	sdelay $0x3  }
0x278: {  	v7 =	vsub.f32 v7, v5;
	v8 =	vsub.f32 v8, v4  }
0x279: {  	v9 =	vsub.f32 v9, v3;
	v11 =	vsub.f32 v11, v10  }
0x27a: {  	v7 =	vmul.f32 v7, v2;
	v8 =	vmul.f32 v8, v2  }
0x27b: {  	v9 =	vmul.f32 v9, v2;
	v11 =	vmul.f32 v11, v2  }
0x27c: {  	v5 =	vadd.f32 v7, v5;
	v4 =	vadd.f32 v8, v4  }
0x27d: {  	v3 =	vadd.f32 v9, v3;
	v55 =	vadd.f32 v11, v10;
	_ =	sdelay $0x1  }
0x27e: {  	v4 =	vsub.f32 v4, v5;
	v7 =	vsub.f32 v55, v3;
	_ =	sdelay $0x1  }
0x27f: {  	v4 =	vmul.f32 v4, v1;
	v7 =	vmul.f32 v7, v1;
	_ =	sdelay $0x1  }
0x280: {  	v4 =	vadd.f32 v4, v5;
	v3 =	vadd.f32 v7, v3;
	_ =	sdelay $0x1  }
0x281: {  	v3 =	vsub.f32 v3, v4;
	_ =	sdelay $0x1  }
0x282: {  	v56 =	vadd.s32 $0x118C2, v6;
	v3 =	vmul.f32 v3, v0  }
0x283: {  	v57 =	vadd.s32 $0x118C3, v6  }
0x284: {  	v58 =	vadd.s32 $0x118E3, v6;
	v3 =	vadd.f32 v3, v4  }
0x285: {  	v59 =	vadd.s32 $0x118E4, v6  }
0x286: {  	v60 =	vadd.s32 $0x11D03, v6;
	[tilespmem:s0+$0x1CF80] =	vst v3  }
0x287: {  	v61 =	vadd.s32 $0x11D04, v6;
	v5 =	vld.idx.msk [tilespmem:v56+s3+$0x0], $0xffff  }
0x288: {  	v62 =	vadd.s32 $0x11D24, v6;
	v7 =	vld.idx.msk [tilespmem:v57+s3+$0x0], $0xffff  }
0x289: {  	v6 =	vadd.s32 $0x11D25, v6;
	v4 =	vld.idx.msk [tilespmem:v58+s3+$0x0], $0xffff  }
0x28a: {  	v8 =	vld.idx.msk [tilespmem:v59+s3+$0x0], $0xffff  }
0x28b: {  	v3 =	vld.idx.msk [tilespmem:v60+s3+$0x0], $0xffff  }
0x28c: {  	v9 =	vld.idx.msk [tilespmem:v61+s3+$0x0], $0xffff  }
0x28d: {  	v10 =	vld.idx.msk [tilespmem:v62+s3+$0x0], $0xffff  }
0x28e: {  	v6 =	vld.idx.msk [tilespmem:v6+s3+$0x0], $0xffff;
	_ =	sdelay $0x3  }
0x28f: {  	v7 =	vsub.f32 v7, v5;
	v8 =	vsub.f32 v8, v4  }
0x290: {  	v9 =	vsub.f32 v9, v3;
	v6 =	vsub.f32 v6, v10  }
0x291: {  	v7 =	vmul.f32 v7, v2;
	v8 =	vmul.f32 v8, v2  }
0x292: {  	v9 =	vmul.f32 v9, v2;
	v2 =	vmul.f32 v6, v2  }
0x293: {  	v5 =	vadd.f32 v7, v5;
	v4 =	vadd.f32 v8, v4  }
0x294: {  	v3 =	vadd.f32 v9, v3;
	v2 =	vadd.f32 v2, v10;
	_ =	sdelay $0x1  }
0x295: {  	v4 =	vsub.f32 v4, v5;
	v2 =	vsub.f32 v2, v3;
	_ =	sdelay $0x1  }
0x296: {  	v4 =	vmul.f32 v4, v1;
	v1 =	vmul.f32 v2, v1;
	_ =	sdelay $0x1  }
0x297: {  	v63 =	vadd.f32 v4, v5;
	v1 =	vadd.f32 v1, v3;
	_ =	sdelay $0x1  }
0x298: {  	v1 =	vsub.f32 v1, v63  }
0x299: {  	p1 =	sne.s32 s5, $0x80  }
.Ltmp3:
0x29a: {  	v0 =	vmul.f32 v1, v0;
	(pc) =	sbr.rel @p1 .LBB2_5-.Ltmp3, $3  }
0x29b: {  	_ = 	snop  }
0x29c: {  	v0 =	vadd.f32 v0, v63;
	_ =	sdelay $0x1  }
0x29d: {  	s5 =	sadd.s32 $0x40, s5;
	[tilespmem:s0+$0x1D480] =	vst v0  }
0x29e: {  	s5 =	smul.u32 $0x960, s20;
	_ =	sdelay $0x1  }
0x29f: {  	s0 =	sadd.s32 s4, s5  }
0x2a0: {  	s0 =	sshrl.u32 s0, $0x3  }
0x2a1: {  	s0 =	sadd.s32 s6, s0  }
0x2a2: {  	[hbm4b:s0+s3] =	stream.linear.scatter [tilespmem:s25], [sflag:$0x3], $0x4B0, $0x38;
	[tilespmem:$0x1E400] =	vst v63  }
0x2a3: {  	s7 =	sadd.s32 $0x3F480, s0  }
0x2a4: {  	[hbm4b:s7+s3] =	stream.linear.scatter [tilespmem:s26], [sflag:$0x3], $0x4B0, $0x38;
	[tilespmem:$0x1E400] =	vst v63  }
0x2a5: {  	p1 =	seq.s32 s20, $0x1A;
	s0 =	sadd.s32 $0x7E900, s0  }
0x2a6: {  	[hbm4b:s0+s3] =	stream.linear.scatter [tilespmem:s28], [sflag:$0x3], $0x4B0, $0x38;
	[tilespmem:$0x1E400] =	vst v63  }
0x2a7: {  	s0 =	sadd.s32 @!p1 s5, s14  }
0x2a8: {  	s0 =	sshrl.u32 @!p1 s0, $0x3  }
0x2a9: {  	s9 =	simm.s32 @!p1 $0x1A800;
	s7 =	simm.s32 @!p1 $0x0;
	s0 =	sadd.s32 @!p1 s2, s0  }
0x2aa: {  	[tilespmem:s9], [sflag:$0x1] =	stream.linear.gather @!p1 [hbm4b:s0+s7], $0x4B0, $0x38;
	[tilespmem:$0x1E400] =	vst v63  }
0x2ab: {  	s10 =	simm.s32 @!p1 $0x1AD00;
	s9 =	sadd.s32 @!p1 $0x3F480, s0  }
0x2ac: {  	[tilespmem:s10], [sflag:$0x1] =	stream.linear.gather @!p1 [hbm4b:s9+s7], $0x4B0, $0x38;
	[tilespmem:$0x1E400] =	vst v63  }
0x2ad: {  	s0 =	sadd.s32 @!p1 $0x7E900, s0;
	s9 =	simm.s32 @!p1 $0x1B200  }
0x2ae: {  	[tilespmem:s9], [sflag:$0x1] =	stream.linear.gather @!p1 [hbm4b:s0+s7], $0x4B0, $0x38;
	[tilespmem:$0x1E400] =	vst v63  }
0x2af: {  	_ =	swait.ge [sflag:s29], $0x4B0  }
0x2b0: {  	[sflag:s29] =	ssyncset.done $0x0  }
0x2b1: {  	[sflag:s29] =	ssyncadd.s32 $0xFFFFFB50  }
0x2b2: {  	_ =	swait.ge [sflag:s29], $0x4B0  }
0x2b3: {  	[sflag:s29] =	ssyncset.done $0x0  }
0x2b4: {  	[sflag:s29] =	ssyncadd.s32 $0xFFFFFB50  }
0x2b5: {  	_ =	swait.ge [sflag:s29], $0x4B0  }
0x2b6: {  	[sflag:s29] =	ssyncset.done $0x0  }
0x2b7: {  	s0 =	simm.s32 @!p0 $0x4;
	[sflag:s29] =	ssyncadd.s32 $0xFFFFFB50  }
0x2b8: {  	_ =	swait.ge @!p0 [sflag:s0], $0x4B0  }
0x2b9: {  	[sflag:s0] =	ssyncset.done @!p0 $0x0  }
0x2ba: {  	[sflag:s0] =	ssyncadd.s32 @!p0 $0xFFFFFB50  }
0x2bb: {  	_ =	swait.ge @!p0 [sflag:s0], $0x4B0  }
0x2bc: {  	[sflag:s0] =	ssyncset.done @!p0 $0x0  }
0x2bd: {  	[sflag:s0] =	ssyncadd.s32 @!p0 $0xFFFFFB50  }
0x2be: {  	_ =	swait.ge @!p0 [sflag:s0], $0x4B0  }
0x2bf: {  	[sflag:s0] =	ssyncset.done @!p0 $0x0  }
0x2c0: {  	s10 =	simm.s32 $0x1B720;
	[sflag:s0] =	ssyncadd.s32 @!p0 $0xFFFFFB50  }
0x2c1: {  	s11 =	simm.s32 $0x1BC20;
	v0 =	vld [tilespmem:s10+$0x10]  }
0x2c2: {  	s12 =	simm.s32 $0x1C120;
	v1 =	vld [tilespmem:s11+$0x10]  }
0x2c3: {  	v2 =	vld [tilespmem:s12+$0x10];
	_ =	sdelay $0x1  }
0x2c4: {  	v4 =	vld [tilespmem:s11+$0xFFFFFFE0]  }
0x2c5: {  	v5 =	vld [tilespmem:s10+$0xFFFFFFF0]  }
0x2c6: {  	v3 =	vmul.f32 $3.200000000e+01, v0;
	v6 =	vmul.f32 $3.200000000e+01, v1  }
0x2c7: {  	v8 =	vmul.f32 $3.200000000e+01, v2  }
0x2c8: {  	v1 =	vtrunc.f32 v3;
	v7 =	vtrunc.f32 v6  }
0x2c9: {  	v10 =	vcvt.f32.s32 v1;
	v7 =	vcvt.f32.s32 v7  }
0x2ca: {  	v9 =	vmul.f32 $3.200000000e+01, v4;
	v1 =	vmul.f32 $3.200000000e+01, v5  }
0x2cb: {  	v4 =	vld [tilespmem:s11+$0x0];
	v5 =	vtrunc.f32 v8;
	vm0 =	vgt.s32 v10, $0x0;
	vm1 =	vgt.s32 v7, $0x0  }
0x2cc: {  	v17 =	vld [tilespmem:s12+$0xFFFFFFF0];
	v5 =	vcvt.f32.s32 v5;
	v10 =	vnsel vm0, $0x0, v10;
	v7 =	vnsel vm1, $0x0, v7  }
0x2cd: {  	v21 =	vld [tilespmem:s12+$0x0];
	v13 =	vmin.u32 v10, $0x1F;
	v14 =	vmin.u32 v7, $0x1F  }
0x2ce: {  	vm14 =	vgt.s32 v5, $0x0;
	v7 =	vmul.u32 $0x441, v13;
	v15 =	vmul.u32 $0x21, v14  }
0x2cf: {  	v5 =	vnsel vm14, $0x0, v5  }
0x2d0: {  	v12 =	vld [tilespmem:s10+$0x0];
	v10 =	vmul.f32 $3.200000000e+01, v4;
	v4 =	vmin.u32 v5, $0x1F;
	v5 =	vadd.s32 v7, v15  }
0x2d1: {  	v0 =	vld [tilespmem:s10+$0xFFFFFFE0];
	v7 =	vadd.s32 v4, v5  }
0x2d2: {  	v2 =	vld [tilespmem:s11+$0xFFFFFFF0];
	v17 =	vmul.f32 $3.200000000e+01, v17;
	v21 =	vmul.f32 $3.200000000e+01, v21;
	v19 =	vadd.s32 $0x1, v7  }
0x2d3: {  	v16 =	vtrunc.f32 v9;
	v23 =	vadd.s32 $0x21, v7  }
0x2d4: {  	v31 =	vtrunc.f32 v17;
	v32 =	vtrunc.f32 v21;
	v24 =	vadd.s32 $0x22, v7  }
0x2d5: {  	s9 =	simm.s32 $0x0;
	v16 =	vcvt.f32.s32 v16;
	v31 =	vcvt.f32.s32 v31;
	v15 =	vld [tilespmem:s12+$0xFFFFFFE0];
	v25 =	vadd.s32 $0x441, v7  }
0x2d6: {  	v32 =	vcvt.f32.s32 v32;
	v0 =	vmul.f32 $3.200000000e+01, v0;
	v26 =	vadd.s32 $0x442, v7;
	v27 =	vld.idx.msk [tilespmem:v7+s9+$0x0], $0xffff  }
0x2d7: {  	v11 =	vmul.f32 $3.200000000e+01, v2;
	v2 =	vmul.f32 $3.200000000e+01, v12;
	v28 =	vadd.s32 $0x462, v7;
	v19 =	vld.idx.msk [tilespmem:v19+s9+$0x0], $0xffff  }
0x2d8: {  	vm8 =	vgt.s32 v16, $0x0;
	v12 =	vtrunc.f32 v0;
	v29 =	vadd.s32 $0x463, v7;
	v23 =	vld.idx.msk [tilespmem:v23+s9+$0x0], $0xffff  }
0x2d9: {  	vm10 =	vgt.s32 v31, $0x0;
	v18 =	vtrunc.f32 v11;
	v20 =	vtrunc.f32 v2;
	v24 =	vld.idx.msk [tilespmem:v24+s9+$0x0], $0xffff  }
0x2da: {  	v16 =	vnsel vm8, $0x0, v16;
	v12 =	vcvt.f32.s32 v12;
	v18 =	vcvt.f32.s32 v18;
	v25 =	vld.idx.msk [tilespmem:v25+s9+$0x0], $0xffff  }
0x2db: {  	v16 =	vmin.u32 v16, $0x1F;
	v20 =	vcvt.f32.s32 v20;
	v14 =	vcvt.s32.f32 v14;
	v26 =	vld.idx.msk [tilespmem:v26+s9+$0x0], $0xffff  }
0x2dc: {  	v13 =	vcvt.s32.f32 v13;
	vm15 =	vgt.s32 v12, $0x0;
	vm3 =	vgt.s32 v18, $0x0;
	v28 =	vld.idx.msk [tilespmem:v28+s9+$0x0], $0xffff  }
0x2dd: {  	v6 =	vsub.f32 v6, v14;
	v5 =	vtrunc.f32 v1;
	v12 =	vnsel vm15, $0x0, v12;
	v29 =	vld.idx.msk [tilespmem:v29+s9+$0x0], $0xffff  }
0x2de: {  	v18 =	vnsel vm3, $0x0, v18;
	v4 =	vcvt.s32.f32 v4;
	v5 =	vcvt.f32.s32 v5  }
0x2df: {  	v12 =	vmin.u32 v12, $0x1F;
	v34 =	vmin.u32 v18, $0x1F;
	v18 =	vmul.u32 $0x21, v16  }
0x2e0: {  	v8 =	vsub.f32 v8, v4;
	v35 =	vmul.u32 $0x21, v34;
	vm2 =	vgt.s32 v5, $0x0  }
0x2e1: {  	v15 =	vmul.f32 $3.200000000e+01, v15;
	v4 =	vsub.f32 v19, v27;
	v24 =	vsub.f32 v24, v23  }
0x2e2: {  	v5 =	vnsel vm2, $0x0, v5;
	v26 =	vsub.f32 v26, v25;
	v29 =	vsub.f32 v29, v28  }
0x2e3: {  	v33 =	vmin.u32 v5, $0x1F;
	v4 =	vmul.f32 v8, v4;
	v24 =	vmul.f32 v8, v24  }
0x2e4: {  	v5 =	vmul.u32 $0x441, v12;
	v26 =	vmul.f32 v26, v8;
	v29 =	vmul.f32 v29, v8  }
0x2e5: {  	v30 =	vtrunc.f32 v15;
	v4 =	vadd.f32 v4, v27;
	v23 =	vadd.f32 v24, v23  }
0x2e6: {  	v30 =	vcvt.f32.s32 v30;
	v24 =	vadd.f32 v26, v25;
	v25 =	vadd.f32 v29, v28  }
0x2e7: {  	v5 =	vadd.s32 v5, v18;
	v18 =	vnsel vm10, $0x0, v31;
	v19 =	vmul.u32 $0x441, v33  }
0x2e8: {  	vm9 =	vgt.s32 v30, $0x0;
	v23 =	vsub.f32 v23, v4;
	v25 =	vsub.f32 v25, v24  }
0x2e9: {  	v14 =	vnsel vm9, $0x0, v30;
	v19 =	vadd.s32 v19, v35;
	v28 =	vmin.u32 v18, $0x1F  }
0x2ea: {  	v18 =	vadd.s32 v28, v19;
	v23 =	vmul.f32 v23, v6;
	v25 =	vmul.f32 v25, v6  }
0x2eb: {  	v22 =	vtrunc.f32 v10;
	v27 =	vmin.u32 v14, $0x1F;
	v43 =	vadd.s32 $0x442, v18  }
0x2ec: {  	v44 =	vadd.s32 $0x462, v18;
	v23 =	vadd.f32 v23, v4;
	v24 =	vadd.f32 v25, v24  }
0x2ed: {  	v22 =	vcvt.f32.s32 v22;
	vm4 =	vgt.s32 v20, $0x0;
	v4 =	vadd.s32 v27, v5  }
0x2ee: {  	v3 =	vsub.f32 v3, v13;
	v13 =	vadd.s32 $0x1, v4;
	v5 =	vsub.f32 v24, v23  }
0x2ef: {  	vm11 =	vgt.s32 v32, $0x0;
	v20 =	vnsel vm4, $0x0, v20;
	v38 =	vld.idx.msk [tilespmem:v18+s9+$0x0], $0xffff;
	v31 =	vadd.s32 $0x462, v4  }
0x2f0: {  	vm5 =	vgt.s32 v22, $0x0;
	v29 =	vadd.s32 $0x8C61, v7;
	v63 =	vld.idx.msk [tilespmem:v43+s9+$0x0], $0xffff;
	v5 =	vmul.f32 v5, v3  }
0x2f1: {  	v20 =	vmin.u32 v20, $0x1F;
	v56 =	vadd.s32 $0x8C62, v7;
	v40 =	vadd.s32 $0x8C83, v7;
	v44 =	vld.idx.msk [tilespmem:v44+s9+$0x0], $0xffff  }
0x2f2: {  	v45 =	vadd.s32 $0x90A3, v7;
	v22 =	vnsel vm5, $0x0, v22;
	v58 =	vld.idx.msk [tilespmem:v4+s9+$0x0], $0xffff;
	v5 =	vadd.f32 v5, v23  }
0x2f3: {  	s13 =	simm.s32 $0x1D520;
	v36 =	vmul.u32 $0x441, v20;
	v20 =	vcvt.s32.f32 v20;
	v22 =	vmin.u32 v22, $0x1F;
	v13 =	vld.idx.msk [tilespmem:v13+s9+$0x0], $0xffff  }
0x2f4: {  	v48 =	vadd.s32 $0x90C3, v7;
	v51 =	vadd.s32 $0x90C4, v7;
	v37 =	vmul.u32 $0x21, v22;
	v31 =	vld.idx.msk [tilespmem:v31+s9+$0x0], $0xffff;
	[tilespmem:s13+$0x10] =	vst v5  }
0x2f5: {  	v16 =	vcvt.s32.f32 v16;
	v62 =	vsub.f32 v2, v20;
	v57 =	vadd.s32 $0x463, v4;
	v29 =	vld.idx.msk [tilespmem:v29+s9+$0x0], $0xffff  }
0x2f6: {  	v26 =	vnsel vm11, $0x0, v32;
	v14 =	vadd.s32 v36, v37;
	v59 =	vadd.s32 $0x1, v18;
	v32 =	vld.idx.msk [tilespmem:v56+s9+$0x0], $0xffff  }
0x2f7: {  	v28 =	vcvt.s32.f32 v28;
	v39 =	vadd.s32 $0x21, v18;
	v42 =	vadd.s32 $0x441, v18;
	v40 =	vld.idx.msk [tilespmem:v40+s9+$0x0], $0xffff  }
0x2f8: {  	v41 =	vadd.s32 $0x22, v18;
	v46 =	vadd.s32 $0x463, v18;
	v23 =	vadd.s32 $0x8C82, v7;
	v45 =	vld.idx.msk [tilespmem:v45+s9+$0x0], $0xffff  }
0x2f9: {  	v17 =	vsub.f32 v17, v28;
	v25 =	vmin.u32 v26, $0x1F;
	v5 =	vadd.s32 $0x90A2, v7;
	v28 =	vld.idx.msk [tilespmem:v48+s9+$0x0], $0xffff  }
0x2fa: {  	v27 =	vcvt.s32.f32 v27;
	v14 =	vadd.s32 v25, v14;
	v19 =	vadd.s32 $0x21, v4;
	v56 =	vld.idx.msk [tilespmem:v57+s9+$0x0], $0xffff  }
0x2fb: {  	v26 =	vadd.s32 $0x441, v4;
	v30 =	vadd.s32 $0x442, v4;
	v25 =	vcvt.s32.f32 v25;
	v57 =	vld.idx.msk [tilespmem:v59+s9+$0x0], $0xffff  }
0x2fc: {  	v36 =	vadd.s32 $0x8C83, v4;
	v43 =	vadd.s32 $0x8C61, v18;
	v24 =	vadd.s32 $0x22, v4;
	v59 =	vld.idx.msk [tilespmem:v42+s9+$0x0], $0xffff  }
0x2fd: {  	v47 =	vadd.s32 $0x1, v14;
	v49 =	vadd.s32 $0x21, v14;
	v50 =	vadd.s32 $0x22, v14;
	v23 =	vld.idx.msk [tilespmem:v23+s9+$0x0], $0xffff  }
0x2fe: {  	v52 =	vadd.s32 $0x441, v14;
	v13 =	vsub.f32 v13, v58;
	v54 =	vld.idx.msk [tilespmem:v5+s9+$0x0], $0xffff;
	v5 =	vsub.f32 v15, v27  }
0x2ff: {  	v48 =	vld.idx.msk [tilespmem:v46+s9+$0x0], $0xffff;
	v27 =	vcvt.s32.f32 v34;
	v15 =	vsub.f32 v9, v16;
	v9 =	vcvt.s32.f32 v22  }
0x300: {  	v16 =	vsub.f32 v21, v25;
	v21 =	vld.idx.msk [tilespmem:v51+s9+$0x0], $0xffff;
	v22 =	vcvt.s32.f32 v12;
	v34 =	vsub.f32 v56, v31  }
0x301: {  	v35 =	vsub.f32 v57, v38;
	v25 =	vmul.f32 v5, v13;
	v13 =	vsub.f32 v11, v27;
	v11 =	vld.idx.msk [tilespmem:v19+s9+$0x0], $0xffff  }
0x302: {  	v51 =	vsub.f32 v63, v59;
	v12 =	vsub.f32 v10, v9;
	v9 =	vadd.s32 $0x462, v14;
	v10 =	vld.idx.msk [tilespmem:v24+s9+$0x0], $0xffff  }
0x303: {  	v60 =	vsub.f32 v0, v22;
	v24 =	vadd.s32 $0x463, v14;
	v27 =	vsub.f32 v40, v23  }
0x304: {  	v53 =	vadd.s32 $0x442, v14;
	v22 =	vadd.f32 v25, v58;
	v25 =	vld.idx.msk [tilespmem:v26+s9+$0x0], $0xffff;
	v26 =	vsub.f32 v32, v29  }
0x305: {  	v20 =	vld.idx.msk [tilespmem:v30+s9+$0x0], $0xffff;
	v30 =	vadd.s32 $0x8C62, v4;
	v55 =	vsub.f32 v45, v54;
	v21 =	vsub.f32 v21, v28  }
0x306: {  	v56 =	vsub.f32 v48, v44;
	v58 =	vld.idx.msk [tilespmem:v39+s9+$0x0], $0xffff;
	v27 =	vmul.f32 v27, v8;
	v26 =	vmul.f32 v26, v8  }
0x307: {  	v10 =	vsub.f32 v10, v11;
	v32 =	vmul.f32 v55, v8;
	v21 =	vmul.f32 v21, v8;
	v9 =	vld.idx.msk [tilespmem:v9+s9+$0x0], $0xffff  }
0x308: {  	v42 =	vadd.s32 $0x90C4, v4;
	v23 =	vadd.f32 v27, v23;
	v24 =	vld.idx.msk [tilespmem:v24+s9+$0x0], $0xffff;
	v26 =	vadd.f32 v26, v29  }
0x309: {  	v57 =	vadd.s32 $0x118C2, v7;
	v29 =	vld.idx.msk [tilespmem:v41+s9+$0x0], $0xffff;
	v32 =	vadd.f32 v32, v54;
	v21 =	vadd.f32 v21, v28  }
0x30a: {  	v19 =	vcvt.s32.f32 v33;
	v10 =	vmul.f32 v5, v10;
	v20 =	vsub.f32 v20, v25  }
0x30b: {  	v48 =	vadd.s32 $0x118E4, v7;
	v23 =	vsub.f32 v23, v26;
	v21 =	vsub.f32 v21, v32  }
0x30c: {  	v61 =	vsub.f32 v1, v19;
	v20 =	vmul.f32 v20, v5;
	v10 =	vadd.f32 v10, v11  }
0x30d: {  	v23 =	vmul.f32 v23, v6;
	v24 =	vsub.f32 v24, v9;
	v21 =	vmul.f32 v21, v6  }
0x30e: {  	v11 =	vsub.f32 v29, v58;
	v29 =	vmul.f32 v34, v5;
	v20 =	vadd.f32 v20, v25  }
0x30f: {  	v23 =	vadd.f32 v23, v26;
	v26 =	vmul.f32 v17, v35;
	v21 =	vadd.f32 v21, v32  }
0x310: {  	v10 =	vsub.f32 v10, v22;
	v24 =	vmul.f32 v24, v16;
	v11 =	vmul.f32 v17, v11  }
0x311: {  	v29 =	vadd.f32 v29, v31;
	v31 =	vmul.f32 v51, v17;
	v21 =	vsub.f32 v21, v23  }
0x312: {  	v55 =	vld.idx.msk [tilespmem:v53+s9+$0x0], $0xffff;
	v10 =	vmul.f32 v10, v15;
	v26 =	vadd.f32 v26, v38;
	v38 =	vmul.f32 v56, v17  }
0x313: {  	v25 =	vld.idx.msk [tilespmem:v52+s9+$0x0], $0xffff;
	v9 =	vadd.f32 v24, v9;
	v29 =	vsub.f32 v29, v20;
	v21 =	vmul.f32 v21, v3  }
0x314: {  	v63 =	vld.idx.msk [tilespmem:v14+s9+$0x0], $0xffff;
	v11 =	vadd.f32 v11, v58;
	v31 =	vadd.f32 v31, v59;
	v58 =	vadd.s32 $0x118C3, v7  }
0x315: {  	v54 =	vld.idx.msk [tilespmem:v50+s9+$0x0], $0xffff;
	v59 =	vadd.s32 $0x118E3, v7;
	v29 =	vmul.f32 v29, v15;
	v21 =	vadd.f32 v21, v23  }
0x316: {  	s16 =	simm.s32 $0x1DA20;
	v19 =	vadd.s32 $0x8C61, v4;
	v32 =	vld.idx.msk [tilespmem:v49+s9+$0x0], $0xffff;
	v10 =	vadd.f32 v10, v22;
	v22 =	vadd.f32 v38, v44  }
0x317: {  	v50 =	vadd.s32 $0x11D04, v7;
	v11 =	vsub.f32 v11, v26;
	v23 =	vld.idx.msk [tilespmem:v47+s9+$0x0], $0xffff;
	v20 =	vadd.f32 v29, v20;
	[tilespmem:s16+$0x10] =	vst v21  }
0x318: {  	v52 =	vadd.s32 $0x11D24, v7;
	v22 =	vsub.f32 v22, v31;
	v29 =	vsub.f32 v55, v25;
	v49 =	vld.idx.msk [tilespmem:v57+s9+$0x0], $0xffff  }
0x319: {  	v11 =	vmul.f32 v11, v13;
	v21 =	vadd.s32 $0x11D03, v7;
	v20 =	vsub.f32 v20, v10;
	v51 =	vld.idx.msk [tilespmem:v58+s9+$0x0], $0xffff  }
0x31a: {  	v22 =	vmul.f32 v22, v13;
	v29 =	vmul.f32 v29, v16;
	v7 =	vadd.s32 $0x11D25, v7;
	v53 =	vld.idx.msk [tilespmem:v59+s9+$0x0], $0xffff  }
0x31b: {  	v41 =	vsub.f32 v54, v32;
	v11 =	vadd.f32 v11, v26;
	v54 =	vld.idx.msk [tilespmem:v48+s9+$0x0], $0xffff;
	v20 =	vmul.f32 v20, v60  }
0x31c: {  	v33 =	vadd.s32 $0x8C82, v4;
	v24 =	vld.idx.msk [tilespmem:v50+s9+$0x0], $0xffff;
	v22 =	vadd.f32 v22, v31;
	v25 =	vadd.f32 v29, v25  }
0x31d: {  	v40 =	vadd.s32 $0x90C3, v4;
	v29 =	vld.idx.msk [tilespmem:v52+s9+$0x0], $0xffff;
	v23 =	vsub.f32 v23, v63;
	v10 =	vadd.f32 v20, v10  }
0x31e: {  	v27 =	vadd.s32 $0x90A2, v4;
	v28 =	vadd.s32 $0x90A3, v4;
	v41 =	vmul.f32 v16, v41;
	v21 =	vld.idx.msk [tilespmem:v21+s9+$0x0], $0xffff  }
0x31f: {  	v34 =	vadd.s32 $0x8C62, v18;
	v22 =	vsub.f32 v22, v11;
	v23 =	vmul.f32 v16, v23;
	v7 =	vld.idx.msk [tilespmem:v7+s9+$0x0], $0xffff;
	[tilespmem:s13+$0xFFFFFFE0] =	vst v10  }
0x320: {  	v56 =	vadd.s32 $0x90C3, v18;
	v55 =	vadd.s32 $0x8C82, v18;
	v9 =	vsub.f32 v9, v25;
	v19 =	vld.idx.msk [tilespmem:v19+s9+$0x0], $0xffff  }
0x321: {  	v20 =	vadd.f32 v41, v32;
	v22 =	vmul.f32 v22, v61;
	v23 =	vadd.f32 v23, v63;
	v30 =	vld.idx.msk [tilespmem:v30+s9+$0x0], $0xffff  }
0x322: {  	v9 =	vmul.f32 v9, v12;
	v58 =	vsub.f32 v51, v49;
	v59 =	vsub.f32 v54, v53;
	v33 =	vld.idx.msk [tilespmem:v33+s9+$0x0], $0xffff  }
0x323: {  	v26 =	vadd.s32 $0x90A2, v18;
	v27 =	vld.idx.msk [tilespmem:v27+s9+$0x0], $0xffff;
	v11 =	vadd.f32 v22, v11;
	v20 =	vsub.f32 v20, v23  }
0x324: {  	v9 =	vadd.f32 v9, v25;
	v25 =	vld.idx.msk [tilespmem:v36+s9+$0x0], $0xffff;
	v36 =	vmul.f32 v58, v8;
	v38 =	vmul.f32 v59, v8  }
0x325: {  	v28 =	vld.idx.msk [tilespmem:v28+s9+$0x0], $0xffff;
	v24 =	vsub.f32 v24, v21;
	v7 =	vsub.f32 v7, v29;
	v20 =	vmul.f32 v20, v12  }
0x326: {  	v10 =	vadd.s32 $0x8C83, v18;
	v22 =	vld.idx.msk [tilespmem:v40+s9+$0x0], $0xffff;
	v35 =	vadd.f32 v36, v49;
	v40 =	vadd.f32 v38, v53  }
0x327: {  	v7 =	vmul.f32 v7, v8;
	v20 =	vadd.f32 v20, v23;
	v23 =	vmul.f32 v24, v8;
	v8 =	vld.idx.msk [tilespmem:v42+s9+$0x0], $0xffff  }
0x328: {  	v31 =	vadd.s32 $0x90A3, v18;
	v57 =	vadd.s32 $0x90C4, v18;
	v63 =	vadd.s32 $0x8C61, v14;
	[tilespmem:s13+$0xFFFFFFF0] =	vst v11  }
0x329: {  	v11 =	vadd.s32 $0x8C82, v14;
	v34 =	vld.idx.msk [tilespmem:v34+s9+$0x0], $0xffff;
	v36 =	vsub.f32 v40, v35;
	v30 =	vsub.f32 v30, v19  }
0x32a: {  	v32 =	vld.idx.msk [tilespmem:v55+s9+$0x0], $0xffff;
	v28 =	vsub.f32 v28, v27;
	v24 =	vadd.s32 $0x8C62, v14;
	v9 =	vsub.f32 v9, v20  }
0x32b: {  	v26 =	vld.idx.msk [tilespmem:v26+s9+$0x0], $0xffff;
	v42 =	vadd.s32 $0x90A2, v14;
	v25 =	vsub.f32 v25, v33;
	v30 =	vmul.f32 v30, v5  }
0x32c: {  	v10 =	vld.idx.msk [tilespmem:v10+s9+$0x0], $0xffff;
	v7 =	vadd.f32 v7, v29;
	v9 =	vmul.f32 v9, v62;
	v8 =	vsub.f32 v8, v22  }
0x32d: {  	v21 =	vadd.f32 v23, v21;
	v23 =	vld.idx.msk [tilespmem:v43+s9+$0x0], $0xffff;
	v25 =	vmul.f32 v25, v5;
	v19 =	vadd.f32 v30, v19  }
0x32e: {  	v30 =	vld.idx.msk [tilespmem:v56+s9+$0x0], $0xffff;
	v9 =	vadd.f32 v9, v20;
	v20 =	vmul.f32 v28, v5;
	v8 =	vmul.f32 v8, v5  }
0x32f: {  	v29 =	vadd.s32 $0x8C83, v14;
	v7 =	vsub.f32 v7, v21;
	v25 =	vadd.f32 v25, v33;
	v28 =	vld.idx.msk [tilespmem:v31+s9+$0x0], $0xffff  }
0x330: {  	v31 =	vadd.s32 $0x90A3, v14;
	[tilespmem:s13+$0x0] =	vst v9;
	v9 =	vadd.f32 v20, v27;
	v20 =	vld.idx.msk [tilespmem:v57+s9+$0x0], $0xffff;
	v8 =	vadd.f32 v8, v22  }
0x331: {  	v25 =	vsub.f32 v25, v19;
	v27 =	vmul.f32 v36, v6;
	v6 =	vmul.f32 v7, v6;
	v7 =	vld.idx.msk [tilespmem:v63+s9+$0x0], $0xffff  }
0x332: {  	v46 =	vadd.s32 $0x118E3, v4;
	v22 =	vadd.s32 $0x90C4, v14;
	v24 =	vld.idx.msk [tilespmem:v24+s9+$0x0], $0xffff;
	v8 =	vsub.f32 v8, v9  }
0x333: {  	v43 =	vadd.s32 $0x90C3, v14;
	v10 =	vsub.f32 v10, v32;
	v25 =	vmul.f32 v25, v15;
	v11 =	vld.idx.msk [tilespmem:v11+s9+$0x0], $0xffff  }
0x334: {  	v45 =	vadd.s32 $0x118C3, v4;
	v34 =	vsub.f32 v34, v23;
	v29 =	vld.idx.msk [tilespmem:v29+s9+$0x0], $0xffff;
	v8 =	vmul.f32 v8, v15  }
0x335: {  	v44 =	vadd.s32 $0x118C2, v4;
	v10 =	vmul.f32 v10, v17;
	v47 =	vld.idx.msk [tilespmem:v42+s9+$0x0], $0xffff;
	v19 =	vadd.f32 v25, v19  }
0x336: {  	v34 =	vmul.f32 v34, v17;
	v28 =	vsub.f32 v28, v26;
	v25 =	vld.idx.msk [tilespmem:v31+s9+$0x0], $0xffff;
	v8 =	vadd.f32 v8, v9  }
0x337: {  	v48 =	vadd.s32 $0x11D03, v4;
	v10 =	vadd.f32 v10, v32;
	v20 =	vsub.f32 v20, v30;
	v22 =	vld.idx.msk [tilespmem:v22+s9+$0x0], $0xffff  }
0x338: {  	v9 =	vadd.f32 v34, v23;
	v23 =	vmul.f32 v28, v17;
	v28 =	vld.idx.msk [tilespmem:v43+s9+$0x0], $0xffff;
	v8 =	vsub.f32 v8, v19  }
0x339: {  	v31 =	vadd.s32 $0x118E4, v4;
	v24 =	vsub.f32 v24, v7;
	v20 =	vmul.f32 v20, v17  }
0x33a: {  	v29 =	vsub.f32 v29, v11;
	v23 =	vadd.f32 v23, v26;
	v8 =	vmul.f32 v8, v60  }
0x33b: {  	v24 =	vmul.f32 v24, v16;
	v10 =	vsub.f32 v10, v9;
	v20 =	vadd.f32 v20, v30  }
0x33c: {  	s17 =	simm.s32 $0x1B760;
	v25 =	vsub.f32 v25, v47;
	v26 =	vadd.s32 $0x11D04, v4;
	v8 =	vadd.f32 v8, v19  }
0x33d: {  	s11 =	simm.s32 $0x1C160;
	v52 =	vld [tilespmem:s17+$0x0];
	v10 =	vmul.f32 v10, v13;
	v19 =	vsub.f32 v20, v23;
	v20 =	vsub.f32 v22, v28  }
0x33e: {  	v41 =	vld [tilespmem:s11+$0xFFFFFFF0];
	v7 =	vadd.f32 v24, v7;
	v24 =	vmul.f32 v25, v16;
	v22 =	vmul.f32 v29, v16;
	[tilespmem:s16+$0xFFFFFFE0] =	vst v8  }
0x33f: {  	v8 =	vadd.f32 v10, v9;
	v9 =	vmul.f32 v19, v13;
	v10 =	vmul.f32 v20, v16;
	v20 =	vld.idx.msk [tilespmem:v44+s9+$0x0], $0xffff  }
0x340: {  	v19 =	vadd.s32 $0x11D24, v4;
	v11 =	vadd.f32 v22, v11;
	v22 =	vadd.f32 v24, v47;
	v24 =	vld.idx.msk [tilespmem:v45+s9+$0x0], $0xffff  }
0x341: {  	v27 =	vadd.f32 v27, v35;
	v4 =	vadd.s32 $0x11D25, v4;
	v25 =	vld.idx.msk [tilespmem:v46+s9+$0x0], $0xffff  }
0x342: {  	v6 =	vadd.f32 v6, v21;
	v21 =	vld.idx.msk [tilespmem:v31+s9+$0x0], $0xffff;
	v9 =	vadd.f32 v9, v23  }
0x343: {  	v10 =	vadd.f32 v10, v28;
	v11 =	vsub.f32 v11, v7;
	v28 =	vld.idx.msk [tilespmem:v48+s9+$0x0], $0xffff  }
0x344: {  	v50 =	vadd.s32 $0x118E3, v18;
	v41 =	vmul.f32 $3.200000000e+01, v41;
	v6 =	vsub.f32 v6, v27;
	v23 =	vld.idx.msk [tilespmem:v26+s9+$0x0], $0xffff  }
0x345: {  	v9 =	vsub.f32 v9, v8;
	v10 =	vsub.f32 v10, v22;
	v11 =	vmul.f32 v11, v12;
	v31 =	vld.idx.msk [tilespmem:v19+s9+$0x0], $0xffff  }
0x346: {  	v36 =	vmul.f32 $3.200000000e+01, v52;
	v3 =	vmul.f32 v6, v3;
	v26 =	vadd.s32 $0x118C2, v18;
	v4 =	vld.idx.msk [tilespmem:v4+s9+$0x0], $0xffff  }
0x347: {  	v9 =	vmul.f32 v9, v61;
	v10 =	vmul.f32 v10, v12;
	v11 =	vadd.f32 v11, v7;
	v7 =	vld [tilespmem:s17+$0x10]  }
0x348: {  	s10 =	simm.s32 $0x1BC60;
	v49 =	vadd.s32 $0x118C3, v18;
	v56 =	vtrunc.f32 v36;
	v19 =	vadd.f32 v3, v27  }
0x349: {  	v6 =	vadd.s32 $0x11D03, v18;
	v8 =	vadd.f32 v9, v8;
	v9 =	vadd.f32 v10, v22;
	v10 =	vld [tilespmem:s10+$0x10]  }
0x34a: {  	v30 =	vadd.s32 $0x11D04, v18;
	v3 =	vsub.f32 v24, v20;
	v27 =	vsub.f32 v23, v28  }
0x34b: {  	v29 =	vadd.s32 $0x11D24, v18;
	v24 =	vld [tilespmem:s11+$0x10];
	[tilespmem:s16+$0xFFFFFFF0] =	vst v8;
	v8 =	vsub.f32 v9, v11;
	v9 =	vsub.f32 v21, v25  }
0x34c: {  	v3 =	vmul.f32 v3, v5;
	v4 =	vsub.f32 v4, v31;
	v21 =	vld.idx.msk [tilespmem:v26+s9+$0x0], $0xffff;
	v7 =	vmul.f32 $3.200000000e+01, v7  }
0x34d: {  	v22 =	vadd.s32 $0x118E4, v18;
	v26 =	vld.idx.msk [tilespmem:v49+s9+$0x0], $0xffff;
	v8 =	vmul.f32 v8, v62;
	v9 =	vmul.f32 v9, v5  }
0x34e: {  	v18 =	vadd.s32 $0x11D25, v18;
	v4 =	vmul.f32 v4, v5;
	v32 =	vmul.f32 $3.200000000e+01, v10  }
0x34f: {  	v10 =	vtrunc.f32 v7;
	v23 =	vadd.f32 v8, v11;
	v8 =	vmul.f32 v27, v5  }
0x350: {  	v3 =	vadd.f32 v3, v20;
	v10 =	vcvt.f32.s32 v10;
	v11 =	vtrunc.f32 v32  }
0x351: {  	v27 =	vmul.f32 $3.200000000e+01, v24;
	v9 =	vadd.f32 v9, v25;
	v11 =	vcvt.f32.s32 v11  }
0x352: {  	v51 =	vld.idx.msk [tilespmem:v22+s9+$0x0], $0xffff;
	v20 =	vadd.f32 v8, v28;
	v5 =	vsub.f32 v26, v21;
	vm12 =	vgt.s32 v10, $0x0  }
0x353: {  	v24 =	vld.idx.msk [tilespmem:v50+s9+$0x0], $0xffff;
	v22 =	vtrunc.f32 v27;
	v9 =	vsub.f32 v9, v3;
	vm13 =	vgt.s32 v11, $0x0  }
0x354: {  	v10 =	vnsel vm12, $0x0, v10;
	v28 =	vcvt.f32.s32 v22;
	v11 =	vnsel vm13, $0x0, v11  }
0x355: {  	v8 =	vld [tilespmem:s10+$0xFFFFFFE0];
	v22 =	vadd.f32 v4, v31;
	v35 =	vmin.u32 v10, $0x1F;
	v37 =	vmin.u32 v11, $0x1F  }
0x356: {  	v26 =	vld [tilespmem:s10+$0xFFFFFFF0];
	vm14 =	vgt.s32 v28, $0x0;
	v10 =	vmul.u32 $0x441, v35;
	v53 =	vmul.u32 $0x21, v37  }
0x357: {  	v38 =	vmul.f32 v5, v17;
	v39 =	vmul.f32 v9, v15;
	v28 =	vnsel vm14, $0x0, v28  }
0x358: {  	v25 =	vld [tilespmem:s17+$0xFFFFFFF0];
	v4 =	vsub.f32 v51, v24;
	v28 =	vmin.u32 v28, $0x1F;
	v5 =	vadd.s32 v10, v53  }
0x359: {  	v35 =	vcvt.s32.f32 v35;
	v22 =	vsub.f32 v22, v20;
	v31 =	vadd.s32 v28, v5  }
0x35a: {  	v11 =	vld [tilespmem:s17+$0xFFFFFFE0];
	v40 =	vmul.f32 v4, v17;
	v4 =	vmul.f32 $3.200000000e+01, v8;
	v8 =	vadd.s32 $0x1, v31  }
0x35b: {  	v54 =	vld [tilespmem:s10+$0x0];
	v21 =	vadd.f32 v38, v21;
	v5 =	vmul.f32 $3.200000000e+01, v26;
	v26 =	vadd.s32 $0x21, v31  }
0x35c: {  	v34 =	vld [tilespmem:s11+$0x0];
	v37 =	vcvt.s32.f32 v37;
	v15 =	vmul.f32 v22, v15;
	v33 =	vadd.s32 $0x22, v31  }
0x35d: {  	v10 =	vmul.f32 $3.200000000e+01, v25;
	v25 =	vld [tilespmem:s11+$0xFFFFFFE0];
	v59 =	vtrunc.f32 v4;
	v44 =	vadd.s32 $0x441, v31  }
0x35e: {  	v24 =	vadd.f32 v40, v24;
	v43 =	vcvt.f32.s32 v59;
	v48 =	vadd.s32 $0x442, v31;
	v47 =	vld.idx.msk [tilespmem:v31+s9+$0x0], $0xffff  }
0x35f: {  	v28 =	vcvt.s32.f32 v28;
	v9 =	vmul.f32 $3.200000000e+01, v11;
	v58 =	vadd.s32 $0x462, v31;
	v8 =	vld.idx.msk [tilespmem:v8+s9+$0x0], $0xffff  }
0x360: {  	v11 =	vmul.f32 $3.200000000e+01, v54;
	v45 =	vtrunc.f32 v10;
	v59 =	vadd.s32 $0x463, v31;
	v26 =	vld.idx.msk [tilespmem:v26+s9+$0x0], $0xffff  }
0x361: {  	v53 =	vadd.s32 $0x8C83, v31;
	v63 =	vtrunc.f32 v5;
	v38 =	vcvt.f32.s32 v45;
	v33 =	vld.idx.msk [tilespmem:v33+s9+$0x0], $0xffff  }
0x362: {  	vm8 =	vgt.s32 v43, $0x0;
	v55 =	vtrunc.f32 v9;
	v57 =	vtrunc.f32 v11;
	v44 =	vld.idx.msk [tilespmem:v44+s9+$0x0], $0xffff  }
0x363: {  	v45 =	vcvt.f32.s32 v63;
	v63 =	vadd.f32 v39, v3;
	v40 =	vmul.f32 $3.200000000e+01, v25;
	v25 =	vld.idx.msk [tilespmem:v48+s9+$0x0], $0xffff  }
0x364: {  	v39 =	vcvt.f32.s32 v56;
	v43 =	vnsel vm8, $0x0, v43;
	v42 =	vcvt.f32.s32 v55;
	v49 =	vld.idx.msk [tilespmem:v58+s9+$0x0], $0xffff  }
0x365: {  	v46 =	vcvt.f32.s32 v57;
	vm9 =	vgt.s32 v38, $0x0;
	vm10 =	vgt.s32 v45, $0x0;
	v57 =	vld.idx.msk [tilespmem:v59+s9+$0x0], $0xffff  }
0x366: {  	vm11 =	vgt.s32 v39, $0x0;
	v38 =	vnsel vm9, $0x0, v38;
	vm15 =	vgt.s32 v42, $0x0  }
0x367: {  	v48 =	vmul.f32 $3.200000000e+01, v34;
	v56 =	vtrunc.f32 v40;
	vm12 =	vgt.s32 v46, $0x0  }
0x368: {  	v58 =	vtrunc.f32 v41;
	v34 =	vsub.f32 v27, v28;
	v27 =	vnsel vm10, $0x0, v45  }
0x369: {  	v39 =	vnsel vm11, $0x0, v39;
	v8 =	vsub.f32 v8, v47;
	v28 =	vsub.f32 v33, v26  }
0x36a: {  	v50 =	vcvt.f32.s32 v56;
	v25 =	vsub.f32 v25, v44;
	v51 =	vsub.f32 v57, v49  }
0x36b: {  	v38 =	vmin.u32 v38, $0x1F;
	v8 =	vmul.f32 v34, v8;
	v28 =	vmul.f32 v34, v28  }
0x36c: {  	v42 =	vnsel vm15, $0x0, v42;
	v25 =	vmul.f32 v25, v34;
	v33 =	vmul.f32 v51, v34  }
0x36d: {  	v46 =	vnsel vm12, $0x0, v46;
	v8 =	vadd.f32 v8, v47;
	v26 =	vadd.f32 v28, v26  }
0x36e: {  	v39 =	vmin.u32 v39, $0x1F;
	v25 =	vadd.f32 v25, v44;
	v28 =	vadd.f32 v33, v49  }
0x36f: {  	v59 =	vtrunc.f32 v48;
	v42 =	vmin.u32 v42, $0x1F;
	v33 =	vsub.f32 v32, v37  }
0x370: {  	v46 =	vmin.u32 v46, $0x1F;
	v26 =	vsub.f32 v26, v8;
	v28 =	vsub.f32 v28, v25  }
0x371: {  	v56 =	vmul.u32 $0x441, v39;
	v54 =	vcvt.f32.s32 v59;
	v37 =	vmin.u32 v43, $0x1F  }
0x372: {  	v43 =	vmin.u32 v27, $0x1F;
	v26 =	vmul.f32 v26, v33;
	v27 =	vmul.f32 v28, v33  }
0x373: {  	vm13 =	vgt.s32 v50, $0x0;
	v55 =	vmul.u32 $0x21, v37;
	v28 =	vmul.u32 $0x441, v42  }
0x374: {  	v45 =	vnsel vm13, $0x0, v50;
	v8 =	vadd.f32 v26, v8;
	v25 =	vadd.f32 v27, v25  }
0x375: {  	v59 =	vadd.s32 $0x8C62, v31;
	v45 =	vmin.u32 v45, $0x1F;
	v26 =	vadd.s32 v28, v55  }
0x376: {  	v32 =	vsub.f32 v7, v35;
	v28 =	vadd.s32 v45, v26;
	v7 =	vsub.f32 v25, v8  }
0x377: {  	v50 =	vadd.s32 $0x90A3, v31;
	v44 =	vcvt.f32.s32 v58;
	v27 =	vadd.s32 $0x1, v28  }
0x378: {  	v29 =	vld.idx.msk [tilespmem:v29+s9+$0x0], $0xffff;
	v57 =	vadd.s32 $0x8C61, v31;
	vm15 =	vgt.s32 v54, $0x0;
	v7 =	vmul.f32 v7, v32  }
0x379: {  	v18 =	vld.idx.msk [tilespmem:v18+s9+$0x0], $0xffff;
	v58 =	vmul.u32 $0x21, v46;
	v47 =	vnsel vm15, $0x0, v54;
	vm14 =	vgt.s32 v44, $0x0  }
0x37a: {  	v30 =	vld.idx.msk [tilespmem:v30+s9+$0x0], $0xffff;
	v26 =	vmul.u32 $0x21, v43;
	v25 =	vmul.u32 $0x441, v38;
	v7 =	vadd.f32 v7, v8  }
0x37b: {  	s12 =	simm.s32 $0x1D560;
	v47 =	vmin.u32 v47, $0x1F;
	v35 =	vadd.s32 v56, v58;
	v44 =	vnsel vm14, $0x0, v44;
	v52 =	vld.idx.msk [tilespmem:v28+s9+$0x0], $0xffff  }
0x37c: {  	v25 =	vadd.s32 v25, v26;
	v26 =	vmin.u32 v44, $0x1F;
	v8 =	vadd.s32 $0x8C82, v31;
	v44 =	vld.idx.msk [tilespmem:v27+s9+$0x0], $0xffff;
	[tilespmem:s12+$0x10] =	vst v7  }
0x37d: {  	v27 =	vadd.s32 v26, v25;
	v25 =	vadd.s32 v47, v35;
	v35 =	vadd.s32 $0x90C3, v31;
	v49 =	vld.idx.msk [tilespmem:v57+s9+$0x0], $0xffff  }
0x37e: {  	v18 =	vsub.f32 v18, v29;
	v39 =	vcvt.s32.f32 v39;
	v58 =	vcvt.s32.f32 v26;
	v51 =	vld.idx.msk [tilespmem:v59+s9+$0x0], $0xffff  }
0x37f: {  	v46 =	vcvt.s32.f32 v46;
	v42 =	vcvt.s32.f32 v42;
	v7 =	vadd.s32 $0x90A2, v31;
	v53 =	vld.idx.msk [tilespmem:v53+s9+$0x0], $0xffff  }
0x380: {  	v58 =	vsub.f32 v41, v58;
	v41 =	vcvt.s32.f32 v47;
	v47 =	vld.idx.msk [tilespmem:v50+s9+$0x0], $0xffff;
	v50 =	vadd.s32 $0x463, v28  }
0x381: {  	v56 =	vadd.s32 $0x90C4, v31;
	v3 =	vsub.f32 v11, v46;
	v0 =	vsub.f32 v9, v42;
	v55 =	vld.idx.msk [tilespmem:v8+s9+$0x0], $0xffff  }
0x382: {  	v43 =	vcvt.s32.f32 v43;
	v54 =	vadd.s32 $0x21, v28;
	v38 =	vcvt.s32.f32 v38;
	v1 =	vld.idx.msk [tilespmem:v35+s9+$0x0], $0xffff  }
0x383: {  	v57 =	vadd.s32 $0x441, v28;
	v8 =	vcvt.s32.f32 v45;
	v45 =	vadd.s32 $0x22, v28;
	v35 =	vld.idx.msk [tilespmem:v6+s9+$0x0], $0xffff  }
0x384: {  	v44 =	vsub.f32 v44, v52;
	v6 =	vsub.f32 v10, v38;
	v59 =	vld.idx.msk [tilespmem:v7+s9+$0x0], $0xffff;
	v7 =	vcvt.s32.f32 v37  }
0x385: {  	v11 =	vadd.s32 $0x21, v27;
	v10 =	vsub.f32 v36, v39;
	v26 =	vsub.f32 v40, v8;
	v50 =	vld.idx.msk [tilespmem:v50+s9+$0x0], $0xffff  }
0x386: {  	v40 =	vadd.s32 $0x442, v28;
	v2 =	vsub.f32 v4, v7;
	v7 =	vsub.f32 v48, v41;
	v48 =	vld.idx.msk [tilespmem:v56+s9+$0x0], $0xffff  }
0x387: {  	v37 =	vadd.s32 $0x462, v28;
	v41 =	vadd.s32 $0x1, v27;
	v56 =	vsub.f32 v51, v49;
	v51 =	vld.idx.msk [tilespmem:v54+s9+$0x0], $0xffff  }
0x388: {  	v4 =	vsub.f32 v5, v43;
	v44 =	vmul.f32 v26, v44;
	v54 =	vld.idx.msk [tilespmem:v57+s9+$0x0], $0xffff;
	v57 =	vadd.s32 $0x21, v25  }
0x389: {  	v42 =	vsub.f32 v53, v55;
	v53 =	vadd.s32 $0x22, v27;
	v45 =	vld.idx.msk [tilespmem:v45+s9+$0x0], $0xffff;
	v46 =	vmul.f32 v56, v34  }
0x38a: {  	v43 =	vld.idx.msk [tilespmem:v27+s9+$0x0], $0xffff;
	v44 =	vadd.f32 v44, v52;
	v52 =	vadd.s32 $0x441, v27;
	v56 =	vadd.s32 $0x463, v27  }
0x38b: {  	v30 =	vsub.f32 v30, v35;
	v47 =	vsub.f32 v47, v59;
	v42 =	vmul.f32 v42, v34;
	v40 =	vld.idx.msk [tilespmem:v40+s9+$0x0], $0xffff  }
0x38c: {  	v37 =	vld.idx.msk [tilespmem:v37+s9+$0x0], $0xffff;
	v46 =	vadd.f32 v46, v49;
	v49 =	vadd.s32 $0x442, v27;
	v48 =	vsub.f32 v48, v1  }
0x38d: {  	v30 =	vmul.f32 v30, v17;
	v42 =	vadd.f32 v42, v55;
	v55 =	vadd.s32 $0x462, v27;
	v41 =	vld.idx.msk [tilespmem:v41+s9+$0x0], $0xffff  }
0x38e: {  	v47 =	vmul.f32 v47, v34;
	v45 =	vsub.f32 v45, v51;
	v38 =	vld.idx.msk [tilespmem:v53+s9+$0x0], $0xffff;
	v48 =	vmul.f32 v48, v34  }
0x38f: {  	v17 =	vmul.f32 v18, v17;
	v53 =	vadd.s32 $0x22, v25;
	v42 =	vsub.f32 v42, v46;
	v36 =	vld.idx.msk [tilespmem:v52+s9+$0x0], $0xffff  }
0x390: {  	v47 =	vadd.f32 v47, v59;
	v45 =	vmul.f32 v26, v45;
	v48 =	vadd.f32 v48, v1;
	v1 =	vld.idx.msk [tilespmem:v11+s9+$0x0], $0xffff  }
0x391: {  	v40 =	vsub.f32 v40, v54;
	v50 =	vsub.f32 v50, v37;
	v59 =	vmul.f32 v42, v33;
	v49 =	vld.idx.msk [tilespmem:v49+s9+$0x0], $0xffff  }
0x392: {  	v42 =	vadd.s32 $0x441, v25;
	v45 =	vadd.f32 v45, v51;
	v51 =	vadd.s32 $0x442, v25;
	v52 =	vld.idx.msk [tilespmem:v55+s9+$0x0], $0xffff  }
0x393: {  	v55 =	vld.idx.msk [tilespmem:v56+s9+$0x0], $0xffff;
	v40 =	vmul.f32 v40, v26;
	v50 =	vmul.f32 v50, v26;
	v48 =	vsub.f32 v48, v47  }
0x394: {  	v41 =	vsub.f32 v41, v43;
	v56 =	vld.idx.msk [tilespmem:v57+s9+$0x0], $0xffff;
	v57 =	vadd.s32 $0x118C2, v31;
	v39 =	vadd.f32 v59, v46  }
0x395: {  	v53 =	vld.idx.msk [tilespmem:v53+s9+$0x0], $0xffff;
	v40 =	vadd.f32 v40, v54;
	v37 =	vadd.f32 v50, v37;
	v48 =	vmul.f32 v48, v33  }
0x396: {  	v41 =	vmul.f32 v58, v41;
	v45 =	vsub.f32 v45, v44;
	v38 =	vsub.f32 v38, v1  }
0x397: {  	v46 =	vadd.s32 $0x462, v25;
	v49 =	vsub.f32 v49, v36;
	v47 =	vadd.f32 v48, v47  }
0x398: {  	v54 =	vadd.s32 $0x1, v25;
	v41 =	vadd.f32 v41, v43;
	v37 =	vsub.f32 v37, v40  }
0x399: {  	v42 =	vld.idx.msk [tilespmem:v42+s9+$0x0], $0xffff;
	v55 =	vsub.f32 v55, v52;
	v59 =	vmul.f32 v49, v58;
	v47 =	vsub.f32 v47, v39  }
0x39a: {  	v45 =	vmul.f32 v45, v2;
	v48 =	vadd.s32 $0x463, v25;
	v50 =	vld.idx.msk [tilespmem:v51+s9+$0x0], $0xffff;
	v53 =	vsub.f32 v53, v56  }
0x39b: {  	v36 =	vadd.f32 v59, v36;
	v59 =	vmul.f32 v55, v58;
	v47 =	vmul.f32 v47, v32  }
0x39c: {  	v38 =	vmul.f32 v58, v38;
	v46 =	vld.idx.msk [tilespmem:v46+s9+$0x0], $0xffff;
	v49 =	vadd.s32 $0x118C3, v31;
	v53 =	vmul.f32 v7, v53  }
0x39d: {  	v54 =	vld.idx.msk [tilespmem:v54+s9+$0x0], $0xffff;
	v43 =	vadd.f32 v59, v52;
	v52 =	vadd.s32 $0x118E4, v31;
	v39 =	vadd.f32 v47, v39  }
0x39e: {  	s13 =	simm.s32 $0x1DA60;
	v37 =	vmul.f32 v37, v2;
	v55 =	vld.idx.msk [tilespmem:v25+s9+$0x0], $0xffff;
	v53 =	vadd.f32 v53, v56;
	v56 =	vadd.s32 $0x11D24, v31  }
0x39f: {  	v38 =	vadd.f32 v38, v1;
	v48 =	vld.idx.msk [tilespmem:v48+s9+$0x0], $0xffff;
	v50 =	vsub.f32 v50, v42;
	v47 =	vadd.s32 $0x118E3, v31;
	[tilespmem:s13+$0x10] =	vst v39  }
0x3a0: {  	v44 =	vadd.f32 v45, v44;
	v37 =	vadd.f32 v37, v40;
	v39 =	vadd.s32 $0x11D03, v31;
	v51 =	vld.idx.msk [tilespmem:v57+s9+$0x0], $0xffff  }
0x3a1: {  	v38 =	vsub.f32 v38, v41;
	v50 =	vmul.f32 v50, v7;
	v57 =	vadd.s32 $0x11D04, v31;
	v49 =	vld.idx.msk [tilespmem:v49+s9+$0x0], $0xffff  }
0x3a2: {  	v37 =	vsub.f32 v37, v44;
	v43 =	vsub.f32 v43, v36;
	v31 =	vadd.s32 $0x11D25, v31;
	v52 =	vld.idx.msk [tilespmem:v52+s9+$0x0], $0xffff  }
0x3a3: {  	v38 =	vmul.f32 v38, v4;
	v54 =	vsub.f32 v54, v55;
	v42 =	vadd.f32 v50, v42;
	v50 =	vld.idx.msk [tilespmem:v56+s9+$0x0], $0xffff  }
0x3a4: {  	v24 =	vsub.f32 v24, v21;
	v37 =	vmul.f32 v37, v0;
	v43 =	vmul.f32 v43, v4;
	v47 =	vld.idx.msk [tilespmem:v47+s9+$0x0], $0xffff  }
0x3a5: {  	v38 =	vadd.f32 v38, v41;
	v48 =	vsub.f32 v48, v46;
	v40 =	vmul.f32 v7, v54;
	v39 =	vld.idx.msk [tilespmem:v39+s9+$0x0], $0xffff  }
0x3a6: {  	v41 =	vadd.s32 $0x118C2, v14;
	v37 =	vadd.f32 v37, v44;
	v36 =	vadd.f32 v43, v36;
	v57 =	vld.idx.msk [tilespmem:v57+s9+$0x0], $0xffff  }
0x3a7: {  	v56 =	vadd.s32 $0x8C62, v28;
	v48 =	vmul.f32 v48, v7;
	v18 =	vadd.f32 v40, v55;
	v31 =	vld.idx.msk [tilespmem:v31+s9+$0x0], $0xffff  }
0x3a8: {  	[tilespmem:s12+$0xFFFFFFE0] =	vst v37;
	v37 =	vadd.s32 $0x90A3, v28;
	v36 =	vsub.f32 v36, v38;
	v59 =	vsub.f32 v49, v51  }
0x3a9: {  	v55 =	vadd.s32 $0x90C3, v28;
	v46 =	vadd.f32 v48, v46;
	v49 =	vsub.f32 v52, v47  }
0x3aa: {  	v54 =	vsub.f32 v53, v18;
	v36 =	vmul.f32 v36, v6;
	v40 =	vmul.f32 v59, v34  }
0x3ab: {  	v46 =	vsub.f32 v46, v42;
	v59 =	vadd.s32 $0x8C83, v28;
	v43 =	vmul.f32 v49, v34  }
0x3ac: {  	[tilespmem:s16+$0x0] =	vst v23;
	v52 =	vadd.s32 $0x8C61, v28;
	v45 =	vsub.f32 v57, v39;
	v31 =	vsub.f32 v31, v50  }
0x3ad: {  	v41 =	vld.idx.msk [tilespmem:v41+s9+$0x0], $0xffff;
	v40 =	vadd.f32 v40, v51;
	v46 =	vmul.f32 v46, v3;
	v43 =	vadd.f32 v43, v47  }
0x3ae: {  	v37 =	vld.idx.msk [tilespmem:v37+s9+$0x0], $0xffff;
	v57 =	vadd.s32 $0x8C82, v28;
	v45 =	vmul.f32 v45, v34;
	v31 =	vmul.f32 v31, v34  }
0x3af: {  	v49 =	vmul.f32 v54, v3;
	v34 =	vld.idx.msk [tilespmem:v56+s9+$0x0], $0xffff;
	v56 =	vadd.s32 $0x90C4, v28;
	v43 =	vsub.f32 v43, v40  }
0x3b0: {  	v47 =	vld.idx.msk [tilespmem:v59+s9+$0x0], $0xffff;
	v59 =	vadd.s32 $0x8C62, v27;
	v39 =	vadd.f32 v45, v39;
	v31 =	vadd.f32 v31, v50  }
0x3b1: {  	v49 =	vadd.f32 v49, v18;
	v44 =	vld.idx.msk [tilespmem:v52+s9+$0x0], $0xffff;
	v45 =	vadd.s32 $0x90A2, v28;
	v18 =	vmul.f32 v43, v33  }
0x3b2: {  	v36 =	vadd.f32 v36, v38;
	v54 =	vadd.s32 $0x8C83, v27;
	v50 =	vld.idx.msk [tilespmem:v55+s9+$0x0], $0xffff;
	v31 =	vsub.f32 v31, v39  }
0x3b3: {  	v42 =	vadd.f32 v46, v42;
	v48 =	vld.idx.msk [tilespmem:v57+s9+$0x0], $0xffff;
	v57 =	vadd.s32 $0x8C61, v27;
	v40 =	vadd.f32 v18, v40  }
0x3b4: {  	[tilespmem:s12+$0xFFFFFFF0] =	vst v36;
	v18 =	vadd.f32 v30, v35;
	v30 =	vadd.s32 $0x90A2, v27;
	v36 =	vld.idx.msk [tilespmem:v56+s9+$0x0], $0xffff;
	v31 =	vmul.f32 v31, v33  }
0x3b5: {  	v22 =	vadd.s32 $0x118E3, v28;
	v42 =	vsub.f32 v42, v49;
	v56 =	vadd.s32 $0x90A3, v27;
	v38 =	vld.idx.msk [tilespmem:v59+s9+$0x0], $0xffff  }
0x3b6: {  	v23 =	vadd.s32 $0x90C3, v25;
	v43 =	vadd.s32 $0x8C82, v27;
	v33 =	vld.idx.msk [tilespmem:v45+s9+$0x0], $0xffff;
	v31 =	vadd.f32 v31, v39  }
0x3b7: {  	v29 =	vadd.f32 v17, v29;
	v52 =	vadd.s32 $0x8C61, v25;
	v55 =	vmul.f32 v42, v10;
	v39 =	vld.idx.msk [tilespmem:v54+s9+$0x0], $0xffff  }
0x3b8: {  	v34 =	vsub.f32 v34, v44;
	v45 =	vadd.s32 $0x118C3, v14;
	v17 =	vsub.f32 v31, v40;
	v31 =	vld.idx.msk [tilespmem:v57+s9+$0x0], $0xffff  }
0x3b9: {  	v35 =	vadd.f32 v55, v49;
	v47 =	vsub.f32 v47, v48;
	v54 =	vadd.s32 $0x8C82, v25;
	v30 =	vld.idx.msk [tilespmem:v30+s9+$0x0], $0xffff  }
0x3ba: {  	v53 =	vadd.s32 $0x8C62, v25;
	v34 =	vmul.f32 v34, v26;
	v29 =	vsub.f32 v29, v18;
	v42 =	vld.idx.msk [tilespmem:v56+s9+$0x0], $0xffff  }
0x3bb: {  	[tilespmem:s12+$0x0] =	vst v35;
	v57 =	vadd.s32 $0x90C3, v27;
	v47 =	vmul.f32 v47, v26;
	v17 =	vmul.f32 v17, v32;
	v32 =	vld.idx.msk [tilespmem:v43+s9+$0x0], $0xffff  }
0x3bc: {  	v55 =	vadd.s32 $0x8C83, v25;
	v34 =	vadd.f32 v34, v44;
	v36 =	vsub.f32 v36, v50;
	v43 =	vld.idx.msk [tilespmem:v52+s9+$0x0], $0xffff  }
0x3bd: {  	v59 =	vadd.s32 $0x90C4, v27;
	v37 =	vsub.f32 v37, v33;
	v47 =	vadd.f32 v47, v48;
	v45 =	vld.idx.msk [tilespmem:v45+s9+$0x0], $0xffff  }
0x3be: {  	v56 =	vadd.s32 $0x90A2, v25;
	v36 =	vmul.f32 v36, v26;
	v44 =	vld.idx.msk [tilespmem:v54+s9+$0x0], $0xffff;
	v54 =	vadd.s32 $0x118E4, v14  }
0x3bf: {  	v17 =	vadd.f32 v17, v40;
	v37 =	vmul.f32 v37, v26;
	v47 =	vsub.f32 v47, v34;
	v40 =	vld.idx.msk [tilespmem:v53+s9+$0x0], $0xffff  }
0x3c0: {  	v36 =	vadd.f32 v36, v50;
	v50 =	vadd.s32 $0x90C4, v25;
	v46 =	vld.idx.msk [tilespmem:v57+s9+$0x0], $0xffff;
	v57 =	vadd.s32 $0x90A3, v25  }
0x3c1: {  	v48 =	vld.idx.msk [tilespmem:v55+s9+$0x0], $0xffff;
	v53 =	vadd.s32 $0x118E3, v14;
	v38 =	vsub.f32 v38, v31;
	v52 =	vsub.f32 v42, v30  }
0x3c2: {  	v33 =	vadd.f32 v37, v33;
	v37 =	vld.idx.msk [tilespmem:v59+s9+$0x0], $0xffff;
	v47 =	vmul.f32 v47, v2;
	v39 =	vsub.f32 v39, v32  }
0x3c3: {  	v35 =	vld.idx.msk [tilespmem:v56+s9+$0x0], $0xffff;
	v56 =	vadd.s32 $0x11D03, v14;
	v38 =	vmul.f32 v38, v58;
	v55 =	vmul.f32 v52, v58  }
0x3c4: {  	v23 =	vld.idx.msk [tilespmem:v23+s9+$0x0], $0xffff;
	v45 =	vsub.f32 v45, v41;
	v36 =	vsub.f32 v36, v33;
	v59 =	vmul.f32 v39, v58  }
0x3c5: {  	v34 =	vadd.f32 v47, v34;
	v40 =	vsub.f32 v40, v43;
	v49 =	vld.idx.msk [tilespmem:v57+s9+$0x0], $0xffff;
	v57 =	vadd.s32 $0x11D04, v14  }
0x3c6: {  	v50 =	vld.idx.msk [tilespmem:v50+s9+$0x0], $0xffff;
	v36 =	vmul.f32 v36, v2;
	v32 =	vadd.f32 v59, v32;
	v59 =	vadd.s32 $0x11D24, v14  }
0x3c7: {  	v52 =	vld.idx.msk [tilespmem:v54+s9+$0x0], $0xffff;
	v31 =	vadd.f32 v38, v31;
	v37 =	vsub.f32 v37, v46;
	v14 =	vadd.s32 $0x11D25, v14  }
0x3c8: {  	v42 =	vld.idx.msk [tilespmem:v53+s9+$0x0], $0xffff;
	v53 =	vsub.f32 v48, v44;
	v40 =	vmul.f32 v40, v7;
	v33 =	vadd.f32 v36, v33  }
0x3c9: {  	v30 =	vadd.f32 v55, v30;
	v39 =	vld.idx.msk [tilespmem:v56+s9+$0x0], $0xffff;
	v32 =	vsub.f32 v32, v31;
	v37 =	vmul.f32 v37, v58  }
0x3ca: {  	v40 =	vadd.f32 v40, v43;
	v43 =	vmul.f32 v53, v7;
	v33 =	vsub.f32 v33, v34;
	v38 =	vld.idx.msk [tilespmem:v57+s9+$0x0], $0xffff  }
0x3cb: {  	v53 =	vadd.s32 $0x118E4, v28;
	v55 =	vsub.f32 v50, v23;
	v32 =	vmul.f32 v32, v4;
	v36 =	vld.idx.msk [tilespmem:v59+s9+$0x0], $0xffff  }
0x3cc: {  	v37 =	vadd.f32 v37, v46;
	v54 =	vsub.f32 v49, v35;
	v33 =	vmul.f32 v33, v0;
	v14 =	vld.idx.msk [tilespmem:v14+s9+$0x0], $0xffff  }
0x3cd: {  	v43 =	vadd.f32 v43, v44;
	v56 =	vmul.f32 v55, v7;
	v59 =	vmul.f32 v45, v16  }
0x3ce: {  	v55 =	vadd.s32 $0x11D04, v28;
	v31 =	vadd.f32 v32, v31;
	v37 =	vsub.f32 v37, v30  }
0x3cf: {  	v46 =	vmul.f32 v54, v7;
	v32 =	vsub.f32 v52, v42;
	v50 =	vsub.f32 v43, v40  }
0x3d0: {  	v33 =	vadd.f32 v33, v34;
	v23 =	vadd.f32 v56, v23;
	v37 =	vmul.f32 v37, v4  }
0x3d1: {  	v52 =	vadd.s32 $0x118C3, v28;
	v38 =	vsub.f32 v38, v39;
	v14 =	vsub.f32 v14, v36  }
0x3d2: {  	v57 =	vadd.f32 v46, v35;
	v32 =	vmul.f32 v32, v16;
	v30 =	vadd.f32 v37, v30  }
0x3d3: {  	v38 =	vmul.f32 v38, v16;
	v14 =	vmul.f32 v14, v16;
	v16 =	vadd.s32 $0x118C2, v28  }
0x3d4: {  	v54 =	vadd.s32 $0x11D03, v28;
	v35 =	vadd.f32 v59, v41;
	v30 =	vsub.f32 v30, v31  }
0x3d5: {  	v41 =	vadd.f32 v15, v20;
	v59 =	vadd.s32 $0x118E3, v27;
	[tilespmem:s13+$0xFFFFFFE0] =	vst v33;
	v33 =	vadd.s32 $0x118C2, v25  }
0x3d6: {  	v32 =	vadd.f32 v32, v42;
	v23 =	vsub.f32 v23, v57;
	v30 =	vmul.f32 v30, v6  }
0x3d7: {  	v37 =	vmul.f32 v50, v3;
	v22 =	vld.idx.msk [tilespmem:v22+s9+$0x0], $0xffff;
	v38 =	vadd.f32 v38, v39;
	v14 =	vadd.f32 v14, v36  }
0x3d8: {  	s16 =	simm.s32 $0x1DF20;
	v56 =	vld.idx.msk [tilespmem:v16+s9+$0x0], $0xffff;
	v16 =	vmul.f32 v23, v3;
	v23 =	vadd.f32 v30, v31;
	v30 =	vadd.s32 $0x11D24, v28  }
0x3d9: {  	[tilespmem:s16+$0x10] =	vst v19;
	v19 =	vsub.f32 v41, v63;
	v32 =	vsub.f32 v32, v35;
	v28 =	vadd.s32 $0x11D25, v28;
	v31 =	vld.idx.msk [tilespmem:v52+s9+$0x0], $0xffff  }
0x3da: {  	v50 =	vld.idx.msk [tilespmem:v54+s9+$0x0], $0xffff;
	v14 =	vsub.f32 v14, v38;
	v34 =	vadd.f32 v16, v57;
	v57 =	vadd.s32 $0x118C2, v27  }
0x3db: {  	v16 =	vmul.f32 v24, v13;
	v24 =	vld.idx.msk [tilespmem:v53+s9+$0x0], $0xffff;
	v13 =	vmul.f32 v29, v13;
	v29 =	vadd.s32 $0x118C3, v27  }
0x3dc: {  	v54 =	vadd.s32 $0x11D03, v27;
	v37 =	vadd.f32 v37, v40;
	v52 =	vadd.s32 $0x118E4, v27;
	v53 =	vld.idx.msk [tilespmem:v55+s9+$0x0], $0xffff  }
0x3dd: {  	v20 =	vmul.f32 v32, v12;
	v12 =	vmul.f32 v14, v12;
	v16 =	vadd.f32 v16, v21;
	v15 =	vld.idx.msk [tilespmem:v30+s9+$0x0], $0xffff  }
0x3de: {  	[tilespmem:s13+$0xFFFFFFF0] =	vst v23;
	v21 =	vsub.f32 v34, v37;
	v14 =	vsub.f32 v31, v56;
	v31 =	vadd.s32 $0x11D04, v27;
	v28 =	vld.idx.msk [tilespmem:v28+s9+$0x0], $0xffff  }
0x3df: {  	v13 =	vadd.f32 v13, v18;
	v18 =	vadd.f32 v20, v35;
	v30 =	vadd.s32 $0x11D24, v27;
	v20 =	vld.idx.msk [tilespmem:v57+s9+$0x0], $0xffff  }
0x3e0: {  	v27 =	vadd.s32 $0x11D25, v27;
	v21 =	vmul.f32 v21, v10;
	v14 =	vmul.f32 v14, v26;
	v55 =	vld.idx.msk [tilespmem:v29+s9+$0x0], $0xffff  }
0x3e1: {  	v32 =	vadd.s32 $0x118C3, v25;
	v23 =	vsub.f32 v24, v22;
	v29 =	vsub.f32 v53, v50;
	v24 =	vld.idx.msk [tilespmem:v52+s9+$0x0], $0xffff  }
0x3e2: {  	s7 =	simm.s32 $0x1DF60;
	v36 =	vadd.s32 $0x11D04, v25;
	v14 =	vadd.f32 v14, v56;
	v56 =	vadd.f32 v21, v37;
	v21 =	vld.idx.msk [tilespmem:v59+s9+$0x0], $0xffff  }
0x3e3: {  	[tilespmem:s7+$0x10] =	vst v17;
	v34 =	vadd.s32 $0x118E3, v25;
	v35 =	vadd.s32 $0x118E4, v25;
	v59 =	vsub.f32 v28, v15;
	v28 =	vld.idx.msk [tilespmem:v31+s9+$0x0], $0xffff  }
0x3e4: {  	v57 =	vmul.f32 v23, v26;
	v23 =	vadd.f32 v12, v38;
	v12 =	vmul.f32 v29, v26;
	v17 =	vld.idx.msk [tilespmem:v30+s9+$0x0], $0xffff  }
0x3e5: {  	v51 =	vmovc v2;
	v48 =	vmovc v4;
	v37 =	vadd.s32 $0x11D03, v25;
	v38 =	vadd.s32 $0x11D24, v25;
	v31 =	vadd.s32 $0x11D25, v25;
	v25 =	vld.idx.msk [tilespmem:v27+s9+$0x0], $0xffff  }
0x3e6: {  	v49 =	vmovc v7;
	v45 =	vmov v3;
	v13 =	vsub.f32 v13, v16;
	v29 =	vadd.f32 v57, v22;
	v22 =	vld.idx.msk [tilespmem:v54+s9+$0x0], $0xffff  }
0x3e7: {  	s0 =	simm.s32 $0x1B7A0;
	s17 =	simm.s32 $0x4;
	v42 =	vadd.f32 v12, v50;
	[tilespmem:s13+$0x0] =	vst v56;
	v26 =	vmul.f32 v59, v26;
	v27 =	vsub.f32 v55, v20  }
.LBB2_7:
0x3e8: {  	v30 =	vld [tilespmem:s0+$0x10];
	s10 =	sadd.s32 $0x40, s10  }
0x3e9: {  	s11 =	sadd.s32 $0x40, s11;
	v29 =	vsub.f32 v29, v14;
	v9 =	vld [tilespmem:s10+$0x10]  }
0x3ea: {  	v15 =	vadd.f32 v26, v15;
	v26 =	vmul.f32 v27, v58;
	v27 =	vld [tilespmem:s11+$0x10]  }
0x3eb: {  	v1 =	vmovc v0;
	v0 =	vmov v6;
	v23 =	vsub.f32 v23, v18;
	v29 =	vmul.f32 v29, v51  }
0x3ec: {  	[tilespmem:$0x1FE70] =	vst v0;
	v0 =	vadd.f32 v26, v20;
	v24 =	vsub.f32 v24, v21  }
0x3ed: {  	v19 =	vmul.f32 v19, v60;
	v39 =	vmul.f32 v13, v61;
	v3 =	vadd.f32 v29, v14  }
0x3ee: {  	v26 =	vmul.f32 $3.200000000e+01, v30;
	v29 =	vld [tilespmem:s10+$0x0];
	v20 =	vmul.f32 v24, v58;
	v24 =	vsub.f32 v28, v22  }
0x3ef: {  	v19 =	vadd.f32 v19, v63;
	v28 =	vld [tilespmem:s0+$0xFFFFFFF0];
	v30 =	vmul.f32 $3.200000000e+01, v9;
	v44 =	vmul.f32 $3.200000000e+01, v27  }
0x3f0: {  	[tilespmem:$0x1FE40] =	vst v1;
	v11 =	vld [tilespmem:s10+$0xFFFFFFE0];
	v20 =	vadd.f32 v20, v21;
	v14 =	vmul.f32 v24, v58;
	v21 =	vsub.f32 v25, v17  }
0x3f1: {  	v2 =	vsub.f32 v15, v42;
	v1 =	vmovc v10;
	v10 =	vtrunc.f32 v26;
	[tilespmem:s16+$0xFFFFFFE0] =	vst v19;
	v19 =	vmul.f32 v23, v62;
	v23 =	vld [tilespmem:s10+$0xFFFFFFF0]  }
0x3f2: {  	[tilespmem:$0x1FE20] =	vst v1;
	v24 =	vld [tilespmem:s0+$0x0];
	v1 =	vadd.f32 v14, v22;
	v8 =	vmul.f32 v21, v58;
	v22 =	vtrunc.f32 v30  }
0x3f3: {  	[tilespmem:$0x1FF00] =	vst v0;
	v0 =	vsub.f32 v20, v0;
	v20 =	vcvt.f32.s32 v10;
	v40 =	vmul.f32 $3.200000000e+01, v29  }
0x3f4: {  	v9 =	vadd.f32 v39, v16;
	v22 =	vcvt.f32.s32 v22;
	v25 =	vmul.f32 $3.200000000e+01, v28  }
0x3f5: {  	v21 =	vld [tilespmem:s0+$0xFFFFFFE0];
	[tilespmem:$0x1FED0] =	vst v0;
	v0 =	vadd.f32 v8, v17;
	v17 =	vmul.f32 $3.200000000e+01, v11;
	v11 =	vadd.f32 v19, v18  }
0x3f6: {  	vm0 =	vgt.s32 v20, $0x0;
	v18 =	vtrunc.f32 v44;
	v43 =	vtrunc.f32 v40  }
0x3f7: {  	vm1 =	vgt.s32 v22, $0x0;
	v27 =	vmul.f32 $3.200000000e+01, v23;
	v39 =	vmul.f32 $3.200000000e+01, v24  }
0x3f8: {  	[tilespmem:$0x1FEE0] =	vst v45;
	v28 =	vld [tilespmem:s11+$0x0];
	v19 =	vnsel vm0, $0x0, v20;
	v58 =	vtrunc.f32 v25;
	v43 =	vcvt.f32.s32 v43  }
0x3f9: {  	[tilespmem:$0x1FEC0] =	vst v0;
	v20 =	vnsel vm1, $0x0, v22;
	v22 =	vcvt.f32.s32 v18;
	v0 =	vld.idx.msk [tilespmem:v33+s9+$0x0], $0xffff;
	v41 =	vmin.u32 v19, $0x1F  }
0x3fa: {  	[tilespmem:s16+$0xFFFFFFF0] =	vst v9;
	v56 =	vld [tilespmem:s11+$0xFFFFFFE0];
	v57 =	vtrunc.f32 v17;
	v16 =	vmul.f32 $3.200000000e+01, v21;
	v45 =	vmin.u32 v20, $0x1F  }
0x3fb: {  	v8 =	vld [tilespmem:s11+$0xFFFFFFF0];
	[tilespmem:s16+$0x0] =	vst v11;
	v20 =	vmul.u32 $0x441, v41;
	v59 =	vtrunc.f32 v27;
	v61 =	vtrunc.f32 v39  }
0x3fc: {  	v24 =	vld.idx.msk [tilespmem:v35+s9+$0x0], $0xffff;
	v35 =	vcvt.f32.s32 v58;
	vm10 =	vgt.s32 v22, $0x0;
	v21 =	vmul.u32 $0x21, v45  }
0x3fd: {  	vm5 =	vgt.s32 v43, $0x0;
	v41 =	vcvt.s32.f32 v41;
	v22 =	vnsel vm10, $0x0, v22  }
0x3fe: {  	v28 =	vmul.f32 $3.200000000e+01, v28;
	v21 =	vadd.s32 v20, v21;
	[tilespmem:$0x1FE50] =	vst v0;
	v0 =	vld.idx.msk [tilespmem:v32+s9+$0x0], $0xffff;
	v32 =	vmin.u32 v22, $0x1F  }
0x3ff: {  	v45 =	vcvt.s32.f32 v45;
	v29 =	vtrunc.f32 v16;
	v33 =	vadd.s32 v32, v21  }
0x400: {  	v19 =	vld.idx.msk [tilespmem:v37+s9+$0x0], $0xffff;
	v10 =	vmul.f32 $3.200000000e+01, v8;
	vm2 =	vgt.s32 v35, $0x0;
	v60 =	vadd.s32 $0x1, v33  }
0x401: {  	v23 =	vld.idx.msk [tilespmem:v31+s9+$0x0], $0xffff;
	v31 =	vcvt.f32.s32 v29;
	v29 =	vmul.f32 $3.200000000e+01, v56;
	v46 =	vadd.s32 $0x21, v33  }
0x402: {  	v54 =	vtrunc.f32 v28;
	v35 =	vnsel vm2, $0x0, v35;
	v21 =	vld.idx.msk [tilespmem:v38+s9+$0x0], $0xffff;
	v47 =	vadd.s32 $0x22, v33  }
0x403: {  	v56 =	vnsel vm5, $0x0, v43;
	v53 =	vtrunc.f32 v10;
	v62 =	vadd.s32 $0x441, v33;
	[tilespmem:$0x1FE60] =	vst v0;
	v0 =	vld.idx.msk [tilespmem:v34+s9+$0x0], $0xffff  }
0x404: {  	v18 =	vmovc v49;
	v56 =	vmin.u32 v56, $0x1F;
	v38 =	vcvt.f32.s32 v61;
	v50 =	vadd.s32 $0x442, v33;
	v49 =	vld.idx.msk [tilespmem:v33+s9+$0x0], $0xffff  }
0x405: {  	vm11 =	vgt.s32 v31, $0x0;
	v52 =	vtrunc.f32 v29;
	v61 =	vadd.s32 $0x463, v33;
	v63 =	vld.idx.msk [tilespmem:v60+s9+$0x0], $0xffff  }
0x406: {  	v32 =	vcvt.s32.f32 v32;
	v31 =	vnsel vm11, $0x0, v31;
	v60 =	vadd.s32 $0x462, v33;
	v46 =	vld.idx.msk [tilespmem:v46+s9+$0x0], $0xffff  }
0x407: {  	[tilespmem:$0x1FEF0] =	vst v42;
	v52 =	vcvt.f32.s32 v52;
	v42 =	vmin.u32 v31, $0x1F;
	v31 =	vcvt.f32.s32 v53;
	v47 =	vld.idx.msk [tilespmem:v47+s9+$0x0], $0xffff  }
0x408: {  	v20 =	vmovc v48;
	vm4 =	vgt.s32 v38, $0x0;
	v53 =	vcvt.f32.s32 v54;
	v34 =	vcvt.f32.s32 v57;
	v48 =	vld.idx.msk [tilespmem:v62+s9+$0x0], $0xffff  }
0x409: {  	v37 =	vsub.f32 v44, v32;
	vm13 =	vgt.s32 v52, $0x0;
	vm14 =	vgt.s32 v31, $0x0;
	v50 =	vld.idx.msk [tilespmem:v50+s9+$0x0], $0xffff  }
0x40a: {  	vm15 =	vgt.s32 v53, $0x0;
	v31 =	vnsel vm14, $0x0, v31;
	vm12 =	vgt.s32 v34, $0x0;
	v57 =	vld.idx.msk [tilespmem:v61+s9+$0x0], $0xffff  }
0x40b: {  	v62 =	vnsel vm4, $0x0, v38;
	v38 =	vmin.u32 v35, $0x1F;
	v34 =	vnsel vm12, $0x0, v34;
	v55 =	vld.idx.msk [tilespmem:v60+s9+$0x0], $0xffff  }
0x40c: {  	v43 =	vmin.u32 v62, $0x1F;
	v54 =	vmin.u32 v34, $0x1F;
	[tilespmem:$0x1FE80] =	vst v0;
	v0 =	vld.idx.msk [tilespmem:v36+s9+$0x0], $0xffff;
	v36 =	vcvt.f32.s32 v59  }
0x40d: {  	v32 =	vmul.u32 $0x441, v38;
	v34 =	vmul.u32 $0x441, v42;
	v35 =	vmul.u32 $0x21, v54  }
0x40e: {  	v59 =	vmul.u32 $0x21, v56;
	vm3 =	vgt.s32 v36, $0x0;
	v63 =	vsub.f32 v63, v49  }
0x40f: {  	v60 =	vsub.f32 v47, v46;
	v50 =	vsub.f32 v50, v48;
	v36 =	vnsel vm3, $0x0, v36  }
0x410: {  	v58 =	vmin.u32 v36, $0x1F;
	v36 =	vmul.f32 v37, v63;
	v62 =	vsub.f32 v57, v55  }
0x411: {  	v34 =	vadd.s32 v34, v35;
	v44 =	vmul.f32 v37, v60;
	v50 =	vmul.f32 v50, v37  }
0x412: {  	v22 =	vmovc v51;
	v60 =	vnsel vm15, $0x0, v53;
	v49 =	vadd.f32 v36, v49;
	v51 =	vmul.f32 v62, v37  }
0x413: {  	v61 =	vmul.u32 $0x21, v58;
	v44 =	vadd.f32 v44, v46;
	v46 =	vadd.f32 v50, v48  }
0x414: {  	v36 =	vsub.f32 v30, v45;
	v30 =	vnsel vm13, $0x0, v52;
	v63 =	vadd.f32 v51, v55  }
0x415: {  	v45 =	vmin.u32 v31, $0x1F;
	v57 =	vmul.u32 $0x441, v43;
	v30 =	vmin.u32 v30, $0x1F  }
0x416: {  	v32 =	vadd.s32 v32, v61;
	v35 =	vadd.s32 v30, v34;
	v55 =	vsub.f32 v63, v46  }
0x417: {  	v32 =	vadd.s32 v45, v32;
	v34 =	vsub.f32 v26, v41;
	v41 =	vadd.s32 $0x1, v35  }
0x418: {  	[tilespmem:$0x1FEA0] =	vst v2;
	v44 =	vsub.f32 v44, v49;
	v2 =	vadd.s32 $0x441, v32;
	v62 =	vmul.f32 v55, v36  }
0x419: {  	v31 =	vadd.s32 v57, v59;
	v4 =	vadd.s32 $0x442, v32;
	v5 =	vadd.s32 $0x462, v32  }
0x41a: {  	v61 =	vmul.f32 v44, v36;
	v44 =	vadd.f32 v62, v46;
	v46 =	vmin.u32 v60, $0x1F  }
0x41b: {  	v7 =	vadd.s32 $0x463, v32;
	v57 =	vld.idx.msk [tilespmem:v35+s9+$0x0], $0xffff;
	v31 =	vadd.s32 v46, v31  }
0x41c: {  	v41 =	vld.idx.msk [tilespmem:v41+s9+$0x0], $0xffff;
	v9 =	vadd.s32 $0x21, v31  }
0x41d: {  	v2 =	vld.idx.msk [tilespmem:v2+s9+$0x0], $0xffff;
	v12 =	vadd.s32 $0x22, v31  }
0x41e: {  	v63 =	vadd.f32 v61, v49;
	v4 =	vld.idx.msk [tilespmem:v4+s9+$0x0], $0xffff;
	v11 =	vadd.s32 $0x441, v31  }
0x41f: {  	v5 =	vld.idx.msk [tilespmem:v5+s9+$0x0], $0xffff;
	v13 =	vadd.s32 $0x442, v31  }
0x420: {  	v7 =	vld.idx.msk [tilespmem:v7+s9+$0x0], $0xffff;
	v26 =	vsub.f32 v44, v63;
	v15 =	vadd.s32 $0x462, v31  }
0x421: {  	v14 =	vadd.s32 $0x463, v31;
	v9 =	vld.idx.msk [tilespmem:v9+s9+$0x0], $0xffff  }
0x422: {  	v51 =	vadd.s32 $0x8C61, v33;
	v26 =	vmul.f32 v26, v34;
	v12 =	vld.idx.msk [tilespmem:v12+s9+$0x0], $0xffff  }
0x423: {  	v55 =	vadd.s32 $0x8C62, v33;
	v11 =	vld.idx.msk [tilespmem:v11+s9+$0x0], $0xffff  }
0x424: {  	v47 =	vadd.s32 $0x8C82, v33;
	v26 =	vadd.f32 v26, v63;
	v13 =	vld.idx.msk [tilespmem:v13+s9+$0x0], $0xffff  }
0x425: {  	s12 =	sadd.s32 $0x40, s12;
	[tilespmem:$0x1FE30] =	vst v3;
	v62 =	vadd.s32 $0x8C83, v33;
	v15 =	vld.idx.msk [tilespmem:v15+s9+$0x0], $0xffff  }
0x426: {  	v3 =	vadd.s32 $0x90A3, v33;
	v6 =	vadd.s32 $0x90C3, v33;
	v14 =	vld.idx.msk [tilespmem:v14+s9+$0x0], $0xffff;
	[tilespmem:s12+$0x10] =	vst v26  }
0x427: {  	v38 =	vcvt.s32.f32 v38;
	v54 =	vcvt.s32.f32 v54;
	v26 =	vadd.s32 $0x90A2, v33;
	v51 =	vld.idx.msk [tilespmem:v51+s9+$0x0], $0xffff  }
0x428: {  	[tilespmem:$0x1FE90] =	vst v0;
	v0 =	vadd.s32 $0x90C4, v33;
	v30 =	vcvt.s32.f32 v30;
	v45 =	vcvt.s32.f32 v45;
	v55 =	vld.idx.msk [tilespmem:v55+s9+$0x0], $0xffff  }
0x429: {  	v48 =	vadd.s32 $0x22, v35;
	v50 =	vadd.s32 $0x441, v35;
	v52 =	vadd.s32 $0x442, v35;
	v47 =	vld.idx.msk [tilespmem:v47+s9+$0x0], $0xffff  }
0x42a: {  	v53 =	vadd.s32 $0x462, v35;
	v46 =	vcvt.s32.f32 v46;
	v41 =	vsub.f32 v41, v57;
	v62 =	vld.idx.msk [tilespmem:v62+s9+$0x0], $0xffff  }
0x42b: {  	v59 =	vadd.s32 $0x463, v35;
	v4 =	vsub.f32 v4, v2;
	v7 =	vsub.f32 v7, v5;
	v3 =	vld.idx.msk [tilespmem:v3+s9+$0x0], $0xffff  }
0x42c: {  	[tilespmem:$0x1FEB0] =	vst v1;
	v61 =	vadd.s32 $0x21, v32;
	v28 =	vsub.f32 v28, v46;
	v12 =	vsub.f32 v12, v9;
	v1 =	vld.idx.msk [tilespmem:v26+s9+$0x0], $0xffff  }
0x42d: {  	v26 =	vsub.f32 v29, v30;
	v29 =	vcvt.s32.f32 v58;
	v58 =	vsub.f32 v10, v45;
	v45 =	vld.idx.msk [tilespmem:v6+s9+$0x0], $0xffff  }
0x42e: {  	v44 =	vadd.s32 $0x21, v35;
	v13 =	vsub.f32 v13, v11;
	v30 =	vsub.f32 v17, v54;
	v17 =	vld.idx.msk [tilespmem:v0+s9+$0x0], $0xffff  }
0x42f: {  	v14 =	vsub.f32 v14, v15;
	v6 =	vcvt.s32.f32 v56;
	v0 =	vcvt.s32.f32 v42  }
0x430: {  	v56 =	vsub.f32 v55, v51;
	v10 =	vmul.f32 v26, v41;
	v29 =	vsub.f32 v27, v29  }
0x431: {  	v60 =	vadd.s32 $0x1, v32;
	v27 =	vsub.f32 v40, v6;
	v0 =	vsub.f32 v16, v0  }
0x432: {  	v46 =	vcvt.s32.f32 v43;
	v16 =	vld.idx.msk [tilespmem:v50+s9+$0x0], $0xffff;
	v50 =	vadd.f32 v10, v57;
	v57 =	vsub.f32 v62, v47  }
0x433: {  	v54 =	vld.idx.msk [tilespmem:v44+s9+$0x0], $0xffff;
	v12 =	vmul.f32 v28, v12;
	v3 =	vsub.f32 v3, v1;
	v17 =	vsub.f32 v17, v45  }
0x434: {  	v44 =	vld.idx.msk [tilespmem:v48+s9+$0x0], $0xffff;
	v10 =	vsub.f32 v39, v46;
	v46 =	vmul.f32 v56, v37;
	v48 =	vmul.f32 v57, v37  }
0x435: {  	v49 =	vld.idx.msk [tilespmem:v32+s9+$0x0], $0xffff;
	v6 =	vsub.f32 v25, v38;
	v3 =	vmul.f32 v3, v37;
	v17 =	vmul.f32 v17, v37  }
0x436: {  	v43 =	vld.idx.msk [tilespmem:v52+s9+$0x0], $0xffff;
	v13 =	vmul.f32 v13, v28;
	v51 =	vadd.f32 v46, v51;
	v47 =	vadd.f32 v48, v47  }
0x437: {  	v8 =	vadd.s32 $0x1, v31;
	v52 =	vld.idx.msk [tilespmem:v59+s9+$0x0], $0xffff;
	v1 =	vadd.f32 v3, v1;
	v3 =	vadd.f32 v17, v45  }
0x438: {  	v25 =	vld.idx.msk [tilespmem:v53+s9+$0x0], $0xffff;
	v4 =	vmul.f32 v4, v58;
	v9 =	vadd.f32 v12, v9;
	v11 =	vadd.f32 v13, v11  }
0x439: {  	v63 =	vadd.s32 $0x22, v32;
	v53 =	vld.idx.msk [tilespmem:v60+s9+$0x0], $0xffff;
	v47 =	vsub.f32 v47, v51;
	v3 =	vsub.f32 v3, v1  }
0x43a: {  	v13 =	vmul.f32 v14, v28;
	v2 =	vadd.f32 v4, v2;
	v4 =	vmul.f32 v7, v58  }
0x43b: {  	v56 =	vld.idx.msk [tilespmem:v61+s9+$0x0], $0xffff;
	v55 =	vsub.f32 v44, v54;
	v61 =	vmul.f32 v47, v36;
	v3 =	vmul.f32 v3, v36  }
0x43c: {  	v8 =	vld.idx.msk [tilespmem:v8+s9+$0x0], $0xffff;
	v13 =	vadd.f32 v13, v15;
	v4 =	vadd.f32 v4, v5  }
0x43d: {  	v7 =	vld.idx.msk [tilespmem:v31+s9+$0x0], $0xffff;
	v51 =	vadd.f32 v61, v51;
	v1 =	vadd.f32 v3, v1  }
0x43e: {  	v57 =	vld.idx.msk [tilespmem:v63+s9+$0x0], $0xffff;
	v60 =	vmul.f32 v26, v55;
	v52 =	vsub.f32 v52, v25;
	v53 =	vsub.f32 v53, v49  }
0x43f: {  	v4 =	vsub.f32 v4, v2;
	v1 =	vsub.f32 v1, v51  }
0x440: {  	v17 =	vsub.f32 v43, v16;
	v54 =	vadd.f32 v60, v54;
	v52 =	vmul.f32 v52, v26  }
0x441: {  	v53 =	vmul.f32 v58, v53;
	v60 =	vadd.s32 $0x118C2, v33;
	v1 =	vmul.f32 v1, v34  }
0x442: {  	v8 =	vsub.f32 v8, v7;
	v17 =	vmul.f32 v17, v26;
	v61 =	vadd.s32 $0x118C3, v33  }
0x443: {  	v59 =	vsub.f32 v57, v56;
	v57 =	vadd.s32 $0x118E3, v33;
	v1 =	vadd.f32 v1, v51  }
0x444: {  	s13 =	sadd.s32 $0x40, s13;
	v5 =	vadd.s32 $0x118E4, v33;
	v4 =	vmul.f32 v4, v29;
	v8 =	vmul.f32 v28, v8  }
0x445: {  	v3 =	vadd.f32 v17, v16;
	v16 =	vmul.f32 v58, v59;
	[tilespmem:s13+$0x10] =	vst v1;
	v1 =	vadd.s32 $0x11D03, v33  }
0x446: {  	v17 =	vadd.f32 v52, v25;
	v25 =	vadd.f32 v53, v49;
	v49 =	vld.idx.msk [tilespmem:v60+s9+$0x0], $0xffff;
	v60 =	vadd.s32 $0x11D04, v33  }
0x447: {  	v13 =	vsub.f32 v13, v11;
	v2 =	vadd.f32 v4, v2;
	v52 =	vld.idx.msk [tilespmem:v61+s9+$0x0], $0xffff;
	v61 =	vadd.s32 $0x11D24, v33  }
0x448: {  	v7 =	vadd.f32 v8, v7;
	v16 =	vadd.f32 v16, v56;
	v12 =	vld.idx.msk [tilespmem:v57+s9+$0x0], $0xffff;
	v33 =	vadd.s32 $0x11D25, v33  }
0x449: {  	v59 =	vsub.f32 v54, v50;
	v17 =	vsub.f32 v17, v3;
	v5 =	vld.idx.msk [tilespmem:v5+s9+$0x0], $0xffff  }
0x44a: {  	v4 =	vmul.f32 v13, v27;
	v9 =	vsub.f32 v9, v7;
	v16 =	vsub.f32 v16, v25;
	v1 =	vld.idx.msk [tilespmem:v1+s9+$0x0], $0xffff  }
0x44b: {  	v42 =	vadd.s32 $0x8C61, v35;
	v14 =	vmul.f32 v59, v30;
	v17 =	vmul.f32 v17, v30;
	v15 =	vld.idx.msk [tilespmem:v60+s9+$0x0], $0xffff  }
0x44c: {  	v4 =	vadd.f32 v4, v11;
	v9 =	vmul.f32 v9, v27;
	v16 =	vmul.f32 v16, v29;
	v8 =	vld.idx.msk [tilespmem:v61+s9+$0x0], $0xffff  }
0x44d: {  	v40 =	vadd.s32 $0x8C62, v35;
	v14 =	vadd.f32 v14, v50;
	v3 =	vadd.f32 v17, v3;
	v33 =	vld.idx.msk [tilespmem:v33+s9+$0x0], $0xffff  }
0x44e: {  	v41 =	vadd.s32 $0x8C82, v35;
	v7 =	vadd.f32 v9, v7;
	v16 =	vadd.f32 v16, v25  }
0x44f: {  	v38 =	vadd.s32 $0x90A2, v35;
	v39 =	vadd.s32 $0x8C83, v35;
	v3 =	vsub.f32 v3, v14  }
0x450: {  	v13 =	vadd.s32 $0x90C3, v32;
	v4 =	vsub.f32 v4, v7;
	v2 =	vsub.f32 v2, v16  }
0x451: {  	v3 =	vmul.f32 v3, v0;
	v56 =	vsub.f32 v52, v49;
	v5 =	vsub.f32 v5, v12  }
0x452: {  	v2 =	vmul.f32 v2, v6;
	v15 =	vsub.f32 v15, v1;
	v33 =	vsub.f32 v33, v8  }
0x453: {  	v3 =	vadd.f32 v3, v14;
	v9 =	vmul.f32 v56, v37;
	v5 =	vmul.f32 v5, v37  }
0x454: {  	v2 =	vadd.f32 v2, v16;
	v14 =	vmul.f32 v15, v37;
	v15 =	vmul.f32 v33, v37  }
0x455: {  	v44 =	vadd.s32 $0x90A3, v35;
	[tilespmem:s12+$0xFFFFFFE0] =	vst v3;
	v9 =	vadd.f32 v9, v49;
	v5 =	vadd.f32 v5, v12  }
0x456: {  	v46 =	vadd.s32 $0x90C3, v35;
	v39 =	vld.idx.msk [tilespmem:v39+s9+$0x0], $0xffff;
	[tilespmem:s12+$0xFFFFFFF0] =	vst v2;
	v1 =	vadd.f32 v14, v1;
	v8 =	vadd.f32 v15, v8  }
0x457: {  	v55 =	vadd.s32 $0x118C3, v35;
	v45 =	vadd.s32 $0x90C4, v35;
	v11 =	vadd.s32 $0x8C61, v31;
	v13 =	vld.idx.msk [tilespmem:v13+s9+$0x0], $0xffff  }
0x458: {  	v2 =	vmul.f32 v4, v10;
	v12 =	vld.idx.msk [tilespmem:v42+s9+$0x0], $0xffff;
	v5 =	vsub.f32 v5, v9;
	v8 =	vsub.f32 v8, v1  }
0x459: {  	v48 =	vadd.s32 $0x8C82, v32;
	v47 =	vadd.s32 $0x8C62, v32;
	v3 =	vadd.s32 $0x8C82, v31;
	v15 =	vld.idx.msk [tilespmem:v40+s9+$0x0], $0xffff  }
0x45a: {  	v2 =	vadd.f32 v2, v7;
	v7 =	vld.idx.msk [tilespmem:v44+s9+$0x0], $0xffff;
	v5 =	vmul.f32 v5, v36;
	v8 =	vmul.f32 v8, v36  }
0x45b: {  	v53 =	vadd.s32 $0x118E3, v35;
	v54 =	vadd.s32 $0x118E4, v35;
	v59 =	vadd.s32 $0x90C4, v32;
	v33 =	vld.idx.msk [tilespmem:v41+s9+$0x0], $0xffff  }
0x45c: {  	v50 =	vadd.s32 $0x11D04, v35;
	[tilespmem:s12+$0x0] =	vst v2;
	v2 =	vld.idx.msk [tilespmem:v45+s9+$0x0], $0xffff;
	v5 =	vadd.f32 v5, v9;
	v1 =	vadd.f32 v8, v1  }
0x45d: {  	v17 =	vadd.s32 $0x90A2, v32;
	v51 =	vadd.s32 $0x11D24, v35;
	v25 =	vadd.s32 $0x90A3, v32;
	v11 =	vld.idx.msk [tilespmem:v11+s9+$0x0], $0xffff  }
0x45e: {  	v52 =	vadd.s32 $0x11D03, v35;
	v3 =	vld.idx.msk [tilespmem:v3+s9+$0x0], $0xffff;
	v9 =	vsub.f32 v15, v12;
	v1 =	vsub.f32 v1, v5  }
0x45f: {  	v56 =	vadd.s32 $0x118C2, v35;
	v49 =	vadd.s32 $0x11D25, v35;
	v37 =	vadd.s32 $0x8C62, v31;
	v36 =	vld.idx.msk [tilespmem:v38+s9+$0x0], $0xffff  }
0x460: {  	v35 =	vsub.f32 v39, v33;
	v38 =	vld.idx.msk [tilespmem:v47+s9+$0x0], $0xffff;
	v9 =	vmul.f32 v9, v26;
	v1 =	vmul.f32 v1, v34  }
0x461: {  	v43 =	vadd.s32 $0x8C61, v32;
	v47 =	vld.idx.msk [tilespmem:v48+s9+$0x0], $0xffff  }
0x462: {  	v34 =	vmul.f32 v35, v26;
	v1 =	vadd.f32 v1, v5;
	v5 =	vadd.f32 v9, v12;
	v9 =	vld.idx.msk [tilespmem:v17+s9+$0x0], $0xffff  }
0x463: {  	s16 =	smov.u32 s7;
	s7 =	sadd.s32 $0x40, s7;
	v14 =	vadd.s32 $0x8C83, v31;
	v12 =	vld.idx.msk [tilespmem:v25+s9+$0x0], $0xffff  }
0x464: {  	v57 =	vadd.s32 $0x8C83, v32;
	v48 =	vld.idx.msk [tilespmem:v37+s9+$0x0], $0xffff;
	[tilespmem:s7+$0x10] =	vst v1;
	v1 =	vadd.f32 v34, v33  }
0x465: {  	v16 =	vadd.s32 $0x90A2, v31;
	v17 =	vld.idx.msk [tilespmem:v59+s9+$0x0], $0xffff  }
0x466: {  	v8 =	vld.idx.msk [tilespmem:v46+s9+$0x0], $0xffff;
	v1 =	vsub.f32 v1, v5  }
0x467: {  	v15 =	vld.idx.msk [tilespmem:v43+s9+$0x0], $0xffff  }
0x468: {  	v14 =	vld.idx.msk [tilespmem:v14+s9+$0x0], $0xffff;
	v12 =	vsub.f32 v12, v9;
	v1 =	vmul.f32 v1, v30  }
0x469: {  	v60 =	vadd.s32 $0x90C3, v31;
	v57 =	vld.idx.msk [tilespmem:v57+s9+$0x0], $0xffff;
	v7 =	vsub.f32 v7, v36  }
0x46a: {  	v12 =	vmul.f32 v12, v58;
	v1 =	vadd.f32 v1, v5;
	v5 =	vld.idx.msk [tilespmem:v16+s9+$0x0], $0xffff;
	v16 =	vsub.f32 v17, v13  }
0x46b: {  	v4 =	vadd.s32 $0x90A3, v31;
	v48 =	vsub.f32 v48, v11;
	v2 =	vsub.f32 v2, v8  }
0x46c: {  	v7 =	vmul.f32 v7, v26;
	v9 =	vadd.f32 v12, v9;
	v12 =	vmul.f32 v16, v58  }
0x46d: {  	v14 =	vsub.f32 v14, v3;
	v25 =	vsub.f32 v38, v15;
	v2 =	vmul.f32 v2, v26  }
0x46e: {  	v7 =	vadd.f32 v7, v36;
	v12 =	vadd.f32 v12, v13;
	v13 =	vmul.f32 v48, v28  }
0x46f: {  	v2 =	vadd.f32 v2, v8;
	v8 =	vmul.f32 v25, v58;
	v25 =	vsub.f32 v57, v47  }
0x470: {  	v61 =	vadd.s32 $0x90C4, v31;
	v57 =	vld [tilespmem:$0x1FE50];
	v11 =	vadd.f32 v13, v11;
	v13 =	vmul.f32 v14, v28  }
0x471: {  	v8 =	vadd.f32 v8, v15;
	v15 =	vmul.f32 v25, v58;
	v2 =	vsub.f32 v2, v7;
	v25 =	vld [tilespmem:$0x1FE60]  }
0x472: {  	v3 =	vadd.f32 v13, v3  }
0x473: {  	v4 =	vld.idx.msk [tilespmem:v4+s9+$0x0], $0xffff;
	v15 =	vadd.f32 v15, v47;
	v2 =	vmul.f32 v2, v30  }
0x474: {  	v17 =	vld.idx.msk [tilespmem:v60+s9+$0x0], $0xffff;
	v3 =	vsub.f32 v3, v11  }
0x475: {  	v2 =	vadd.f32 v2, v7;
	v7 =	vsub.f32 v15, v8;
	v16 =	vld.idx.msk [tilespmem:v61+s9+$0x0], $0xffff  }
0x476: {  	v25 =	vsub.f32 v25, v57;
	v3 =	vmul.f32 v3, v27  }
0x477: {  	v2 =	vsub.f32 v2, v1;
	v7 =	vmul.f32 v7, v29  }
0x478: {  	v15 =	vmul.f32 v25, v18;
	v4 =	vsub.f32 v4, v5;
	v3 =	vadd.f32 v3, v11;
	v11 =	vld [tilespmem:$0x1FEA0]  }
0x479: {  	v25 =	vld [tilespmem:$0x1FE80];
	v2 =	vmul.f32 v2, v0;
	v7 =	vadd.f32 v7, v8;
	v8 =	vsub.f32 v12, v9  }
0x47a: {  	v4 =	vmul.f32 v4, v28;
	v12 =	vsub.f32 v16, v17  }
0x47b: {  	v1 =	vadd.f32 v2, v1;
	v2 =	vmul.f32 v8, v29;
	v8 =	vld [tilespmem:$0x1FE90]  }
0x47c: {  	v14 =	vadd.f32 v15, v57;
	v15 =	vld [tilespmem:$0x1FEC0];
	v4 =	vadd.f32 v4, v5;
	v5 =	vmul.f32 v12, v28  }
0x47d: {  	v11 =	vmul.f32 v11, v22;
	v22 =	vld [tilespmem:$0x1FEB0]  }
0x47e: {  	v24 =	vsub.f32 v24, v25;
	v5 =	vadd.f32 v5, v17  }
0x47f: {  	[tilespmem:s13+$0xFFFFFFE0] =	vst v1;
	v1 =	vadd.f32 v2, v9;
	v9 =	vsub.f32 v23, v21  }
0x480: {  	v62 =	vld [tilespmem:$0x1FE20];
	v8 =	vsub.f32 v8, v19;
	v5 =	vsub.f32 v5, v4  }
0x481: {  	v63 =	vld [tilespmem:$0x1FE30];
	v2 =	vmul.f32 v24, v18;
	v9 =	vmul.f32 v9, v18  }
0x482: {  	v12 =	vld.idx.msk [tilespmem:v56+s9+$0x0], $0xffff;
	v8 =	vmul.f32 v8, v18;
	v5 =	vmul.f32 v5, v27;
	v18 =	vsub.f32 v15, v22  }
0x483: {  	v13 =	vld.idx.msk [tilespmem:v55+s9+$0x0], $0xffff;
	v1 =	vsub.f32 v1, v7  }
0x484: {  	v4 =	vadd.f32 v5, v4;
	v5 =	vmul.f32 v18, v20;
	v18 =	vld [tilespmem:$0x1FEE0]  }
0x485: {  	v16 =	vld.idx.msk [tilespmem:v54+s9+$0x0], $0xffff;
	v2 =	vadd.f32 v2, v25;
	v1 =	vmul.f32 v1, v6  }
0x486: {  	v17 =	vld.idx.msk [tilespmem:v53+s9+$0x0], $0xffff  }
0x487: {  	v44 =	vadd.s32 $0x118C3, v32;
	v25 =	vld.idx.msk [tilespmem:v52+s9+$0x0], $0xffff;
	v2 =	vsub.f32 v2, v14;
	v1 =	vadd.f32 v1, v7  }
0x488: {  	v46 =	vadd.s32 $0x118C2, v32;
	v7 =	vld [tilespmem:$0x1FED0]  }
0x489: {  	[tilespmem:s13+$0xFFFFFFF0] =	vst v1;
	v1 =	vmul.f32 v2, v18;
	v2 =	vsub.f32 v4, v3;
	v4 =	vld [tilespmem:$0x1FEF0]  }
0x48a: {  	v42 =	vadd.s32 $0x11D04, v32;
	v8 =	vadd.f32 v8, v19;
	v19 =	vld.idx.msk [tilespmem:v50+s9+$0x0], $0xffff  }
0x48b: {  	v45 =	vadd.s32 $0x118E3, v32;
	v41 =	vadd.s32 $0x11D03, v32;
	v40 =	vadd.s32 $0x11D24, v32;
	v15 =	vld.idx.msk [tilespmem:v51+s9+$0x0], $0xffff  }
0x48c: {  	v39 =	vadd.s32 $0x11D25, v32;
	v37 =	vadd.s32 $0x11D03, v31;
	v13 =	vsub.f32 v13, v12;
	v51 =	vmovc v30;
	v30 =	vld.idx.msk [tilespmem:v44+s9+$0x0], $0xffff  }
0x48d: {  	v43 =	vadd.s32 $0x118E4, v32;
	v9 =	vadd.f32 v9, v21;
	v7 =	vmul.f32 v7, v20;
	v20 =	vld.idx.msk [tilespmem:v46+s9+$0x0], $0xffff  }
0x48e: {  	v4 =	vadd.f32 v11, v4;
	v11 =	vmul.f32 v13, v26;
	v13 =	vsub.f32 v16, v17;
	v16 =	vld [tilespmem:$0x1FF00]  }
0x48f: {  	v32 =	vadd.s32 $0x118C3, v31;
	v35 =	vadd.s32 $0x118E4, v31;
	v60 =	vld [tilespmem:$0x1FE40];
	v9 =	vsub.f32 v9, v8  }
0x490: {  	v38 =	vadd.s32 $0x11D24, v31;
	v36 =	vadd.s32 $0x11D04, v31;
	v33 =	vadd.s32 $0x118C2, v31;
	v59 =	vld.idx.msk [tilespmem:v49+s9+$0x0], $0xffff  }
0x491: {  	s17 =	sadd.s32 $0x4, s17;
	v34 =	vadd.s32 $0x118E3, v31;
	v21 =	vld.idx.msk [tilespmem:v45+s9+$0x0], $0xffff;
	v5 =	vadd.f32 v5, v22;
	v9 =	vmul.f32 v9, v18  }
0x492: {  	p0 =	slt.u32 s17, $0x44;
	v61 =	vld [tilespmem:$0x1FE70];
	v45 =	vmovc v27;
	v27 =	vsub.f32 v30, v20;
	v2 =	vmul.f32 v2, v10;
	v18 =	vadd.f32 v1, v14  }
.Ltmp4:
0x493: {  	v24 =	vld.idx.msk [tilespmem:v43+s9+$0x0], $0xffff;
	v1 =	vmul.f32 v13, v26;
	v16 =	vadd.f32 v7, v16;
	v7 =	vsub.f32 v19, v25;
	(pc) =	sbr.rel @p0 .LBB2_7-.Ltmp4, $4  }
0x494: {  	v48 =	vmovc v29;
	v49 =	vmov v28;
	v28 =	vld.idx.msk [tilespmem:v42+s9+$0x0], $0xffff;
	v23 =	vadd.f32 v9, v8;
	v2 =	vadd.f32 v2, v3  }
0x495: {  	v22 =	vld.idx.msk [tilespmem:v41+s9+$0x0], $0xffff;
	v3 =	vsub.f32 v59, v15;
	v29 =	vadd.f32 v1, v17;
	v1 =	vmul.f32 v7, v26  }
0x496: {  	v31 =	vadd.s32 $0x11D25, v31;
	[tilespmem:s13+$0x0] =	vst v2;
	v14 =	vadd.f32 v11, v12;
	v17 =	vld.idx.msk [tilespmem:v40+s9+$0x0], $0xffff;
	v19 =	vsub.f32 v4, v63  }
0x497: {  	s0 =	sadd.s32 $0x40, s0;
	v13 =	vsub.f32 v5, v16;
	v26 =	vmul.f32 v3, v26;
	v42 =	vadd.f32 v1, v25;
	v25 =	vld.idx.msk [tilespmem:v39+s9+$0x0], $0xffff  }
0x498: {  	_ =	sdelay $0x3  }
0x499: {  	v1 =	vld.idx.msk [tilespmem:v33+s9+$0x0], $0xffff  }
0x49a: {  	v2 =	vld.idx.msk [tilespmem:v32+s9+$0x0], $0xffff  }
0x49b: {  	v3 =	vld.idx.msk [tilespmem:v34+s9+$0x0], $0xffff  }
0x49c: {  	v4 =	vld.idx.msk [tilespmem:v35+s9+$0x0], $0xffff  }
0x49d: {  	v5 =	vld.idx.msk [tilespmem:v37+s9+$0x0], $0xffff  }
0x49e: {  	v7 =	vsub.f32 v24, v21;
	v8 =	vld.idx.msk [tilespmem:v36+s9+$0x0], $0xffff  }
0x49f: {  	v9 =	vmul.f32 v27, v58;
	v12 =	vld.idx.msk [tilespmem:v38+s9+$0x0], $0xffff;
	v40 =	vsub.f32 v29, v14  }
0x4a0: {  	v41 =	vld.idx.msk [tilespmem:v31+s9+$0x0], $0xffff;
	v23 =	vsub.f32 v23, v18;
	v15 =	vadd.f32 v26, v15;
	v7 =	vmul.f32 v7, v58  }
0x4a1: {  	v11 =	vsub.f32 v28, v22;
	v9 =	vadd.f32 v9, v20  }
0x4a2: {  	v15 =	vsub.f32 v15, v42;
	v7 =	vadd.f32 v7, v21  }
0x4a3: {  	v11 =	vmul.f32 v11, v58;
	v43 =	vsub.f32 v25, v17;
	v2 =	vsub.f32 v2, v1  }
0x4a4: {  	v4 =	vsub.f32 v4, v3;
	v8 =	vsub.f32 v8, v5  }
0x4a5: {  	v44 =	vsub.f32 v41, v12;
	v11 =	vadd.f32 v11, v22;
	v20 =	vmul.f32 v43, v58  }
0x4a6: {  	v7 =	vsub.f32 v7, v9;
	v2 =	vmul.f32 v2, v49;
	v4 =	vmul.f32 v4, v49  }
0x4a7: {  	v8 =	vmul.f32 v8, v49;
	v47 =	vmul.f32 v44, v49;
	v46 =	vadd.f32 v20, v17  }
0x4a8: {  	v1 =	vadd.f32 v2, v1;
	v49 =	vadd.f32 v4, v3  }
0x4a9: {  	v50 =	vadd.f32 v8, v5;
	v52 =	vadd.f32 v47, v12  }
0x4aa: {  	v53 =	vmul.f32 v40, v51;
	v55 =	vmul.f32 v15, v51;
	v54 =	vsub.f32 v46, v11  }
0x4ab: {  	v7 =	vmul.f32 v7, v48;
	v2 =	vsub.f32 v49, v1;
	v4 =	vsub.f32 v52, v50  }
0x4ac: {  	v5 =	vadd.f32 v53, v14;
	v12 =	vadd.f32 v55, v42;
	v8 =	vmul.f32 v54, v48  }
0x4ad: {  	v7 =	vadd.f32 v7, v9;
	v2 =	vmul.f32 v2, v45;
	v4 =	vmul.f32 v4, v45  }
0x4ae: {  	v59 =	vmul.f32 v23, v62;
	v58 =	vsub.f32 v12, v5;
	v8 =	vadd.f32 v8, v11  }
0x4af: {  	v56 =	vmul.f32 v19, v60;
	v1 =	vadd.f32 v2, v1;
	v3 =	vadd.f32 v4, v50  }
0x4b0: {  	v57 =	vmul.f32 v13, v61;
	v60 =	vadd.f32 v59, v18;
	v8 =	vsub.f32 v8, v7  }
0x4b1: {  	v9 =	vadd.f32 v56, v63;
	v0 =	vmul.f32 v58, v0;
	v3 =	vsub.f32 v3, v1  }
0x4b2: {  	[tilespmem:s16+$0x0] =	vst v60;
	v2 =	vadd.f32 v57, v16;
	v6 =	vmul.f32 v8, v6  }
0x4b3: {  	[tilespmem:s16+$0xFFFFFFE0] =	vst v9;
	v0 =	vadd.f32 v0, v5;
	v61 =	vmul.f32 v3, v10  }
0x4b4: {  	[tilespmem:s16+$0xFFFFFFF0] =	vst v2;
	v62 =	vadd.f32 v6, v7  }
0x4b5: {  	[tilespmem:s7+$0xFFFFFFE0] =	vst v0;
	v63 =	vadd.f32 v61, v1  }
0x4b6: {  	[tilespmem:s7+$0xFFFFFFF0] =	vst v62  }
0x4b7: {  	[tilespmem:s7+$0x0] =	vst v63  }
.LBB2_9:
0x4b8: {  	s0 =	sshra.s32 s9, $0x2  }
0x4b9: {  	v0 =	vld [tilespmem:s0+$0x1BB80]  }
0x4ba: {  	v1 =	vld [tilespmem:s0+$0x1C080]  }
0x4bb: {  	v2 =	vld [tilespmem:s0+$0x1C580];
	_ =	sdelay $0x3  }
0x4bc: {  	v0 =	vmul.f32 $3.200000000e+01, v0;
	v1 =	vmul.f32 $3.200000000e+01, v1  }
0x4bd: {  	v2 =	vmul.f32 $3.200000000e+01, v2  }
0x4be: {  	v3 =	vtrunc.f32 v0;
	v4 =	vtrunc.f32 v1  }
0x4bf: {  	v3 =	vcvt.f32.s32 v3;
	v4 =	vcvt.f32.s32 v4;
	_ =	sdelay $0x1  }
0x4c0: {  	v5 =	vtrunc.f32 v2;
	vm0 =	vgt.s32 v3, $0x0;
	vm1 =	vgt.s32 v4, $0x0  }
0x4c1: {  	v5 =	vcvt.f32.s32 v5;
	v3 =	vnsel vm0, $0x0, v3;
	v4 =	vnsel vm1, $0x0, v4  }
0x4c2: {  	v3 =	vmin.u32 v3, $0x1F;
	v4 =	vmin.u32 v4, $0x1F  }
0x4c3: {  	vm15 =	vgt.s32 v5, $0x0;
	v6 =	vmul.u32 $0x441, v3;
	v7 =	vmul.u32 $0x21, v4  }
0x4c4: {  	v5 =	vnsel vm15, $0x0, v5  }
0x4c5: {  	v5 =	vmin.u32 v5, $0x1F;
	v6 =	vadd.s32 v6, v7  }
0x4c6: {  	v6 =	vadd.s32 v5, v6  }
0x4c7: {  	v36 =	vadd.s32 $0x1, v6  }
0x4c8: {  	v8 =	vadd.s32 $0x21, v6  }
0x4c9: {  	v9 =	vadd.s32 $0x22, v6  }
0x4ca: {  	v10 =	vadd.s32 $0x441, v6  }
0x4cb: {  	v12 =	vadd.s32 $0x442, v6;
	v11 =	vld.idx.msk [tilespmem:v6+s3+$0x0], $0xffff  }
0x4cc: {  	v13 =	vadd.s32 $0x462, v6;
	v7 =	vld.idx.msk [tilespmem:v36+s3+$0x0], $0xffff  }
0x4cd: {  	v14 =	vadd.s32 $0x463, v6;
	v8 =	vld.idx.msk [tilespmem:v8+s3+$0x0], $0xffff  }
0x4ce: {  	v9 =	vld.idx.msk [tilespmem:v9+s3+$0x0], $0xffff  }
0x4cf: {  	v10 =	vld.idx.msk [tilespmem:v10+s3+$0x0], $0xffff  }
0x4d0: {  	v12 =	vld.idx.msk [tilespmem:v12+s3+$0x0], $0xffff  }
0x4d1: {  	v13 =	vld.idx.msk [tilespmem:v13+s3+$0x0], $0xffff  }
0x4d2: {  	v14 =	vld.idx.msk [tilespmem:v14+s3+$0x0], $0xffff  }
0x4d3: {  	v5 =	vcvt.s32.f32 v5;
	_ =	sdelay $0x1  }
0x4d4: {  	v2 =	vsub.f32 v2, v5  }
0x4d5: {  	v37 =	vsub.f32 v7, v11;
	v38 =	vsub.f32 v9, v8  }
0x4d6: {  	v39 =	vsub.f32 v12, v10;
	v40 =	vsub.f32 v14, v13  }
0x4d7: {  	v5 =	vmul.f32 v2, v37;
	v7 =	vmul.f32 v2, v38  }
0x4d8: {  	v9 =	vmul.f32 v39, v2;
	v12 =	vmul.f32 v40, v2  }
0x4d9: {  	v4 =	vcvt.s32.f32 v4;
	v5 =	vadd.f32 v5, v11;
	v7 =	vadd.f32 v7, v8  }
0x4da: {  	v41 =	vadd.f32 v9, v10;
	v42 =	vadd.f32 v12, v13  }
0x4db: {  	v1 =	vsub.f32 v1, v4  }
0x4dc: {  	v43 =	vsub.f32 v7, v5;
	v44 =	vsub.f32 v42, v41;
	_ =	sdelay $0x1  }
0x4dd: {  	v4 =	vmul.f32 v43, v1;
	v7 =	vmul.f32 v44, v1;
	_ =	sdelay $0x1  }
0x4de: {  	v3 =	vcvt.s32.f32 v3;
	v4 =	vadd.f32 v4, v5;
	v45 =	vadd.f32 v7, v41;
	_ =	sdelay $0x1  }
0x4df: {  	v0 =	vsub.f32 v0, v3;
	v46 =	vsub.f32 v45, v4;
	_ =	sdelay $0x1  }
0x4e0: {  	v47 =	vadd.s32 $0x8C61, v6;
	v3 =	vmul.f32 v46, v0  }
0x4e1: {  	v48 =	vadd.s32 $0x8C62, v6  }
0x4e2: {  	v49 =	vadd.s32 $0x8C82, v6;
	v3 =	vadd.f32 v3, v4  }
0x4e3: {  	v50 =	vadd.s32 $0x8C83, v6  }
0x4e4: {  	v51 =	vadd.s32 $0x90A2, v6;
	[tilespmem:s0+$0x1D980] =	vst v3  }
0x4e5: {  	v52 =	vadd.s32 $0x90A3, v6;
	v5 =	vld.idx.msk [tilespmem:v47+s3+$0x0], $0xffff  }
0x4e6: {  	v53 =	vadd.s32 $0x90C3, v6;
	v7 =	vld.idx.msk [tilespmem:v48+s3+$0x0], $0xffff  }
0x4e7: {  	v54 =	vadd.s32 $0x90C4, v6;
	v4 =	vld.idx.msk [tilespmem:v49+s3+$0x0], $0xffff  }
0x4e8: {  	v8 =	vld.idx.msk [tilespmem:v50+s3+$0x0], $0xffff  }
0x4e9: {  	v3 =	vld.idx.msk [tilespmem:v51+s3+$0x0], $0xffff  }
0x4ea: {  	v9 =	vld.idx.msk [tilespmem:v52+s3+$0x0], $0xffff  }
0x4eb: {  	v10 =	vld.idx.msk [tilespmem:v53+s3+$0x0], $0xffff  }
0x4ec: {  	v11 =	vld.idx.msk [tilespmem:v54+s3+$0x0], $0xffff;
	_ =	sdelay $0x3  }
0x4ed: {  	v7 =	vsub.f32 v7, v5;
	v8 =	vsub.f32 v8, v4  }
0x4ee: {  	v9 =	vsub.f32 v9, v3;
	v11 =	vsub.f32 v11, v10  }
0x4ef: {  	v7 =	vmul.f32 v7, v2;
	v8 =	vmul.f32 v8, v2  }
0x4f0: {  	v9 =	vmul.f32 v9, v2;
	v11 =	vmul.f32 v11, v2  }
0x4f1: {  	v5 =	vadd.f32 v7, v5;
	v4 =	vadd.f32 v8, v4  }
0x4f2: {  	v3 =	vadd.f32 v9, v3;
	v55 =	vadd.f32 v11, v10;
	_ =	sdelay $0x1  }
0x4f3: {  	v4 =	vsub.f32 v4, v5;
	v7 =	vsub.f32 v55, v3;
	_ =	sdelay $0x1  }
0x4f4: {  	v4 =	vmul.f32 v4, v1;
	v7 =	vmul.f32 v7, v1;
	_ =	sdelay $0x1  }
0x4f5: {  	v4 =	vadd.f32 v4, v5;
	v3 =	vadd.f32 v7, v3;
	_ =	sdelay $0x1  }
0x4f6: {  	v3 =	vsub.f32 v3, v4;
	_ =	sdelay $0x1  }
0x4f7: {  	v56 =	vadd.s32 $0x118C2, v6;
	v3 =	vmul.f32 v3, v0  }
0x4f8: {  	v57 =	vadd.s32 $0x118C3, v6  }
0x4f9: {  	v58 =	vadd.s32 $0x118E3, v6;
	v3 =	vadd.f32 v3, v4  }
0x4fa: {  	v59 =	vadd.s32 $0x118E4, v6  }
0x4fb: {  	v60 =	vadd.s32 $0x11D03, v6;
	[tilespmem:s0+$0x1DE80] =	vst v3  }
0x4fc: {  	v61 =	vadd.s32 $0x11D04, v6;
	v5 =	vld.idx.msk [tilespmem:v56+s3+$0x0], $0xffff  }
0x4fd: {  	v62 =	vadd.s32 $0x11D24, v6;
	v7 =	vld.idx.msk [tilespmem:v57+s3+$0x0], $0xffff  }
0x4fe: {  	v6 =	vadd.s32 $0x11D25, v6;
	v4 =	vld.idx.msk [tilespmem:v58+s3+$0x0], $0xffff  }
0x4ff: {  	v8 =	vld.idx.msk [tilespmem:v59+s3+$0x0], $0xffff  }
0x500: {  	v3 =	vld.idx.msk [tilespmem:v60+s3+$0x0], $0xffff  }
0x501: {  	v9 =	vld.idx.msk [tilespmem:v61+s3+$0x0], $0xffff  }
0x502: {  	v10 =	vld.idx.msk [tilespmem:v62+s3+$0x0], $0xffff  }
0x503: {  	v6 =	vld.idx.msk [tilespmem:v6+s3+$0x0], $0xffff;
	_ =	sdelay $0x3  }
0x504: {  	v7 =	vsub.f32 v7, v5;
	v8 =	vsub.f32 v8, v4  }
0x505: {  	v9 =	vsub.f32 v9, v3;
	v6 =	vsub.f32 v6, v10  }
0x506: {  	v7 =	vmul.f32 v7, v2;
	v8 =	vmul.f32 v8, v2  }
0x507: {  	v9 =	vmul.f32 v9, v2;
	v2 =	vmul.f32 v6, v2  }
0x508: {  	v5 =	vadd.f32 v7, v5;
	v4 =	vadd.f32 v8, v4  }
0x509: {  	v3 =	vadd.f32 v9, v3;
	v2 =	vadd.f32 v2, v10;
	_ =	sdelay $0x1  }
0x50a: {  	v4 =	vsub.f32 v4, v5;
	v2 =	vsub.f32 v2, v3;
	_ =	sdelay $0x1  }
0x50b: {  	v4 =	vmul.f32 v4, v1;
	v1 =	vmul.f32 v2, v1;
	_ =	sdelay $0x1  }
0x50c: {  	v63 =	vadd.f32 v4, v5;
	v1 =	vadd.f32 v1, v3;
	_ =	sdelay $0x1  }
0x50d: {  	v1 =	vsub.f32 v1, v63  }
0x50e: {  	p0 =	sne.s32 s9, $0x80  }
.Ltmp5:
0x50f: {  	v0 =	vmul.f32 v1, v0;
	(pc) =	sbr.rel @p0 .LBB2_9-.Ltmp5, $3  }
0x510: {  	_ = 	snop  }
0x511: {  	v0 =	vadd.f32 v0, v63;
	_ =	sdelay $0x1  }
0x512: {  	s9 =	sadd.s32 $0x40, s9;
	[tilespmem:s0+$0x1E380] =	vst v0  }
0x513: {  	s0 =	sadd.s32 s5, s8  }
0x514: {  	s0 =	sshrl.u32 s0, $0x3  }
0x515: {  	s0 =	sadd.s32 s6, s0  }
0x516: {  	[hbm4b:s0+s3] =	stream.linear.scatter [tilespmem:s30], [sflag:$0x4], $0x4B0, $0x38;
	[tilespmem:$0x1E400] =	vst v63  }
.Ltmp6:
0x517: {  	_ = 	snop;
	(pc) =	sbr.rel @p1 .LBB2_12-.Ltmp6, $4  }
0x518: {  	s7 =	sadd.s32 $0x3F480, s0  }
0x519: {  	[hbm4b:s7+s3] =	stream.linear.scatter [tilespmem:s31], [sflag:$0x4], $0x4B0, $0x38;
	[tilespmem:$0x1E400] =	vst v63  }
0x51a: {  	s0 =	sadd.s32 $0x7E900, s0  }
0x51b: {  	[hbm4b:s0+s3] =	stream.linear.scatter [tilespmem:s1], [sflag:$0x4], $0x4B0, $0x38;
	[tilespmem:$0x1E400] =	vst v63  }
0x51c: {  	s0 =	sadd.s32 s5, s15  }
0x51d: {  	s0 =	sshrl.u32 s0, $0x3  }
0x51e: {  	s0 =	sadd.s32 s2, s0  }
0x51f: {  	[tilespmem:s21], [sflag:$0x2] =	stream.linear.gather [hbm4b:s0+s3], $0x4B0, $0x38;
	[tilespmem:$0x1E400] =	vst v63  }
.Ltmp7:
0x520: {  	_ = 	snop;
	(pc) =	sbr.rel .LBB2_2-.Ltmp7, $4  }
0x521: {  	s17 =	sadd.s32 $0x3F480, s0  }
0x522: {  	[tilespmem:s22], [sflag:$0x2] =	stream.linear.gather [hbm4b:s17+s3], $0x4B0, $0x38;
	[tilespmem:$0x1E400] =	vst v63  }
0x523: {  	s20 =	sadd.s32 $0x1, s20;
	s0 =	sadd.s32 $0x7E900, s0  }
0x524: {  	[tilespmem:s23], [sflag:$0x2] =	stream.linear.gather [hbm4b:s0+s3], $0x4B0, $0x38;
	[tilespmem:$0x1E400] =	vst v63  }
.LBB2_13:
0x525: {  	_ =	sfence.sel $0x180000  }
0x526: {  	[bflag:$0x0] =	sbarrier.arrive $0xFFFF  }
0x527: {  	_ =	strace $0x90000047  }
0x528: {  	s0 =	stileid.u32;
	[bflag:$0x2] =	sbarrier.arrive $0xFFFF  }
0x529: {  	p0 =	sne.s32 s0, $0x0;
	s0 =	rddreg [dreg:$0x2]  }
0x52a: {  	s0 =	sadd.s32 @!p0 $0x100000, s0  }
0x52b: {  	[sflag:s0] =	ssyncadd.tile.s32 @!p0 $0x1;
	_ =	shalt  }
.Lfunc_end2:
_tile_overlayer_lowered:
.L_overlay_start_2:
0x52c: {  	(tag) =	ssettag $0x2  }
0x52d: {  	s0 =	rddreg [dreg:$0x0];
	s2 =	stileid.u32  }
0x52e: {  	s1 =	rddreg [dreg:$0x1];
	p0 =	sne.s32 s2, $0x0  }
0x52f: {  	s3 =	rddreg [dreg:$0x2];
	[bflag:$0x3] =	sbarrier.arrive $0xFFFF;
	s2 =	simm.s32 @!p0 $0x1C05  }
0x530: {  	[timem:s3], [sflag:s2] =	dma.local @!p0 [hbm:s0], s1  }
0x531: {  	s0 =	simm.s32 @!p0 $0x5  }
0x532: {  	_ =	swait.ge @!p0 [sflag:s0], s1  }
0x533: {  	s1 =	ssub.s32 @!p0 $0x0, s1;
	[sflag:s0] =	ssyncset.done @!p0 $0x0  }
0x534: {  	[sflag:s0] =	ssyncadd.s32 @!p0 s1  }
0x535: {  	[bflag:$0x3] =	sbarrier.arrive $0xFFFF  }
0x536: {  	_ =	shalt  }

</sc_bundles>
